<compile_context>
chip_gen: v7x
topology: tpu7x:2x2x1
jax: 0.10.2.dev20260603
libtpu: 0.0.44.dev20260713+nightly
codegen_flags: <defaults>
</compile_context>

<pallas_src>
import functools

import jax
import jax.numpy as jnp
from jax import lax
from jax.experimental import pallas as pl
from jax.experimental.pallas import tpu as pltpu
from jax.experimental.pallas import tpu_sc as plsc

_K = 8
_L = 16
_CH = 16
_GRP = 16
_AUNR = 2
_NC = 2
_NS = 16
_NW = _NC * _NS


def _sort_desc(v):
    s, _ = plsc.sort_key_val(v, v, descending=True)
    return s


def _merge_desc(a, b):
    t = jnp.maximum(a, lax.rev(b, (0,)))
    return _sort_desc(t)


_PAIRS8 = (
    (0, 1), (2, 3), (4, 5), (6, 7),
    (0, 2), (1, 3), (4, 6), (5, 7),
    (1, 2), (5, 6),
    (0, 4), (1, 5), (2, 6), (3, 7),
    (2, 4), (3, 5),
    (1, 2), (3, 4), (5, 6),
)


def _sort8_desc(vs):
    vs = list(vs)
    for i, j in _PAIRS8:
        hi = jnp.maximum(vs[i], vs[j])
        lo = jnp.minimum(vs[i], vs[j])
        vs[i], vs[j] = hi, lo
    return vs


def _merge8_desc(ms, bs):
    t = [jnp.maximum(ms[i], bs[7 - i]) for i in range(8)]
    for d in (4, 2, 1):
        for i in range(8):
            if i % (2 * d) < d:
                hi = jnp.maximum(t[i], t[i + d])
                lo = jnp.minimum(t[i], t[i + d])
                t[i], t[i + d] = hi, lo
    return tuple(t)


def _tree_max(vs):
    while len(vs) > 1:
        vs = [jnp.maximum(vs[2 * j], vs[2 * j + 1]) for j in range(len(vs) // 2)]
    return vs[0]


def kernel(scores):
    rows, n = scores.shape
    rows_per_w = rows // _NW
    nvec = n // _L
    nch = nvec // _CH
    ngrp = nch // _GRP
    mesh = plsc.VectorSubcoreMesh(core_axis_name="c", subcore_axis_name="s")

    @functools.partial(
        pl.kernel,
        out_type=jax.ShapeDtypeStruct((rows * _K,), jnp.float32),
        mesh=mesh,
        scratch_types=[
            pltpu.VMEM((n,), jnp.float32),
            pltpu.VMEM((n,), jnp.float32),
            pltpu.VMEM((_L * (nch + 1),), jnp.float32),
            pltpu.VMEM((nch + _L,), jnp.int32),
            pltpu.VMEM((2 * _L,), jnp.float32),
            pltpu.VMEM((rows_per_w * _K,), jnp.float32),
            pltpu.SemaphoreType.DMA,
            pltpu.SemaphoreType.DMA,
        ],
        compiler_params=pltpu.CompilerParams(needs_layout_passes=False),
    )
    def _topk(
        scores_hbm,
        out_hbm,
        rowbuf0,
        rowbuf1,
        cmaxt,
        hitbuf,
        packbuf,
        outbuf,
        sem0,
        sem1,
    ):
        cid = lax.axis_index("c")
        sid = lax.axis_index("s")
        base = (sid * _NC + cid) * rows_per_w
        bufs = (rowbuf0, rowbuf1)
        sems = (sem0, sem1)

        lane = lax.iota(jnp.int32, _L)
        scat_base = lane * (nch + 1)
        neg = jnp.full((_L,), -jnp.inf, jnp.float32)

        npair = rows_per_w // 2
        pltpu.make_async_copy(scores_hbm.at[base], rowbuf0, sem0).start()

        def row_pair(t, carry):
            finals = []
            for half in range(2):
                r = t * 2 + half
                rb = bufs[half]
                with jax.named_scope("dma_wait"):
                    pltpu.make_async_copy(
                        scores_hbm.at[base + r], rb, sems[half]
                    ).wait()
                if half == 0:

                    @pl.when(t == 0)
                    def _():
                        pltpu.make_async_copy(
                            scores_hbm.at[base + 1], rowbuf1, sem1
                        ).start()

                init = tuple(neg for _ in range(_K))

                def chunk_max(cb, m):
                    cms = []
                    for h in range(_AUNR):
                        c = cb * _AUNR + h
                        bv = c * (_CH * _L)
                        cm = _tree_max(
                            [rb[pl.ds(bv + j * _L, _L)] for j in range(_CH)]
                        )
                        plsc.store_scatter(cmaxt, [scat_base + c], cm)
                        cms.append(cm)
                    return jnp.maximum(m, _tree_max(cms))

                with jax.named_scope("passA"):
                    m = lax.fori_loop(0, nch // _AUNR, chunk_max, neg)

                sm = _sort_desc(m)
                tau = lax.reduce_max(
                    jnp.where(lane >= _K - 1, sm, -jnp.inf), (0,)
                )

                def find_hits(g, ptr):
                    acc = _tree_max(
                        [
                            cmaxt[pl.ds(l * (nch + 1) + g * _GRP, _L)]
                            for l in range(_L)
                        ]
                    )
                    hits = acc >= tau
                    pop = plsc.all_reduce_population_count(hits)
                    plsc.store_compressed(
                        hitbuf.at[pl.ds(ptr, _L)], g * _GRP + lane, mask=hits
                    )
                    return ptr + pop[0]

                with jax.named_scope("passB1"):
                    nhit = lax.fori_loop(0, ngrp, find_hits, jnp.int32(0))

                def insert_hit(i, ms):
                    c = hitbuf[pl.ds(i, _L)][0]
                    bv = c * (_CH * _L)
                    out = ms
                    for g in range(_CH // 8):
                        vs = [
                            rb[pl.ds(bv + (g * 8 + j) * _L, _L)]
                            for j in range(8)
                        ]
                        out = _merge8_desc(out, _sort8_desc(vs))
                    return out

                with jax.named_scope("passB2"):
                    ms = lax.fori_loop(0, nhit, insert_hit, init)

                @pl.when(t < npair - 1)
                def _():
                    pltpu.make_async_copy(
                        scores_hbm.at[base + r + 2], rb, sems[half]
                    ).start()

                with jax.named_scope("select"):
                    s = [_sort_desc(mv) for mv in ms]
                    s = [_merge_desc(s[2 * j], s[2 * j + 1]) for j in range(4)]
                    s = [_merge_desc(s[0], s[1]), _merge_desc(s[2], s[3])]
                    finals.append(_merge_desc(s[0], s[1]))

            packbuf[pl.ds(0, _L)] = finals[0]
            packbuf[pl.ds(_K, _L)] = finals[1]
            outbuf[pl.ds(t * _L, _L)] = packbuf[pl.ds(0, _L)]
            return carry

        lax.fori_loop(0, npair, row_pair, jnp.int32(0))
        pltpu.sync_copy(outbuf, out_hbm.at[pl.ds(base * _K, rows_per_w * _K)])

    out = _topk(scores)
    return out.reshape(rows, _K)

# --- scband reference (transcript-rebuilt; emitter-appended) ---
"""Pipeline reference for scband-kmax-pooling-738734375339 (READ-ONLY COPY).

The authoritative reference and input builder live on the scoring server;
editing this copy changes nothing except your own understanding.
"""

import jax, jax.numpy as jnp
import numpy as np

K = 8

def setup_inputs(seed: int = 0) -> dict:
    key = jax.random.key(seed)
    scores = jax.random.normal(key, (128, 32768), dtype=jnp.float32)
    return {"scores": scores}

def reference(scores):
    # KMaxPooling.call: top_k values along last axis, then reshape to (batch, -1).
    # tf.nn.top_k(sorted=False) selects the same set of elements as sorted top_k;
    # jax.lax.top_k returns them sorted, which is an equivalent selection.
    vals, _ = jax.lax.top_k(scores, K)
    return vals.reshape(scores.shape[0], -1)

if __name__ == "__main__":
    import jax
    _d = setup_inputs()
    print(jax.jit(kernel)(*tuple(_d.values())))

</pallas_src>

<mosaic_0001>
#map = affine_map<(d0, d1) -> (0, 0)>
#map1 = affine_map<(d0, d1) -> (0)>
module attributes {stable_mosaic.version = 14 : i64} {
  func.func @_topk(%arg0: i32, %arg1: i32, %arg2: memref<128x32768xf32, #tpu.memory_space<hbm>>, %arg3: memref<1024xf32, #tpu.memory_space<hbm>>, %arg4: memref<32768xf32, #tpu.memory_space<vmem>>, %arg5: memref<32768xf32, #tpu.memory_space<vmem>>, %arg6: memref<2064xf32, #tpu.memory_space<vmem>>, %arg7: memref<144xi32, #tpu.memory_space<vmem>>, %arg8: memref<32xf32, #tpu.memory_space<vmem>>, %arg9: memref<32xf32, #tpu.memory_space<vmem>>, %arg10: memref<!tpu.dma_semaphore, #tpu.memory_space<semaphore_mem>>, %arg11: memref<!tpu.dma_semaphore, #tpu.memory_space<semaphore_mem>>) attributes {dimension_semantics = [#tpu.dimension_semantics<core_parallel>, #tpu.dimension_semantics<subcore_parallel>], iteration_bounds = array<i64: 2, 16>, scalar_prefetch = 0 : i64, scratch_operands = 8 : i64, tpu.core_type = #tpu.core_type<sc_vector_subcore>, window_params = [{transform_indices = #map}, {transform_indices = #map1}]} {
    %mul3A = arith.constant 2 : i32
    %mul3A_0 = arith.muli %arg1, %mul3A : i32
    %add3A = arith.addi %mul3A_0, %arg0 : i32
    %mul3A_1 = arith.constant 4 : i32
    %mul3A_2 = arith.muli %add3A, %mul3A_1 : i32
    %iota3A = tpu.iota {dimensions = array<i32: 0>} : vector<16xi32>
    %mul3A_3 = arith.constant 129 : i32
    %mul3A_4 = vector.broadcast %mul3A_3 : i32 to vector<16xi32>
    %mul3A_5 = arith.muli %iota3A, %mul3A_4 : vector<16xi32>
    %broadcast_in_dim3A = arith.constant 0xFF800000 : f32
    %broadcast_in_dim3A_6 = vector.broadcast %broadcast_in_dim3A : f32 to vector<16xf32>
    %dma_start3A = arith.constant 0 : i32
    %dma_start3A_7 = tpu.memref_slice %arg2[%mul3A_2, %dma_start3A] : memref<128x32768xf32, #tpu.memory_space<hbm>> -> memref<1x32768xf32, #tpu.memory_space<hbm>>
    %dma_start3A_8 = tpu.memref_squeeze %dma_start3A_7 : memref<1x32768xf32, #tpu.memory_space<hbm>> -> memref<32768xf32, #tpu.memory_space<hbm>>
    %dma_start3A_9 = arith.constant 0 : i32
    %dma_start3A_10 = tpu.memref_slice %arg2[%mul3A_2, %dma_start3A_9] : memref<128x32768xf32, #tpu.memory_space<hbm>> -> memref<1x32768xf32, #tpu.memory_space<hbm>>
    %dma_start3A_11 = tpu.memref_squeeze %dma_start3A_10 : memref<1x32768xf32, #tpu.memory_space<hbm>> -> memref<32768xf32, #tpu.memory_space<hbm>>
    tpu.enqueue_dma source(%dma_start3A_11 : memref<32768xf32, #tpu.memory_space<hbm>>) target(%arg4 : memref<32768xf32, #tpu.memory_space<vmem>>) target_semaphore(%arg10 : memref<!tpu.dma_semaphore, #tpu.memory_space<semaphore_mem>>)
    %scan3A = arith.constant 0 : i32
    %scan3A_12 = arith.constant 0 : i32
    %scan3A_13 = arith.constant 2 : i32
    %scan3A_14 = arith.addi %scan3A_12, %scan3A_13 : i32
    %scan3A_15 = arith.constant 1 : i32
    scf.for %scan3A_19 = %scan3A_12 to %scan3A_14 step %scan3A_15  : i32 {
      %mul3A_20 = arith.constant 2 : i32
      %mul3A_21 = arith.muli %scan3A_19, %mul3A_20 : i32
      %add3A_22 = arith.constant 0 : i32
      %add3A_23 = arith.addi %mul3A_21, %add3A_22 : i32
      "tpu.trace_start"() <{level = 10 : i32, message = "dma_wait"}> : () -> ()
      %add3A_24 = arith.addi %mul3A_2, %add3A_23 : i32
      %dma_wait3A = arith.constant 0 : i32
      %dma_wait3A_25 = tpu.memref_slice %arg2[%add3A_24, %dma_wait3A] : memref<128x32768xf32, #tpu.memory_space<hbm>> -> memref<1x32768xf32, #tpu.memory_space<hbm>>
      %dma_wait3A_26 = tpu.memref_squeeze %dma_wait3A_25 : memref<1x32768xf32, #tpu.memory_space<hbm>> -> memref<32768xf32, #tpu.memory_space<hbm>>
      %dma_wait3A_27 = arith.constant 0 : i32
      %dma_wait3A_28 = tpu.memref_slice %arg2[%add3A_24, %dma_wait3A_27] : memref<128x32768xf32, #tpu.memory_space<hbm>> -> memref<1x32768xf32, #tpu.memory_space<hbm>>
      %dma_wait3A_29 = tpu.memref_squeeze %dma_wait3A_28 : memref<1x32768xf32, #tpu.memory_space<hbm>> -> memref<32768xf32, #tpu.memory_space<hbm>>
      tpu.wait_dma2 semaphore(%arg10 : memref<!tpu.dma_semaphore, #tpu.memory_space<semaphore_mem>>) src(%dma_wait3A_29 : memref<32768xf32, #tpu.memory_space<hbm>>) dst(%arg4 : memref<32768xf32, #tpu.memory_space<vmem>>)
      %eq3A = arith.constant 0 : i32
      "tpu.trace_stop"() : () -> ()
      %eq3A_30 = arith.cmpi eq, %scan3A_19, %eq3A : i32
      %convert_element_type3A = arith.extui %eq3A_30 : i1 to i32
      %cond3A = arith.constant 0 : i32
      %cond3A_31 = arith.cmpi ne, %convert_element_type3A, %cond3A : i32
      scf.if %cond3A_31 {
        %add3A_332 = arith.constant 1 : i32
        %add3A_333 = arith.addi %mul3A_2, %add3A_332 : i32
        %dma_start3A_334 = arith.constant 0 : i32
        %dma_start3A_335 = tpu.memref_slice %arg2[%add3A_333, %dma_start3A_334] : memref<128x32768xf32, #tpu.memory_space<hbm>> -> memref<1x32768xf32, #tpu.memory_space<hbm>>
        %dma_start3A_336 = tpu.memref_squeeze %dma_start3A_335 : memref<1x32768xf32, #tpu.memory_space<hbm>> -> memref<32768xf32, #tpu.memory_space<hbm>>
        %dma_start3A_337 = arith.constant 0 : i32
        %dma_start3A_338 = tpu.memref_slice %arg2[%add3A_333, %dma_start3A_337] : memref<128x32768xf32, #tpu.memory_space<hbm>> -> memref<1x32768xf32, #tpu.memory_space<hbm>>
        %dma_start3A_339 = tpu.memref_squeeze %dma_start3A_338 : memref<1x32768xf32, #tpu.memory_space<hbm>> -> memref<32768xf32, #tpu.memory_space<hbm>>
        tpu.enqueue_dma source(%dma_start3A_339 : memref<32768xf32, #tpu.memory_space<hbm>>) target(%arg5 : memref<32768xf32, #tpu.memory_space<vmem>>) target_semaphore(%arg11 : memref<!tpu.dma_semaphore, #tpu.memory_space<semaphore_mem>>)
      } else {
      }
      "tpu.trace_start"() <{level = 10 : i32, message = "passA"}> : () -> ()
      %scan3A_32 = arith.constant 0 : i32
      %scan3A_33 = arith.constant 64 : i32
      %scan3A_34 = arith.addi %scan3A_32, %scan3A_33 : i32
      %scan3A_35 = arith.constant 1 : i32
      %scan3A_36 = scf.for %scan3A_332 = %scan3A_32 to %scan3A_34 step %scan3A_35 iter_args(%scan3A_333 = %broadcast_in_dim3A_6) -> (vector<16xf32>)  : i32 {
        %mul3A_334 = arith.constant 2 : i32
        %mul3A_335 = arith.muli %scan3A_332, %mul3A_334 : i32
        %add3A_336 = arith.constant 0 : i32
        %add3A_337 = arith.addi %mul3A_335, %add3A_336 : i32
        %mul3A_338 = arith.constant 256 : i32
        %mul3A_339 = arith.muli %add3A_337, %mul3A_338 : i32
        %add3A_340 = arith.constant 0 : i32
        %add3A_341 = arith.addi %mul3A_339, %add3A_340 : i32
        %get3A_342 = arith.index_cast %add3A_341 : i32 to index
        %get3A_343 = tpu.vector_load %arg4[%get3A_342] {strides = array<i32>} : memref<32768xf32, #tpu.memory_space<vmem>>, vector<16xf32>,
        %add3A_344 = arith.constant 16 : i32
        %add3A_345 = arith.addi %mul3A_339, %add3A_344 : i32
        %get3A_346 = arith.index_cast %add3A_345 : i32 to index
        %get3A_347 = tpu.vector_load %arg4[%get3A_346] {strides = array<i32>} : memref<32768xf32, #tpu.memory_space<vmem>>, vector<16xf32>,
        %add3A_348 = arith.constant 32 : i32
        %add3A_349 = arith.addi %mul3A_339, %add3A_348 : i32
        %get3A_350 = arith.index_cast %add3A_349 : i32 to index
        %get3A_351 = tpu.vector_load %arg4[%get3A_350] {strides = array<i32>} : memref<32768xf32, #tpu.memory_space<vmem>>, vector<16xf32>,
        %add3A_352 = arith.constant 48 : i32
        %add3A_353 = arith.addi %mul3A_339, %add3A_352 : i32
        %get3A_354 = arith.index_cast %add3A_353 : i32 to index
        %get3A_355 = tpu.vector_load %arg4[%get3A_354] {strides = array<i32>} : memref<32768xf32, #tpu.memory_space<vmem>>, vector<16xf32>,
        %add3A_356 = arith.constant 64 : i32
        %add3A_357 = arith.addi %mul3A_339, %add3A_356 : i32
        %get3A_358 = arith.index_cast %add3A_357 : i32 to index
        %get3A_359 = tpu.vector_load %arg4[%get3A_358] {strides = array<i32>} : memref<32768xf32, #tpu.memory_space<vmem>>, vector<16xf32>,
        %add3A_360 = arith.constant 80 : i32
        %add3A_361 = arith.addi %mul3A_339, %add3A_360 : i32
        %get3A_362 = arith.index_cast %add3A_361 : i32 to index
        %get3A_363 = tpu.vector_load %arg4[%get3A_362] {strides = array<i32>} : memref<32768xf32, #tpu.memory_space<vmem>>, vector<16xf32>,
        %add3A_364 = arith.constant 96 : i32
        %add3A_365 = arith.addi %mul3A_339, %add3A_364 : i32
        %get3A_366 = arith.index_cast %add3A_365 : i32 to index
        %get3A_367 = tpu.vector_load %arg4[%get3A_366] {strides = array<i32>} : memref<32768xf32, #tpu.memory_space<vmem>>, vector<16xf32>,
        %add3A_368 = arith.constant 112 : i32
        %add3A_369 = arith.addi %mul3A_339, %add3A_368 : i32
        %get3A_370 = arith.index_cast %add3A_369 : i32 to index
        %get3A_371 = tpu.vector_load %arg4[%get3A_370] {strides = array<i32>} : memref<32768xf32, #tpu.memory_space<vmem>>, vector<16xf32>,
        %add3A_372 = arith.constant 128 : i32
        %add3A_373 = arith.addi %mul3A_339, %add3A_372 : i32
        %get3A_374 = arith.index_cast %add3A_373 : i32 to index
        %get3A_375 = tpu.vector_load %arg4[%get3A_374] {strides = array<i32>} : memref<32768xf32, #tpu.memory_space<vmem>>, vector<16xf32>,
        %add3A_376 = arith.constant 144 : i32
        %add3A_377 = arith.addi %mul3A_339, %add3A_376 : i32
        %get3A_378 = arith.index_cast %add3A_377 : i32 to index
        %get3A_379 = tpu.vector_load %arg4[%get3A_378] {strides = array<i32>} : memref<32768xf32, #tpu.memory_space<vmem>>, vector<16xf32>,
        %add3A_380 = arith.constant 160 : i32
        %add3A_381 = arith.addi %mul3A_339, %add3A_380 : i32
        %get3A_382 = arith.index_cast %add3A_381 : i32 to index
        %get3A_383 = tpu.vector_load %arg4[%get3A_382] {strides = array<i32>} : memref<32768xf32, #tpu.memory_space<vmem>>, vector<16xf32>,
        %add3A_384 = arith.constant 176 : i32
        %add3A_385 = arith.addi %mul3A_339, %add3A_384 : i32
        %get3A_386 = arith.index_cast %add3A_385 : i32 to index
        %get3A_387 = tpu.vector_load %arg4[%get3A_386] {strides = array<i32>} : memref<32768xf32, #tpu.memory_space<vmem>>, vector<16xf32>,
        %add3A_388 = arith.constant 192 : i32
        %add3A_389 = arith.addi %mul3A_339, %add3A_388 : i32
        %get3A_390 = arith.index_cast %add3A_389 : i32 to index
        %get3A_391 = tpu.vector_load %arg4[%get3A_390] {strides = array<i32>} : memref<32768xf32, #tpu.memory_space<vmem>>, vector<16xf32>,
        %add3A_392 = arith.constant 208 : i32
        %add3A_393 = arith.addi %mul3A_339, %add3A_392 : i32
        %get3A_394 = arith.index_cast %add3A_393 : i32 to index
        %get3A_395 = tpu.vector_load %arg4[%get3A_394] {strides = array<i32>} : memref<32768xf32, #tpu.memory_space<vmem>>, vector<16xf32>,
        %add3A_396 = arith.constant 224 : i32
        %add3A_397 = arith.addi %mul3A_339, %add3A_396 : i32
        %get3A_398 = arith.index_cast %add3A_397 : i32 to index
        %get3A_399 = tpu.vector_load %arg4[%get3A_398] {strides = array<i32>} : memref<32768xf32, #tpu.memory_space<vmem>>, vector<16xf32>,
        %add3A_400 = arith.constant 240 : i32
        %add3A_401 = arith.addi %mul3A_339, %add3A_400 : i32
        %get3A_402 = arith.index_cast %add3A_401 : i32 to index
        %get3A_403 = tpu.vector_load %arg4[%get3A_402] {strides = array<i32>} : memref<32768xf32, #tpu.memory_space<vmem>>, vector<16xf32>,
        %max3A_404 = arith.maximumf %get3A_343, %get3A_347 : vector<16xf32>
        %max3A_405 = arith.maximumf %get3A_351, %get3A_355 : vector<16xf32>
        %max3A_406 = arith.maximumf %get3A_359, %get3A_363 : vector<16xf32>
        %max3A_407 = arith.maximumf %get3A_367, %get3A_371 : vector<16xf32>
        %max3A_408 = arith.maximumf %get3A_375, %get3A_379 : vector<16xf32>
        %max3A_409 = arith.maximumf %get3A_383, %get3A_387 : vector<16xf32>
        %max3A_410 = arith.maximumf %get3A_391, %get3A_395 : vector<16xf32>
        %max3A_411 = arith.maximumf %get3A_399, %get3A_403 : vector<16xf32>
        %max3A_412 = arith.maximumf %max3A_404, %max3A_405 : vector<16xf32>
        %max3A_413 = arith.maximumf %max3A_406, %max3A_407 : vector<16xf32>
        %max3A_414 = arith.maximumf %max3A_408, %max3A_409 : vector<16xf32>
        %max3A_415 = arith.maximumf %max3A_410, %max3A_411 : vector<16xf32>
        %max3A_416 = arith.maximumf %max3A_412, %max3A_413 : vector<16xf32>
        %max3A_417 = arith.maximumf %max3A_414, %max3A_415 : vector<16xf32>
        %max3A_418 = arith.maximumf %max3A_416, %max3A_417 : vector<16xf32>
        %add3A_419 = vector.broadcast %add3A_337 : i32 to vector<16xi32>
        %add3A_420 = arith.addi %mul3A_5, %add3A_419 : vector<16xi32>
        tpu.vector_store_idx %arg6[%add3A_420], %max3A_418 : memref<2064xf32, #tpu.memory_space<vmem>>[vector<16xi32>], vector<16xf32>,
        %mul3A_421 = arith.constant 2 : i32
        %mul3A_422 = arith.muli %scan3A_332, %mul3A_421 : i32
        %add3A_423 = arith.constant 1 : i32
        %add3A_424 = arith.addi %mul3A_422, %add3A_423 : i32
        %mul3A_425 = arith.constant 256 : i32
        %mul3A_426 = arith.muli %add3A_424, %mul3A_425 : i32
        %add3A_427 = arith.constant 0 : i32
        %add3A_428 = arith.addi %mul3A_426, %add3A_427 : i32
        %get3A_429 = arith.index_cast %add3A_428 : i32 to index
        %get3A_430 = tpu.vector_load %arg4[%get3A_429] {strides = array<i32>} : memref<32768xf32, #tpu.memory_space<vmem>>, vector<16xf32>,
        %add3A_431 = arith.constant 16 : i32
        %add3A_432 = arith.addi %mul3A_426, %add3A_431 : i32
        %get3A_433 = arith.index_cast %add3A_432 : i32 to index
        %get3A_434 = tpu.vector_load %arg4[%get3A_433] {strides = array<i32>} : memref<32768xf32, #tpu.memory_space<vmem>>, vector<16xf32>,
        %add3A_435 = arith.constant 32 : i32
        %add3A_436 = arith.addi %mul3A_426, %add3A_435 : i32
        %get3A_437 = arith.index_cast %add3A_436 : i32 to index
        %get3A_438 = tpu.vector_load %arg4[%get3A_437] {strides = array<i32>} : memref<32768xf32, #tpu.memory_space<vmem>>, vector<16xf32>,
        %add3A_439 = arith.constant 48 : i32
        %add3A_440 = arith.addi %mul3A_426, %add3A_439 : i32
        %get3A_441 = arith.index_cast %add3A_440 : i32 to index
        %get3A_442 = tpu.vector_load %arg4[%get3A_441] {strides = array<i32>} : memref<32768xf32, #tpu.memory_space<vmem>>, vector<16xf32>,
        %add3A_443 = arith.constant 64 : i32
        %add3A_444 = arith.addi %mul3A_426, %add3A_443 : i32
        %get3A_445 = arith.index_cast %add3A_444 : i32 to index
        %get3A_446 = tpu.vector_load %arg4[%get3A_445] {strides = array<i32>} : memref<32768xf32, #tpu.memory_space<vmem>>, vector<16xf32>,
        %add3A_447 = arith.constant 80 : i32
        %add3A_448 = arith.addi %mul3A_426, %add3A_447 : i32
        %get3A_449 = arith.index_cast %add3A_448 : i32 to index
        %get3A_450 = tpu.vector_load %arg4[%get3A_449] {strides = array<i32>} : memref<32768xf32, #tpu.memory_space<vmem>>, vector<16xf32>,
        %add3A_451 = arith.constant 96 : i32
        %add3A_452 = arith.addi %mul3A_426, %add3A_451 : i32
        %get3A_453 = arith.index_cast %add3A_452 : i32 to index
        %get3A_454 = tpu.vector_load %arg4[%get3A_453] {strides = array<i32>} : memref<32768xf32, #tpu.memory_space<vmem>>, vector<16xf32>,
        %add3A_455 = arith.constant 112 : i32
        %add3A_456 = arith.addi %mul3A_426, %add3A_455 : i32
        %get3A_457 = arith.index_cast %add3A_456 : i32 to index
        %get3A_458 = tpu.vector_load %arg4[%get3A_457] {strides = array<i32>} : memref<32768xf32, #tpu.memory_space<vmem>>, vector<16xf32>,
        %add3A_459 = arith.constant 128 : i32
        %add3A_460 = arith.addi %mul3A_426, %add3A_459 : i32
        %get3A_461 = arith.index_cast %add3A_460 : i32 to index
        %get3A_462 = tpu.vector_load %arg4[%get3A_461] {strides = array<i32>} : memref<32768xf32, #tpu.memory_space<vmem>>, vector<16xf32>,
        %add3A_463 = arith.constant 144 : i32
        %add3A_464 = arith.addi %mul3A_426, %add3A_463 : i32
        %get3A_465 = arith.index_cast %add3A_464 : i32 to index
        %get3A_466 = tpu.vector_load %arg4[%get3A_465] {strides = array<i32>} : memref<32768xf32, #tpu.memory_space<vmem>>, vector<16xf32>,
        %add3A_467 = arith.constant 160 : i32
        %add3A_468 = arith.addi %mul3A_426, %add3A_467 : i32
        %get3A_469 = arith.index_cast %add3A_468 : i32 to index
        %get3A_470 = tpu.vector_load %arg4[%get3A_469] {strides = array<i32>} : memref<32768xf32, #tpu.memory_space<vmem>>, vector<16xf32>,
        %add3A_471 = arith.constant 176 : i32
        %add3A_472 = arith.addi %mul3A_426, %add3A_471 : i32
        %get3A_473 = arith.index_cast %add3A_472 : i32 to index
        %get3A_474 = tpu.vector_load %arg4[%get3A_473] {strides = array<i32>} : memref<32768xf32, #tpu.memory_space<vmem>>, vector<16xf32>,
        %add3A_475 = arith.constant 192 : i32
        %add3A_476 = arith.addi %mul3A_426, %add3A_475 : i32
        %get3A_477 = arith.index_cast %add3A_476 : i32 to index
        %get3A_478 = tpu.vector_load %arg4[%get3A_477] {strides = array<i32>} : memref<32768xf32, #tpu.memory_space<vmem>>, vector<16xf32>,
        %add3A_479 = arith.constant 208 : i32
        %add3A_480 = arith.addi %mul3A_426, %add3A_479 : i32
        %get3A_481 = arith.index_cast %add3A_480 : i32 to index
        %get3A_482 = tpu.vector_load %arg4[%get3A_481] {strides = array<i32>} : memref<32768xf32, #tpu.memory_space<vmem>>, vector<16xf32>,
        %add3A_483 = arith.constant 224 : i32
        %add3A_484 = arith.addi %mul3A_426, %add3A_483 : i32
        %get3A_485 = arith.index_cast %add3A_484 : i32 to index
        %get3A_486 = tpu.vector_load %arg4[%get3A_485] {strides = array<i32>} : memref<32768xf32, #tpu.memory_space<vmem>>, vector<16xf32>,
        %add3A_487 = arith.constant 240 : i32
        %add3A_488 = arith.addi %mul3A_426, %add3A_487 : i32
        %get3A_489 = arith.index_cast %add3A_488 : i32 to index
        %get3A_490 = tpu.vector_load %arg4[%get3A_489] {strides = array<i32>} : memref<32768xf32, #tpu.memory_space<vmem>>, vector<16xf32>,
        %max3A_491 = arith.maximumf %get3A_430, %get3A_434 : vector<16xf32>
        %max3A_492 = arith.maximumf %get3A_438, %get3A_442 : vector<16xf32>
        %max3A_493 = arith.maximumf %get3A_446, %get3A_450 : vector<16xf32>
        %max3A_494 = arith.maximumf %get3A_454, %get3A_458 : vector<16xf32>
        %max3A_495 = arith.maximumf %get3A_462, %get3A_466 : vector<16xf32>
        %max3A_496 = arith.maximumf %get3A_470, %get3A_474 : vector<16xf32>
        %max3A_497 = arith.maximumf %get3A_478, %get3A_482 : vector<16xf32>
        %max3A_498 = arith.maximumf %get3A_486, %get3A_490 : vector<16xf32>
        %max3A_499 = arith.maximumf %max3A_491, %max3A_492 : vector<16xf32>
        %max3A_500 = arith.maximumf %max3A_493, %max3A_494 : vector<16xf32>
        %max3A_501 = arith.maximumf %max3A_495, %max3A_496 : vector<16xf32>
        %max3A_502 = arith.maximumf %max3A_497, %max3A_498 : vector<16xf32>
        %max3A_503 = arith.maximumf %max3A_499, %max3A_500 : vector<16xf32>
        %max3A_504 = arith.maximumf %max3A_501, %max3A_502 : vector<16xf32>
        %max3A_505 = arith.maximumf %max3A_503, %max3A_504 : vector<16xf32>
        %add3A_506 = vector.broadcast %add3A_424 : i32 to vector<16xi32>
        %add3A_507 = arith.addi %mul3A_5, %add3A_506 : vector<16xi32>
        tpu.vector_store_idx %arg6[%add3A_507], %max3A_505 : memref<2064xf32, #tpu.memory_space<vmem>>[vector<16xi32>], vector<16xf32>,
        %max3A_508 = arith.maximumf %max3A_418, %max3A_505 : vector<16xf32>
        %max3A_509 = arith.maximumf %scan3A_333, %max3A_508 : vector<16xf32>
        scf.yield %max3A_509 : vector<16xf32>
      }
      %scan3A_37 = arith.constant 64 : i32
      "tpu.trace_stop"() : () -> ()
      %masked_sort3A = arith.constant dense<true> : vector<16xi1>
      %masked_sort3A_38, %masked_sort3A_39, %masked_sort3A_40 = tpu.sort %scan3A_36, %scan3A_36 masked %masked_sort3A {descending = true} : (vector<16xf32>, vector<16xf32>, vector<16xi1>) -> (vector<16xi1>, vector<16xf32>, vector<16xf32>)
      %ge3A = arith.constant 7 : i32
      %ge3A_41 = vector.broadcast %ge3A : i32 to vector<16xi32>
      %ge3A_42 = arith.cmpi sge, %iota3A, %ge3A_41 : vector<16xi32>
      %jit3A = arith.constant 0xFF800000 : f32
      %broadcast_in_dim3A_43 = vector.broadcast %jit3A : f32 to vector<16xf32>
      %select_n3A = arith.select %ge3A_42, %masked_sort3A_39, %broadcast_in_dim3A_43 : vector<16xi1>, vector<16xf32>
      %reduce_max3A = arith.constant true
      %reduce_max3A_44 = vector.broadcast %reduce_max3A : i1 to vector<16xi1>
      %reduce_max3A_45 = tpu.scan <max>, %select_n3A masked %reduce_max3A_44 : vector<16xf32>, vector<16xi1> -> vector<16xf32>
      %reduce_max3A_46 = vector.extract %reduce_max3A_45[15] : f32 from vector<16xf32>
      "tpu.trace_start"() <{level = 10 : i32, message = "passB1"}> : () -> ()
      %scan3A_47 = arith.constant 0 : i32
      %scan3A_48 = arith.constant 0 : i32
      %scan3A_49 = arith.constant 8 : i32
      %scan3A_50 = arith.addi %scan3A_48, %scan3A_49 : i32
      %scan3A_51 = arith.constant 1 : i32
      %scan3A_52 = scf.for %scan3A_332 = %scan3A_48 to %scan3A_50 step %scan3A_51 iter_args(%scan3A_333 = %scan3A_47) -> (i32)  : i32 {
        %mul3A_334 = arith.constant 16 : i32
        %mul3A_335 = arith.muli %scan3A_332, %mul3A_334 : i32
        %add3A_336 = arith.constant 0 : i32
        %add3A_337 = arith.addi %add3A_336, %mul3A_335 : i32
        %get3A_338 = arith.index_cast %add3A_337 : i32 to index
        %get3A_339 = tpu.vector_load %arg6[%get3A_338] {strides = array<i32>} : memref<2064xf32, #tpu.memory_space<vmem>>, vector<16xf32>,
        %mul3A_340 = arith.constant 16 : i32
        %mul3A_341 = arith.muli %scan3A_332, %mul3A_340 : i32
        %add3A_342 = arith.constant 129 : i32
        %add3A_343 = arith.addi %add3A_342, %mul3A_341 : i32
        %get3A_344 = arith.index_cast %add3A_343 : i32 to index
        %get3A_345 = tpu.vector_load %arg6[%get3A_344] {strides = array<i32>} : memref<2064xf32, #tpu.memory_space<vmem>>, vector<16xf32>,
        %mul3A_346 = arith.constant 16 : i32
        %mul3A_347 = arith.muli %scan3A_332, %mul3A_346 : i32
        %add3A_348 = arith.constant 258 : i32
        %add3A_349 = arith.addi %add3A_348, %mul3A_347 : i32
        %get3A_350 = arith.index_cast %add3A_349 : i32 to index
        %get3A_351 = tpu.vector_load %arg6[%get3A_350] {strides = array<i32>} : memref<2064xf32, #tpu.memory_space<vmem>>, vector<16xf32>,
        %mul3A_352 = arith.constant 16 : i32
        %mul3A_353 = arith.muli %scan3A_332, %mul3A_352 : i32
        %add3A_354 = arith.constant 387 : i32
        %add3A_355 = arith.addi %add3A_354, %mul3A_353 : i32
        %get3A_356 = arith.index_cast %add3A_355 : i32 to index
        %get3A_357 = tpu.vector_load %arg6[%get3A_356] {strides = array<i32>} : memref<2064xf32, #tpu.memory_space<vmem>>, vector<16xf32>,
        %mul3A_358 = arith.constant 16 : i32
        %mul3A_359 = arith.muli %scan3A_332, %mul3A_358 : i32
        %add3A_360 = arith.constant 516 : i32
        %add3A_361 = arith.addi %add3A_360, %mul3A_359 : i32
        %get3A_362 = arith.index_cast %add3A_361 : i32 to index
        %get3A_363 = tpu.vector_load %arg6[%get3A_362] {strides = array<i32>} : memref<2064xf32, #tpu.memory_space<vmem>>, vector<16xf32>,
        %mul3A_364 = arith.constant 16 : i32
        %mul3A_365 = arith.muli %scan3A_332, %mul3A_364 : i32
        %add3A_366 = arith.constant 645 : i32
        %add3A_367 = arith.addi %add3A_366, %mul3A_365 : i32
        %get3A_368 = arith.index_cast %add3A_367 : i32 to index
        %get3A_369 = tpu.vector_load %arg6[%get3A_368] {strides = array<i32>} : memref<2064xf32, #tpu.memory_space<vmem>>, vector<16xf32>,
        %mul3A_370 = arith.constant 16 : i32
        %mul3A_371 = arith.muli %scan3A_332, %mul3A_370 : i32
        %add3A_372 = arith.constant 774 : i32
        %add3A_373 = arith.addi %add3A_372, %mul3A_371 : i32
        %get3A_374 = arith.index_cast %add3A_373 : i32 to index
        %get3A_375 = tpu.vector_load %arg6[%get3A_374] {strides = array<i32>} : memref<2064xf32, #tpu.memory_space<vmem>>, vector<16xf32>,
        %mul3A_376 = arith.constant 16 : i32
        %mul3A_377 = arith.muli %scan3A_332, %mul3A_376 : i32
        %add3A_378 = arith.constant 903 : i32
        %add3A_379 = arith.addi %add3A_378, %mul3A_377 : i32
        %get3A_380 = arith.index_cast %add3A_379 : i32 to index
        %get3A_381 = tpu.vector_load %arg6[%get3A_380] {strides = array<i32>} : memref<2064xf32, #tpu.memory_space<vmem>>, vector<16xf32>,
        %mul3A_382 = arith.constant 16 : i32
        %mul3A_383 = arith.muli %scan3A_332, %mul3A_382 : i32
        %add3A_384 = arith.constant 1032 : i32
        %add3A_385 = arith.addi %add3A_384, %mul3A_383 : i32
        %get3A_386 = arith.index_cast %add3A_385 : i32 to index
        %get3A_387 = tpu.vector_load %arg6[%get3A_386] {strides = array<i32>} : memref<2064xf32, #tpu.memory_space<vmem>>, vector<16xf32>,
        %mul3A_388 = arith.constant 16 : i32
        %mul3A_389 = arith.muli %scan3A_332, %mul3A_388 : i32
        %add3A_390 = arith.constant 1161 : i32
        %add3A_391 = arith.addi %add3A_390, %mul3A_389 : i32
        %get3A_392 = arith.index_cast %add3A_391 : i32 to index
        %get3A_393 = tpu.vector_load %arg6[%get3A_392] {strides = array<i32>} : memref<2064xf32, #tpu.memory_space<vmem>>, vector<16xf32>,
        %mul3A_394 = arith.constant 16 : i32
        %mul3A_395 = arith.muli %scan3A_332, %mul3A_394 : i32
        %add3A_396 = arith.constant 1290 : i32
        %add3A_397 = arith.addi %add3A_396, %mul3A_395 : i32
        %get3A_398 = arith.index_cast %add3A_397 : i32 to index
        %get3A_399 = tpu.vector_load %arg6[%get3A_398] {strides = array<i32>} : memref<2064xf32, #tpu.memory_space<vmem>>, vector<16xf32>,
        %mul3A_400 = arith.constant 16 : i32
        %mul3A_401 = arith.muli %scan3A_332, %mul3A_400 : i32
        %add3A_402 = arith.constant 1419 : i32
        %add3A_403 = arith.addi %add3A_402, %mul3A_401 : i32
        %get3A_404 = arith.index_cast %add3A_403 : i32 to index
        %get3A_405 = tpu.vector_load %arg6[%get3A_404] {strides = array<i32>} : memref<2064xf32, #tpu.memory_space<vmem>>, vector<16xf32>,
        %mul3A_406 = arith.constant 16 : i32
        %mul3A_407 = arith.muli %scan3A_332, %mul3A_406 : i32
        %add3A_408 = arith.constant 1548 : i32
        %add3A_409 = arith.addi %add3A_408, %mul3A_407 : i32
        %get3A_410 = arith.index_cast %add3A_409 : i32 to index
        %get3A_411 = tpu.vector_load %arg6[%get3A_410] {strides = array<i32>} : memref<2064xf32, #tpu.memory_space<vmem>>, vector<16xf32>,
        %mul3A_412 = arith.constant 16 : i32
        %mul3A_413 = arith.muli %scan3A_332, %mul3A_412 : i32
        %add3A_414 = arith.constant 1677 : i32
        %add3A_415 = arith.addi %add3A_414, %mul3A_413 : i32
        %get3A_416 = arith.index_cast %add3A_415 : i32 to index
        %get3A_417 = tpu.vector_load %arg6[%get3A_416] {strides = array<i32>} : memref<2064xf32, #tpu.memory_space<vmem>>, vector<16xf32>,
        %mul3A_418 = arith.constant 16 : i32
        %mul3A_419 = arith.muli %scan3A_332, %mul3A_418 : i32
        %add3A_420 = arith.constant 1806 : i32
        %add3A_421 = arith.addi %add3A_420, %mul3A_419 : i32
        %get3A_422 = arith.index_cast %add3A_421 : i32 to index
        %get3A_423 = tpu.vector_load %arg6[%get3A_422] {strides = array<i32>} : memref<2064xf32, #tpu.memory_space<vmem>>, vector<16xf32>,
        %mul3A_424 = arith.constant 16 : i32
        %mul3A_425 = arith.muli %scan3A_332, %mul3A_424 : i32
        %add3A_426 = arith.constant 1935 : i32
        %add3A_427 = arith.addi %add3A_426, %mul3A_425 : i32
        %get3A_428 = arith.index_cast %add3A_427 : i32 to index
        %get3A_429 = tpu.vector_load %arg6[%get3A_428] {strides = array<i32>} : memref<2064xf32, #tpu.memory_space<vmem>>, vector<16xf32>,
        %max3A_430 = arith.maximumf %get3A_339, %get3A_345 : vector<16xf32>
        %max3A_431 = arith.maximumf %get3A_351, %get3A_357 : vector<16xf32>
        %max3A_432 = arith.maximumf %get3A_363, %get3A_369 : vector<16xf32>
        %max3A_433 = arith.maximumf %get3A_375, %get3A_381 : vector<16xf32>
        %max3A_434 = arith.maximumf %get3A_387, %get3A_393 : vector<16xf32>
        %max3A_435 = arith.maximumf %get3A_399, %get3A_405 : vector<16xf32>
        %max3A_436 = arith.maximumf %get3A_411, %get3A_417 : vector<16xf32>
        %max3A_437 = arith.maximumf %get3A_423, %get3A_429 : vector<16xf32>
        %max3A_438 = arith.maximumf %max3A_430, %max3A_431 : vector<16xf32>
        %max3A_439 = arith.maximumf %max3A_432, %max3A_433 : vector<16xf32>
        %max3A_440 = arith.maximumf %max3A_434, %max3A_435 : vector<16xf32>
        %max3A_441 = arith.maximumf %max3A_436, %max3A_437 : vector<16xf32>
        %max3A_442 = arith.maximumf %max3A_438, %max3A_439 : vector<16xf32>
        %max3A_443 = arith.maximumf %max3A_440, %max3A_441 : vector<16xf32>
        %max3A_444 = arith.maximumf %max3A_442, %max3A_443 : vector<16xf32>
        %ge3A_445 = vector.broadcast %reduce_max3A_46 : f32 to vector<16xf32>
        %ge3A_446 = arith.cmpf oge, %max3A_444, %ge3A_445 : vector<16xf32>
        %all_reduce_population_count3A = tpu.all_reduce %ge3A_446 {dim = 0 : i64, kind = #tpu.reduction_kind<sum>} : vector<16xi1> -> vector<16xi32>
        %mul3A_447 = arith.constant 16 : i32
        %mul3A_448 = arith.muli %scan3A_332, %mul3A_447 : i32
        %add3A_449 = vector.broadcast %mul3A_448 : i32 to vector<16xi32>
        %add3A_450 = arith.addi %add3A_449, %iota3A : vector<16xi32>
        %swap3A_451 = arith.index_cast %scan3A_333 : i32 to index
        %swap3A_452 = tpu.vector_load %arg7[%swap3A_451] masked %ge3A_446 {strides = array<i32>} : memref<144xi32, #tpu.memory_space<vmem>>, vector<16xi32>, vector<16xi1>
        tpu.vector_store %arg7[%swap3A_451], %add3A_450 masked %ge3A_446 {strides = array<i32>} : memref<144xi32, #tpu.memory_space<vmem>>, vector<16xi32>, vector<16xi1>
        %slice3A = vector.extract_strided_slice %all_reduce_population_count3A {offsets = [0], sizes = [1], strides = [1]} : vector<16xi32> to vector<1xi32>
        %squeeze3A = vector.extract %slice3A[0] : i32 from vector<1xi32>
        %add3A_453 = arith.addi %scan3A_333, %squeeze3A : i32
        scf.yield %add3A_453 : i32
      }
      %scan3A_53 = arith.constant 8 : i32
      %while3A = arith.constant 0 : i32
      "tpu.trace_stop"() : () -> ()
      "tpu.trace_start"() <{level = 10 : i32, message = "passB2"}> : () -> ()
      %while3A_54 = arith.subi %scan3A_52, %while3A : i32
      %while3A_55 = arith.addi %while3A, %while3A_54 : i32
      %while3A_56 = arith.constant 1 : i32
      %while3A_57 = arith.divsi %while3A_54, %while3A_56 : i32
      %while3A_58 = arith.muli %while3A_57, %while3A_56 : i32
      %while3A_59 = arith.addi %while3A, %while3A_58 : i32
      %while3A_60 = arith.constant 1 : i32
      %while3A_61:8 = scf.for %while3A_332 = %while3A to %while3A_59 step %while3A_60 iter_args(%while3A_333 = %broadcast_in_dim3A_6, %while3A_334 = %broadcast_in_dim3A_6, %while3A_335 = %broadcast_in_dim3A_6, %while3A_336 = %broadcast_in_dim3A_6, %while3A_337 = %broadcast_in_dim3A_6, %while3A_338 = %broadcast_in_dim3A_6, %while3A_339 = %broadcast_in_dim3A_6, %while3A_340 = %broadcast_in_dim3A_6) -> (vector<16xf32>, vector<16xf32>, vector<16xf32>, vector<16xf32>, vector<16xf32>, vector<16xf32>, vector<16xf32>, vector<16xf32>)  : i32 {
        %get3A_341 = arith.index_cast %while3A_332 : i32 to index
        %get3A_342 = tpu.vector_load %arg7[%get3A_341] {strides = array<i32>} : memref<144xi32, #tpu.memory_space<vmem>>, vector<16xi32>,
        %slice3A = vector.extract_strided_slice %get3A_342 {offsets = [0], sizes = [1], strides = [1]} : vector<16xi32> to vector<1xi32>
        %squeeze3A = vector.extract %slice3A[0] : i32 from vector<1xi32>
        %mul3A_343 = arith.constant 256 : i32
        %mul3A_344 = arith.muli %squeeze3A, %mul3A_343 : i32
        %add3A_345 = arith.constant 0 : i32
        %add3A_346 = arith.addi %mul3A_344, %add3A_345 : i32
        %get3A_347 = arith.index_cast %add3A_346 : i32 to index
        %get3A_348 = tpu.vector_load %arg4[%get3A_347] {strides = array<i32>} : memref<32768xf32, #tpu.memory_space<vmem>>, vector<16xf32>,
        %add3A_349 = arith.constant 16 : i32
        %add3A_350 = arith.addi %mul3A_344, %add3A_349 : i32
        %get3A_351 = arith.index_cast %add3A_350 : i32 to index
        %get3A_352 = tpu.vector_load %arg4[%get3A_351] {strides = array<i32>} : memref<32768xf32, #tpu.memory_space<vmem>>, vector<16xf32>,
        %add3A_353 = arith.constant 32 : i32
        %add3A_354 = arith.addi %mul3A_344, %add3A_353 : i32
        %get3A_355 = arith.index_cast %add3A_354 : i32 to index
        %get3A_356 = tpu.vector_load %arg4[%get3A_355] {strides = array<i32>} : memref<32768xf32, #tpu.memory_space<vmem>>, vector<16xf32>,
        %add3A_357 = arith.constant 48 : i32
        %add3A_358 = arith.addi %mul3A_344, %add3A_357 : i32
        %get3A_359 = arith.index_cast %add3A_358 : i32 to index
        %get3A_360 = tpu.vector_load %arg4[%get3A_359] {strides = array<i32>} : memref<32768xf32, #tpu.memory_space<vmem>>, vector<16xf32>,
        %add3A_361 = arith.constant 64 : i32
        %add3A_362 = arith.addi %mul3A_344, %add3A_361 : i32
        %get3A_363 = arith.index_cast %add3A_362 : i32 to index
        %get3A_364 = tpu.vector_load %arg4[%get3A_363] {strides = array<i32>} : memref<32768xf32, #tpu.memory_space<vmem>>, vector<16xf32>,
        %add3A_365 = arith.constant 80 : i32
        %add3A_366 = arith.addi %mul3A_344, %add3A_365 : i32
        %get3A_367 = arith.index_cast %add3A_366 : i32 to index
        %get3A_368 = tpu.vector_load %arg4[%get3A_367] {strides = array<i32>} : memref<32768xf32, #tpu.memory_space<vmem>>, vector<16xf32>,
        %add3A_369 = arith.constant 96 : i32
        %add3A_370 = arith.addi %mul3A_344, %add3A_369 : i32
        %get3A_371 = arith.index_cast %add3A_370 : i32 to index
        %get3A_372 = tpu.vector_load %arg4[%get3A_371] {strides = array<i32>} : memref<32768xf32, #tpu.memory_space<vmem>>, vector<16xf32>,
        %add3A_373 = arith.constant 112 : i32
        %add3A_374 = arith.addi %mul3A_344, %add3A_373 : i32
        %get3A_375 = arith.index_cast %add3A_374 : i32 to index
        %get3A_376 = tpu.vector_load %arg4[%get3A_375] {strides = array<i32>} : memref<32768xf32, #tpu.memory_space<vmem>>, vector<16xf32>,
        %max3A_377 = arith.maximumf %get3A_348, %get3A_352 : vector<16xf32>
        %min3A = arith.minimumf %get3A_348, %get3A_352 : vector<16xf32>
        %max3A_378 = arith.maximumf %get3A_356, %get3A_360 : vector<16xf32>
        %min3A_379 = arith.minimumf %get3A_356, %get3A_360 : vector<16xf32>
        %max3A_380 = arith.maximumf %get3A_364, %get3A_368 : vector<16xf32>
        %min3A_381 = arith.minimumf %get3A_364, %get3A_368 : vector<16xf32>
        %max3A_382 = arith.maximumf %get3A_372, %get3A_376 : vector<16xf32>
        %min3A_383 = arith.minimumf %get3A_372, %get3A_376 : vector<16xf32>
        %max3A_384 = arith.maximumf %max3A_377, %max3A_378 : vector<16xf32>
        %min3A_385 = arith.minimumf %max3A_377, %max3A_378 : vector<16xf32>
        %max3A_386 = arith.maximumf %min3A, %min3A_379 : vector<16xf32>
        %min3A_387 = arith.minimumf %min3A, %min3A_379 : vector<16xf32>
        %max3A_388 = arith.maximumf %max3A_380, %max3A_382 : vector<16xf32>
        %min3A_389 = arith.minimumf %max3A_380, %max3A_382 : vector<16xf32>
        %max3A_390 = arith.maximumf %min3A_381, %min3A_383 : vector<16xf32>
        %min3A_391 = arith.minimumf %min3A_381, %min3A_383 : vector<16xf32>
        %max3A_392 = arith.maximumf %max3A_386, %min3A_385 : vector<16xf32>
        %min3A_393 = arith.minimumf %max3A_386, %min3A_385 : vector<16xf32>
        %max3A_394 = arith.maximumf %max3A_390, %min3A_389 : vector<16xf32>
        %min3A_395 = arith.minimumf %max3A_390, %min3A_389 : vector<16xf32>
        %max3A_396 = arith.maximumf %max3A_384, %max3A_388 : vector<16xf32>
        %min3A_397 = arith.minimumf %max3A_384, %max3A_388 : vector<16xf32>
        %max3A_398 = arith.maximumf %max3A_392, %max3A_394 : vector<16xf32>
        %min3A_399 = arith.minimumf %max3A_392, %max3A_394 : vector<16xf32>
        %max3A_400 = arith.maximumf %min3A_393, %min3A_395 : vector<16xf32>
        %min3A_401 = arith.minimumf %min3A_393, %min3A_395 : vector<16xf32>
        %max3A_402 = arith.maximumf %min3A_387, %min3A_391 : vector<16xf32>
        %min3A_403 = arith.minimumf %min3A_387, %min3A_391 : vector<16xf32>
        %max3A_404 = arith.maximumf %max3A_400, %min3A_397 : vector<16xf32>
        %min3A_405 = arith.minimumf %max3A_400, %min3A_397 : vector<16xf32>
        %max3A_406 = arith.maximumf %max3A_402, %min3A_399 : vector<16xf32>
        %min3A_407 = arith.minimumf %max3A_402, %min3A_399 : vector<16xf32>
        %max3A_408 = arith.maximumf %max3A_398, %max3A_404 : vector<16xf32>
        %min3A_409 = arith.minimumf %max3A_398, %max3A_404 : vector<16xf32>
        %max3A_410 = arith.maximumf %max3A_406, %min3A_405 : vector<16xf32>
        %min3A_411 = arith.minimumf %max3A_406, %min3A_405 : vector<16xf32>
        %max3A_412 = arith.maximumf %min3A_407, %min3A_401 : vector<16xf32>
        %min3A_413 = arith.minimumf %min3A_407, %min3A_401 : vector<16xf32>
        %max3A_414 = arith.maximumf %while3A_333, %min3A_403 : vector<16xf32>
        %max3A_415 = arith.maximumf %while3A_334, %min3A_413 : vector<16xf32>
        %max3A_416 = arith.maximumf %while3A_335, %max3A_412 : vector<16xf32>
        %max3A_417 = arith.maximumf %while3A_336, %min3A_411 : vector<16xf32>
        %max3A_418 = arith.maximumf %while3A_337, %max3A_410 : vector<16xf32>
        %max3A_419 = arith.maximumf %while3A_338, %min3A_409 : vector<16xf32>
        %max3A_420 = arith.maximumf %while3A_339, %max3A_408 : vector<16xf32>
        %max3A_421 = arith.maximumf %while3A_340, %max3A_396 : vector<16xf32>
        %max3A_422 = arith.maximumf %max3A_414, %max3A_418 : vector<16xf32>
        %min3A_423 = arith.minimumf %max3A_414, %max3A_418 : vector<16xf32>
        %max3A_424 = arith.maximumf %max3A_415, %max3A_419 : vector<16xf32>
        %min3A_425 = arith.minimumf %max3A_415, %max3A_419 : vector<16xf32>
        %max3A_426 = arith.maximumf %max3A_416, %max3A_420 : vector<16xf32>
        %min3A_427 = arith.minimumf %max3A_416, %max3A_420 : vector<16xf32>
        %max3A_428 = arith.maximumf %max3A_417, %max3A_421 : vector<16xf32>
        %min3A_429 = arith.minimumf %max3A_417, %max3A_421 : vector<16xf32>
        %max3A_430 = arith.maximumf %max3A_422, %max3A_426 : vector<16xf32>
        %min3A_431 = arith.minimumf %max3A_422, %max3A_426 : vector<16xf32>
        %max3A_432 = arith.maximumf %max3A_424, %max3A_428 : vector<16xf32>
        %min3A_433 = arith.minimumf %max3A_424, %max3A_428 : vector<16xf32>
        %max3A_434 = arith.maximumf %min3A_423, %min3A_427 : vector<16xf32>
        %min3A_435 = arith.minimumf %min3A_423, %min3A_427 : vector<16xf32>
        %max3A_436 = arith.maximumf %min3A_425, %min3A_429 : vector<16xf32>
        %min3A_437 = arith.minimumf %min3A_425, %min3A_429 : vector<16xf32>
        %max3A_438 = arith.maximumf %max3A_430, %max3A_432 : vector<16xf32>
        %min3A_439 = arith.minimumf %max3A_430, %max3A_432 : vector<16xf32>
        %max3A_440 = arith.maximumf %min3A_431, %min3A_433 : vector<16xf32>
        %min3A_441 = arith.minimumf %min3A_431, %min3A_433 : vector<16xf32>
        %max3A_442 = arith.maximumf %max3A_434, %max3A_436 : vector<16xf32>
        %min3A_443 = arith.minimumf %max3A_434, %max3A_436 : vector<16xf32>
        %max3A_444 = arith.maximumf %min3A_435, %min3A_437 : vector<16xf32>
        %min3A_445 = arith.minimumf %min3A_435, %min3A_437 : vector<16xf32>
        %add3A_446 = arith.constant 128 : i32
        %add3A_447 = arith.addi %mul3A_344, %add3A_446 : i32
        %get3A_448 = arith.index_cast %add3A_447 : i32 to index
        %get3A_449 = tpu.vector_load %arg4[%get3A_448] {strides = array<i32>} : memref<32768xf32, #tpu.memory_space<vmem>>, vector<16xf32>,
        %add3A_450 = arith.constant 144 : i32
        %add3A_451 = arith.addi %mul3A_344, %add3A_450 : i32
        %get3A_452 = arith.index_cast %add3A_451 : i32 to index
        %get3A_453 = tpu.vector_load %arg4[%get3A_452] {strides = array<i32>} : memref<32768xf32, #tpu.memory_space<vmem>>, vector<16xf32>,
        %add3A_454 = arith.constant 160 : i32
        %add3A_455 = arith.addi %mul3A_344, %add3A_454 : i32
        %get3A_456 = arith.index_cast %add3A_455 : i32 to index
        %get3A_457 = tpu.vector_load %arg4[%get3A_456] {strides = array<i32>} : memref<32768xf32, #tpu.memory_space<vmem>>, vector<16xf32>,
        %add3A_458 = arith.constant 176 : i32
        %add3A_459 = arith.addi %mul3A_344, %add3A_458 : i32
        %get3A_460 = arith.index_cast %add3A_459 : i32 to index
        %get3A_461 = tpu.vector_load %arg4[%get3A_460] {strides = array<i32>} : memref<32768xf32, #tpu.memory_space<vmem>>, vector<16xf32>,
        %add3A_462 = arith.constant 192 : i32
        %add3A_463 = arith.addi %mul3A_344, %add3A_462 : i32
        %get3A_464 = arith.index_cast %add3A_463 : i32 to index
        %get3A_465 = tpu.vector_load %arg4[%get3A_464] {strides = array<i32>} : memref<32768xf32, #tpu.memory_space<vmem>>, vector<16xf32>,
        %add3A_466 = arith.constant 208 : i32
        %add3A_467 = arith.addi %mul3A_344, %add3A_466 : i32
        %get3A_468 = arith.index_cast %add3A_467 : i32 to index
        %get3A_469 = tpu.vector_load %arg4[%get3A_468] {strides = array<i32>} : memref<32768xf32, #tpu.memory_space<vmem>>, vector<16xf32>,
        %add3A_470 = arith.constant 224 : i32
        %add3A_471 = arith.addi %mul3A_344, %add3A_470 : i32
        %get3A_472 = arith.index_cast %add3A_471 : i32 to index
        %get3A_473 = tpu.vector_load %arg4[%get3A_472] {strides = array<i32>} : memref<32768xf32, #tpu.memory_space<vmem>>, vector<16xf32>,
        %add3A_474 = arith.constant 240 : i32
        %add3A_475 = arith.addi %mul3A_344, %add3A_474 : i32
        %get3A_476 = arith.index_cast %add3A_475 : i32 to index
        %get3A_477 = tpu.vector_load %arg4[%get3A_476] {strides = array<i32>} : memref<32768xf32, #tpu.memory_space<vmem>>, vector<16xf32>,
        %max3A_478 = arith.maximumf %get3A_449, %get3A_453 : vector<16xf32>
        %min3A_479 = arith.minimumf %get3A_449, %get3A_453 : vector<16xf32>
        %max3A_480 = arith.maximumf %get3A_457, %get3A_461 : vector<16xf32>
        %min3A_481 = arith.minimumf %get3A_457, %get3A_461 : vector<16xf32>
        %max3A_482 = arith.maximumf %get3A_465, %get3A_469 : vector<16xf32>
        %min3A_483 = arith.minimumf %get3A_465, %get3A_469 : vector<16xf32>
        %max3A_484 = arith.maximumf %get3A_473, %get3A_477 : vector<16xf32>
        %min3A_485 = arith.minimumf %get3A_473, %get3A_477 : vector<16xf32>
        %max3A_486 = arith.maximumf %max3A_478, %max3A_480 : vector<16xf32>
        %min3A_487 = arith.minimumf %max3A_478, %max3A_480 : vector<16xf32>
        %max3A_488 = arith.maximumf %min3A_479, %min3A_481 : vector<16xf32>
        %min3A_489 = arith.minimumf %min3A_479, %min3A_481 : vector<16xf32>
        %max3A_490 = arith.maximumf %max3A_482, %max3A_484 : vector<16xf32>
        %min3A_491 = arith.minimumf %max3A_482, %max3A_484 : vector<16xf32>
        %max3A_492 = arith.maximumf %min3A_483, %min3A_485 : vector<16xf32>
        %min3A_493 = arith.minimumf %min3A_483, %min3A_485 : vector<16xf32>
        %max3A_494 = arith.maximumf %max3A_488, %min3A_487 : vector<16xf32>
        %min3A_495 = arith.minimumf %max3A_488, %min3A_487 : vector<16xf32>
        %max3A_496 = arith.maximumf %max3A_492, %min3A_491 : vector<16xf32>
        %min3A_497 = arith.minimumf %max3A_492, %min3A_491 : vector<16xf32>
        %max3A_498 = arith.maximumf %max3A_486, %max3A_490 : vector<16xf32>
        %min3A_499 = arith.minimumf %max3A_486, %max3A_490 : vector<16xf32>
        %max3A_500 = arith.maximumf %max3A_494, %max3A_496 : vector<16xf32>
        %min3A_501 = arith.minimumf %max3A_494, %max3A_496 : vector<16xf32>
        %max3A_502 = arith.maximumf %min3A_495, %min3A_497 : vector<16xf32>
        %min3A_503 = arith.minimumf %min3A_495, %min3A_497 : vector<16xf32>
        %max3A_504 = arith.maximumf %min3A_489, %min3A_493 : vector<16xf32>
        %min3A_505 = arith.minimumf %min3A_489, %min3A_493 : vector<16xf32>
        %max3A_506 = arith.maximumf %max3A_502, %min3A_499 : vector<16xf32>
        %min3A_507 = arith.minimumf %max3A_502, %min3A_499 : vector<16xf32>
        %max3A_508 = arith.maximumf %max3A_504, %min3A_501 : vector<16xf32>
        %min3A_509 = arith.minimumf %max3A_504, %min3A_501 : vector<16xf32>
        %max3A_510 = arith.maximumf %max3A_500, %max3A_506 : vector<16xf32>
        %min3A_511 = arith.minimumf %max3A_500, %max3A_506 : vector<16xf32>
        %max3A_512 = arith.maximumf %max3A_508, %min3A_507 : vector<16xf32>
        %min3A_513 = arith.minimumf %max3A_508, %min3A_507 : vector<16xf32>
        %max3A_514 = arith.maximumf %min3A_509, %min3A_503 : vector<16xf32>
        %min3A_515 = arith.minimumf %min3A_509, %min3A_503 : vector<16xf32>
        %max3A_516 = arith.maximumf %max3A_438, %min3A_505 : vector<16xf32>
        %max3A_517 = arith.maximumf %min3A_439, %min3A_515 : vector<16xf32>
        %max3A_518 = arith.maximumf %max3A_440, %max3A_514 : vector<16xf32>
        %max3A_519 = arith.maximumf %min3A_441, %min3A_513 : vector<16xf32>
        %max3A_520 = arith.maximumf %max3A_442, %max3A_512 : vector<16xf32>
        %max3A_521 = arith.maximumf %min3A_443, %min3A_511 : vector<16xf32>
        %max3A_522 = arith.maximumf %max3A_444, %max3A_510 : vector<16xf32>
        %max3A_523 = arith.maximumf %min3A_445, %max3A_498 : vector<16xf32>
        %max3A_524 = arith.maximumf %max3A_516, %max3A_520 : vector<16xf32>
        %min3A_525 = arith.minimumf %max3A_516, %max3A_520 : vector<16xf32>
        %max3A_526 = arith.maximumf %max3A_517, %max3A_521 : vector<16xf32>
        %min3A_527 = arith.minimumf %max3A_517, %max3A_521 : vector<16xf32>
        %max3A_528 = arith.maximumf %max3A_518, %max3A_522 : vector<16xf32>
        %min3A_529 = arith.minimumf %max3A_518, %max3A_522 : vector<16xf32>
        %max3A_530 = arith.maximumf %max3A_519, %max3A_523 : vector<16xf32>
        %min3A_531 = arith.minimumf %max3A_519, %max3A_523 : vector<16xf32>
        %max3A_532 = arith.maximumf %max3A_524, %max3A_528 : vector<16xf32>
        %min3A_533 = arith.minimumf %max3A_524, %max3A_528 : vector<16xf32>
        %max3A_534 = arith.maximumf %max3A_526, %max3A_530 : vector<16xf32>
        %min3A_535 = arith.minimumf %max3A_526, %max3A_530 : vector<16xf32>
        %max3A_536 = arith.maximumf %min3A_525, %min3A_529 : vector<16xf32>
        %min3A_537 = arith.minimumf %min3A_525, %min3A_529 : vector<16xf32>
        %max3A_538 = arith.maximumf %min3A_527, %min3A_531 : vector<16xf32>
        %min3A_539 = arith.minimumf %min3A_527, %min3A_531 : vector<16xf32>
        %max3A_540 = arith.maximumf %max3A_532, %max3A_534 : vector<16xf32>
        %min3A_541 = arith.minimumf %max3A_532, %max3A_534 : vector<16xf32>
        %max3A_542 = arith.maximumf %min3A_533, %min3A_535 : vector<16xf32>
        %min3A_543 = arith.minimumf %min3A_533, %min3A_535 : vector<16xf32>
        %max3A_544 = arith.maximumf %max3A_536, %max3A_538 : vector<16xf32>
        %min3A_545 = arith.minimumf %max3A_536, %max3A_538 : vector<16xf32>
        %max3A_546 = arith.maximumf %min3A_537, %min3A_539 : vector<16xf32>
        %min3A_547 = arith.minimumf %min3A_537, %min3A_539 : vector<16xf32>
        scf.yield %max3A_540, %min3A_541, %max3A_542, %min3A_543, %max3A_544, %min3A_545, %max3A_546, %min3A_547 : vector<16xf32>, vector<16xf32>, vector<16xf32>, vector<16xf32>, vector<16xf32>, vector<16xf32>, vector<16xf32>, vector<16xf32>
      }
      %while3A_62 = arith.constant 1 : i32
      %while3A_63:8 = scf.for %while3A_332 = %while3A_59 to %while3A_55 step %while3A_62 iter_args(%while3A_333 = %while3A_61#0, %while3A_334 = %while3A_61#1, %while3A_335 = %while3A_61#2, %while3A_336 = %while3A_61#3, %while3A_337 = %while3A_61#4, %while3A_338 = %while3A_61#5, %while3A_339 = %while3A_61#6, %while3A_340 = %while3A_61#7) -> (vector<16xf32>, vector<16xf32>, vector<16xf32>, vector<16xf32>, vector<16xf32>, vector<16xf32>, vector<16xf32>, vector<16xf32>)  : i32 {
        %get3A_341 = arith.index_cast %while3A_332 : i32 to index
        %get3A_342 = tpu.vector_load %arg7[%get3A_341] {strides = array<i32>} : memref<144xi32, #tpu.memory_space<vmem>>, vector<16xi32>,
        %slice3A = vector.extract_strided_slice %get3A_342 {offsets = [0], sizes = [1], strides = [1]} : vector<16xi32> to vector<1xi32>
        %squeeze3A = vector.extract %slice3A[0] : i32 from vector<1xi32>
        %mul3A_343 = arith.constant 256 : i32
        %mul3A_344 = arith.muli %squeeze3A, %mul3A_343 : i32
        %add3A_345 = arith.constant 0 : i32
        %add3A_346 = arith.addi %mul3A_344, %add3A_345 : i32
        %get3A_347 = arith.index_cast %add3A_346 : i32 to index
        %get3A_348 = tpu.vector_load %arg4[%get3A_347] {strides = array<i32>} : memref<32768xf32, #tpu.memory_space<vmem>>, vector<16xf32>,
        %add3A_349 = arith.constant 16 : i32
        %add3A_350 = arith.addi %mul3A_344, %add3A_349 : i32
        %get3A_351 = arith.index_cast %add3A_350 : i32 to index
        %get3A_352 = tpu.vector_load %arg4[%get3A_351] {strides = array<i32>} : memref<32768xf32, #tpu.memory_space<vmem>>, vector<16xf32>,
        %add3A_353 = arith.constant 32 : i32
        %add3A_354 = arith.addi %mul3A_344, %add3A_353 : i32
        %get3A_355 = arith.index_cast %add3A_354 : i32 to index
        %get3A_356 = tpu.vector_load %arg4[%get3A_355] {strides = array<i32>} : memref<32768xf32, #tpu.memory_space<vmem>>, vector<16xf32>,
        %add3A_357 = arith.constant 48 : i32
        %add3A_358 = arith.addi %mul3A_344, %add3A_357 : i32
        %get3A_359 = arith.index_cast %add3A_358 : i32 to index
        %get3A_360 = tpu.vector_load %arg4[%get3A_359] {strides = array<i32>} : memref<32768xf32, #tpu.memory_space<vmem>>, vector<16xf32>,
        %add3A_361 = arith.constant 64 : i32
        %add3A_362 = arith.addi %mul3A_344, %add3A_361 : i32
        %get3A_363 = arith.index_cast %add3A_362 : i32 to index
        %get3A_364 = tpu.vector_load %arg4[%get3A_363] {strides = array<i32>} : memref<32768xf32, #tpu.memory_space<vmem>>, vector<16xf32>,
        %add3A_365 = arith.constant 80 : i32
        %add3A_366 = arith.addi %mul3A_344, %add3A_365 : i32
        %get3A_367 = arith.index_cast %add3A_366 : i32 to index
        %get3A_368 = tpu.vector_load %arg4[%get3A_367] {strides = array<i32>} : memref<32768xf32, #tpu.memory_space<vmem>>, vector<16xf32>,
        %add3A_369 = arith.constant 96 : i32
        %add3A_370 = arith.addi %mul3A_344, %add3A_369 : i32
        %get3A_371 = arith.index_cast %add3A_370 : i32 to index
        %get3A_372 = tpu.vector_load %arg4[%get3A_371] {strides = array<i32>} : memref<32768xf32, #tpu.memory_space<vmem>>, vector<16xf32>,
        %add3A_373 = arith.constant 112 : i32
        %add3A_374 = arith.addi %mul3A_344, %add3A_373 : i32
        %get3A_375 = arith.index_cast %add3A_374 : i32 to index
        %get3A_376 = tpu.vector_load %arg4[%get3A_375] {strides = array<i32>} : memref<32768xf32, #tpu.memory_space<vmem>>, vector<16xf32>,
        %max3A_377 = arith.maximumf %get3A_348, %get3A_352 : vector<16xf32>
        %min3A = arith.minimumf %get3A_348, %get3A_352 : vector<16xf32>
        %max3A_378 = arith.maximumf %get3A_356, %get3A_360 : vector<16xf32>
        %min3A_379 = arith.minimumf %get3A_356, %get3A_360 : vector<16xf32>
        %max3A_380 = arith.maximumf %get3A_364, %get3A_368 : vector<16xf32>
        %min3A_381 = arith.minimumf %get3A_364, %get3A_368 : vector<16xf32>
        %max3A_382 = arith.maximumf %get3A_372, %get3A_376 : vector<16xf32>
        %min3A_383 = arith.minimumf %get3A_372, %get3A_376 : vector<16xf32>
        %max3A_384 = arith.maximumf %max3A_377, %max3A_378 : vector<16xf32>
        %min3A_385 = arith.minimumf %max3A_377, %max3A_378 : vector<16xf32>
        %max3A_386 = arith.maximumf %min3A, %min3A_379 : vector<16xf32>
        %min3A_387 = arith.minimumf %min3A, %min3A_379 : vector<16xf32>
        %max3A_388 = arith.maximumf %max3A_380, %max3A_382 : vector<16xf32>
        %min3A_389 = arith.minimumf %max3A_380, %max3A_382 : vector<16xf32>
        %max3A_390 = arith.maximumf %min3A_381, %min3A_383 : vector<16xf32>
        %min3A_391 = arith.minimumf %min3A_381, %min3A_383 : vector<16xf32>
        %max3A_392 = arith.maximumf %max3A_386, %min3A_385 : vector<16xf32>
        %min3A_393 = arith.minimumf %max3A_386, %min3A_385 : vector<16xf32>
        %max3A_394 = arith.maximumf %max3A_390, %min3A_389 : vector<16xf32>
        %min3A_395 = arith.minimumf %max3A_390, %min3A_389 : vector<16xf32>
        %max3A_396 = arith.maximumf %max3A_384, %max3A_388 : vector<16xf32>
        %min3A_397 = arith.minimumf %max3A_384, %max3A_388 : vector<16xf32>
        %max3A_398 = arith.maximumf %max3A_392, %max3A_394 : vector<16xf32>
        %min3A_399 = arith.minimumf %max3A_392, %max3A_394 : vector<16xf32>
        %max3A_400 = arith.maximumf %min3A_393, %min3A_395 : vector<16xf32>
        %min3A_401 = arith.minimumf %min3A_393, %min3A_395 : vector<16xf32>
        %max3A_402 = arith.maximumf %min3A_387, %min3A_391 : vector<16xf32>
        %min3A_403 = arith.minimumf %min3A_387, %min3A_391 : vector<16xf32>
        %max3A_404 = arith.maximumf %max3A_400, %min3A_397 : vector<16xf32>
        %min3A_405 = arith.minimumf %max3A_400, %min3A_397 : vector<16xf32>
        %max3A_406 = arith.maximumf %max3A_402, %min3A_399 : vector<16xf32>
        %min3A_407 = arith.minimumf %max3A_402, %min3A_399 : vector<16xf32>
        %max3A_408 = arith.maximumf %max3A_398, %max3A_404 : vector<16xf32>
        %min3A_409 = arith.minimumf %max3A_398, %max3A_404 : vector<16xf32>
        %max3A_410 = arith.maximumf %max3A_406, %min3A_405 : vector<16xf32>
        %min3A_411 = arith.minimumf %max3A_406, %min3A_405 : vector<16xf32>
        %max3A_412 = arith.maximumf %min3A_407, %min3A_401 : vector<16xf32>
        %min3A_413 = arith.minimumf %min3A_407, %min3A_401 : vector<16xf32>
        %max3A_414 = arith.maximumf %while3A_333, %min3A_403 : vector<16xf32>
        %max3A_415 = arith.maximumf %while3A_334, %min3A_413 : vector<16xf32>
        %max3A_416 = arith.maximumf %while3A_335, %max3A_412 : vector<16xf32>
        %max3A_417 = arith.maximumf %while3A_336, %min3A_411 : vector<16xf32>
        %max3A_418 = arith.maximumf %while3A_337, %max3A_410 : vector<16xf32>
        %max3A_419 = arith.maximumf %while3A_338, %min3A_409 : vector<16xf32>
        %max3A_420 = arith.maximumf %while3A_339, %max3A_408 : vector<16xf32>
        %max3A_421 = arith.maximumf %while3A_340, %max3A_396 : vector<16xf32>
        %max3A_422 = arith.maximumf %max3A_414, %max3A_418 : vector<16xf32>
        %min3A_423 = arith.minimumf %max3A_414, %max3A_418 : vector<16xf32>
        %max3A_424 = arith.maximumf %max3A_415, %max3A_419 : vector<16xf32>
        %min3A_425 = arith.minimumf %max3A_415, %max3A_419 : vector<16xf32>
        %max3A_426 = arith.maximumf %max3A_416, %max3A_420 : vector<16xf32>
        %min3A_427 = arith.minimumf %max3A_416, %max3A_420 : vector<16xf32>
        %max3A_428 = arith.maximumf %max3A_417, %max3A_421 : vector<16xf32>
        %min3A_429 = arith.minimumf %max3A_417, %max3A_421 : vector<16xf32>
        %max3A_430 = arith.maximumf %max3A_422, %max3A_426 : vector<16xf32>
        %min3A_431 = arith.minimumf %max3A_422, %max3A_426 : vector<16xf32>
        %max3A_432 = arith.maximumf %max3A_424, %max3A_428 : vector<16xf32>
        %min3A_433 = arith.minimumf %max3A_424, %max3A_428 : vector<16xf32>
        %max3A_434 = arith.maximumf %min3A_423, %min3A_427 : vector<16xf32>
        %min3A_435 = arith.minimumf %min3A_423, %min3A_427 : vector<16xf32>
        %max3A_436 = arith.maximumf %min3A_425, %min3A_429 : vector<16xf32>
        %min3A_437 = arith.minimumf %min3A_425, %min3A_429 : vector<16xf32>
        %max3A_438 = arith.maximumf %max3A_430, %max3A_432 : vector<16xf32>
        %min3A_439 = arith.minimumf %max3A_430, %max3A_432 : vector<16xf32>
        %max3A_440 = arith.maximumf %min3A_431, %min3A_433 : vector<16xf32>
        %min3A_441 = arith.minimumf %min3A_431, %min3A_433 : vector<16xf32>
        %max3A_442 = arith.maximumf %max3A_434, %max3A_436 : vector<16xf32>
        %min3A_443 = arith.minimumf %max3A_434, %max3A_436 : vector<16xf32>
        %max3A_444 = arith.maximumf %min3A_435, %min3A_437 : vector<16xf32>
        %min3A_445 = arith.minimumf %min3A_435, %min3A_437 : vector<16xf32>
        %add3A_446 = arith.constant 128 : i32
        %add3A_447 = arith.addi %mul3A_344, %add3A_446 : i32
        %get3A_448 = arith.index_cast %add3A_447 : i32 to index
        %get3A_449 = tpu.vector_load %arg4[%get3A_448] {strides = array<i32>} : memref<32768xf32, #tpu.memory_space<vmem>>, vector<16xf32>,
        %add3A_450 = arith.constant 144 : i32
        %add3A_451 = arith.addi %mul3A_344, %add3A_450 : i32
        %get3A_452 = arith.index_cast %add3A_451 : i32 to index
        %get3A_453 = tpu.vector_load %arg4[%get3A_452] {strides = array<i32>} : memref<32768xf32, #tpu.memory_space<vmem>>, vector<16xf32>,
        %add3A_454 = arith.constant 160 : i32
        %add3A_455 = arith.addi %mul3A_344, %add3A_454 : i32
        %get3A_456 = arith.index_cast %add3A_455 : i32 to index
        %get3A_457 = tpu.vector_load %arg4[%get3A_456] {strides = array<i32>} : memref<32768xf32, #tpu.memory_space<vmem>>, vector<16xf32>,
        %add3A_458 = arith.constant 176 : i32
        %add3A_459 = arith.addi %mul3A_344, %add3A_458 : i32
        %get3A_460 = arith.index_cast %add3A_459 : i32 to index
        %get3A_461 = tpu.vector_load %arg4[%get3A_460] {strides = array<i32>} : memref<32768xf32, #tpu.memory_space<vmem>>, vector<16xf32>,
        %add3A_462 = arith.constant 192 : i32
        %add3A_463 = arith.addi %mul3A_344, %add3A_462 : i32
        %get3A_464 = arith.index_cast %add3A_463 : i32 to index
        %get3A_465 = tpu.vector_load %arg4[%get3A_464] {strides = array<i32>} : memref<32768xf32, #tpu.memory_space<vmem>>, vector<16xf32>,
        %add3A_466 = arith.constant 208 : i32
        %add3A_467 = arith.addi %mul3A_344, %add3A_466 : i32
        %get3A_468 = arith.index_cast %add3A_467 : i32 to index
        %get3A_469 = tpu.vector_load %arg4[%get3A_468] {strides = array<i32>} : memref<32768xf32, #tpu.memory_space<vmem>>, vector<16xf32>,
        %add3A_470 = arith.constant 224 : i32
        %add3A_471 = arith.addi %mul3A_344, %add3A_470 : i32
        %get3A_472 = arith.index_cast %add3A_471 : i32 to index
        %get3A_473 = tpu.vector_load %arg4[%get3A_472] {strides = array<i32>} : memref<32768xf32, #tpu.memory_space<vmem>>, vector<16xf32>,
        %add3A_474 = arith.constant 240 : i32
        %add3A_475 = arith.addi %mul3A_344, %add3A_474 : i32
        %get3A_476 = arith.index_cast %add3A_475 : i32 to index
        %get3A_477 = tpu.vector_load %arg4[%get3A_476] {strides = array<i32>} : memref<32768xf32, #tpu.memory_space<vmem>>, vector<16xf32>,
        %max3A_478 = arith.maximumf %get3A_449, %get3A_453 : vector<16xf32>
        %min3A_479 = arith.minimumf %get3A_449, %get3A_453 : vector<16xf32>
        %max3A_480 = arith.maximumf %get3A_457, %get3A_461 : vector<16xf32>
        %min3A_481 = arith.minimumf %get3A_457, %get3A_461 : vector<16xf32>
        %max3A_482 = arith.maximumf %get3A_465, %get3A_469 : vector<16xf32>
        %min3A_483 = arith.minimumf %get3A_465, %get3A_469 : vector<16xf32>
        %max3A_484 = arith.maximumf %get3A_473, %get3A_477 : vector<16xf32>
        %min3A_485 = arith.minimumf %get3A_473, %get3A_477 : vector<16xf32>
        %max3A_486 = arith.maximumf %max3A_478, %max3A_480 : vector<16xf32>
        %min3A_487 = arith.minimumf %max3A_478, %max3A_480 : vector<16xf32>
        %max3A_488 = arith.maximumf %min3A_479, %min3A_481 : vector<16xf32>
        %min3A_489 = arith.minimumf %min3A_479, %min3A_481 : vector<16xf32>
        %max3A_490 = arith.maximumf %max3A_482, %max3A_484 : vector<16xf32>
        %min3A_491 = arith.minimumf %max3A_482, %max3A_484 : vector<16xf32>
        %max3A_492 = arith.maximumf %min3A_483, %min3A_485 : vector<16xf32>
        %min3A_493 = arith.minimumf %min3A_483, %min3A_485 : vector<16xf32>
        %max3A_494 = arith.maximumf %max3A_488, %min3A_487 : vector<16xf32>
        %min3A_495 = arith.minimumf %max3A_488, %min3A_487 : vector<16xf32>
        %max3A_496 = arith.maximumf %max3A_492, %min3A_491 : vector<16xf32>
        %min3A_497 = arith.minimumf %max3A_492, %min3A_491 : vector<16xf32>
        %max3A_498 = arith.maximumf %max3A_486, %max3A_490 : vector<16xf32>
        %min3A_499 = arith.minimumf %max3A_486, %max3A_490 : vector<16xf32>
        %max3A_500 = arith.maximumf %max3A_494, %max3A_496 : vector<16xf32>
        %min3A_501 = arith.minimumf %max3A_494, %max3A_496 : vector<16xf32>
        %max3A_502 = arith.maximumf %min3A_495, %min3A_497 : vector<16xf32>
        %min3A_503 = arith.minimumf %min3A_495, %min3A_497 : vector<16xf32>
        %max3A_504 = arith.maximumf %min3A_489, %min3A_493 : vector<16xf32>
        %min3A_505 = arith.minimumf %min3A_489, %min3A_493 : vector<16xf32>
        %max3A_506 = arith.maximumf %max3A_502, %min3A_499 : vector<16xf32>
        %min3A_507 = arith.minimumf %max3A_502, %min3A_499 : vector<16xf32>
        %max3A_508 = arith.maximumf %max3A_504, %min3A_501 : vector<16xf32>
        %min3A_509 = arith.minimumf %max3A_504, %min3A_501 : vector<16xf32>
        %max3A_510 = arith.maximumf %max3A_500, %max3A_506 : vector<16xf32>
        %min3A_511 = arith.minimumf %max3A_500, %max3A_506 : vector<16xf32>
        %max3A_512 = arith.maximumf %max3A_508, %min3A_507 : vector<16xf32>
        %min3A_513 = arith.minimumf %max3A_508, %min3A_507 : vector<16xf32>
        %max3A_514 = arith.maximumf %min3A_509, %min3A_503 : vector<16xf32>
        %min3A_515 = arith.minimumf %min3A_509, %min3A_503 : vector<16xf32>
        %max3A_516 = arith.maximumf %max3A_438, %min3A_505 : vector<16xf32>
        %max3A_517 = arith.maximumf %min3A_439, %min3A_515 : vector<16xf32>
        %max3A_518 = arith.maximumf %max3A_440, %max3A_514 : vector<16xf32>
        %max3A_519 = arith.maximumf %min3A_441, %min3A_513 : vector<16xf32>
        %max3A_520 = arith.maximumf %max3A_442, %max3A_512 : vector<16xf32>
        %max3A_521 = arith.maximumf %min3A_443, %min3A_511 : vector<16xf32>
        %max3A_522 = arith.maximumf %max3A_444, %max3A_510 : vector<16xf32>
        %max3A_523 = arith.maximumf %min3A_445, %max3A_498 : vector<16xf32>
        %max3A_524 = arith.maximumf %max3A_516, %max3A_520 : vector<16xf32>
        %min3A_525 = arith.minimumf %max3A_516, %max3A_520 : vector<16xf32>
        %max3A_526 = arith.maximumf %max3A_517, %max3A_521 : vector<16xf32>
        %min3A_527 = arith.minimumf %max3A_517, %max3A_521 : vector<16xf32>
        %max3A_528 = arith.maximumf %max3A_518, %max3A_522 : vector<16xf32>
        %min3A_529 = arith.minimumf %max3A_518, %max3A_522 : vector<16xf32>
        %max3A_530 = arith.maximumf %max3A_519, %max3A_523 : vector<16xf32>
        %min3A_531 = arith.minimumf %max3A_519, %max3A_523 : vector<16xf32>
        %max3A_532 = arith.maximumf %max3A_524, %max3A_528 : vector<16xf32>
        %min3A_533 = arith.minimumf %max3A_524, %max3A_528 : vector<16xf32>
        %max3A_534 = arith.maximumf %max3A_526, %max3A_530 : vector<16xf32>
        %min3A_535 = arith.minimumf %max3A_526, %max3A_530 : vector<16xf32>
        %max3A_536 = arith.maximumf %min3A_525, %min3A_529 : vector<16xf32>
        %min3A_537 = arith.minimumf %min3A_525, %min3A_529 : vector<16xf32>
        %max3A_538 = arith.maximumf %min3A_527, %min3A_531 : vector<16xf32>
        %min3A_539 = arith.minimumf %min3A_527, %min3A_531 : vector<16xf32>
        %max3A_540 = arith.maximumf %max3A_532, %max3A_534 : vector<16xf32>
        %min3A_541 = arith.minimumf %max3A_532, %max3A_534 : vector<16xf32>
        %max3A_542 = arith.maximumf %min3A_533, %min3A_535 : vector<16xf32>
        %min3A_543 = arith.minimumf %min3A_533, %min3A_535 : vector<16xf32>
        %max3A_544 = arith.maximumf %max3A_536, %max3A_538 : vector<16xf32>
        %min3A_545 = arith.minimumf %max3A_536, %max3A_538 : vector<16xf32>
        %max3A_546 = arith.maximumf %min3A_537, %min3A_539 : vector<16xf32>
        %min3A_547 = arith.minimumf %min3A_537, %min3A_539 : vector<16xf32>
        scf.yield %max3A_540, %min3A_541, %max3A_542, %min3A_543, %max3A_544, %min3A_545, %max3A_546, %min3A_547 : vector<16xf32>, vector<16xf32>, vector<16xf32>, vector<16xf32>, vector<16xf32>, vector<16xf32>, vector<16xf32>, vector<16xf32>
      }
      %lt3A = arith.constant 1 : i32
      "tpu.trace_stop"() : () -> ()
      %lt3A_64 = arith.cmpi slt, %scan3A_19, %lt3A : i32
      %convert_element_type3A_65 = arith.extui %lt3A_64 : i1 to i32
      %cond3A_66 = arith.constant 0 : i32
      %cond3A_67 = arith.cmpi ne, %convert_element_type3A_65, %cond3A_66 : i32
      scf.if %cond3A_67 {
        %add3A_332 = arith.addi %mul3A_2, %add3A_23 : i32
        %add3A_333 = arith.constant 2 : i32
        %add3A_334 = arith.addi %add3A_332, %add3A_333 : i32
        %dma_start3A_335 = arith.constant 0 : i32
        %dma_start3A_336 = tpu.memref_slice %arg2[%add3A_334, %dma_start3A_335] : memref<128x32768xf32, #tpu.memory_space<hbm>> -> memref<1x32768xf32, #tpu.memory_space<hbm>>
        %dma_start3A_337 = tpu.memref_squeeze %dma_start3A_336 : memref<1x32768xf32, #tpu.memory_space<hbm>> -> memref<32768xf32, #tpu.memory_space<hbm>>
        %dma_start3A_338 = arith.constant 0 : i32
        %dma_start3A_339 = tpu.memref_slice %arg2[%add3A_334, %dma_start3A_338] : memref<128x32768xf32, #tpu.memory_space<hbm>> -> memref<1x32768xf32, #tpu.memory_space<hbm>>
        %dma_start3A_340 = tpu.memref_squeeze %dma_start3A_339 : memref<1x32768xf32, #tpu.memory_space<hbm>> -> memref<32768xf32, #tpu.memory_space<hbm>>
        tpu.enqueue_dma source(%dma_start3A_340 : memref<32768xf32, #tpu.memory_space<hbm>>) target(%arg4 : memref<32768xf32, #tpu.memory_space<vmem>>) target_semaphore(%arg10 : memref<!tpu.dma_semaphore, #tpu.memory_space<semaphore_mem>>)
      } else {
      }
      "tpu.trace_start"() <{level = 10 : i32, message = "select"}> : () -> ()
      %masked_sort3A_68 = arith.constant dense<true> : vector<16xi1>
      %masked_sort3A_69, %masked_sort3A_70, %masked_sort3A_71 = tpu.sort %while3A_63#0, %while3A_63#0 masked %masked_sort3A_68 {descending = true} : (vector<16xf32>, vector<16xf32>, vector<16xi1>) -> (vector<16xi1>, vector<16xf32>, vector<16xf32>)
      %masked_sort3A_72 = arith.constant dense<true> : vector<16xi1>
      %masked_sort3A_73, %masked_sort3A_74, %masked_sort3A_75 = tpu.sort %while3A_63#1, %while3A_63#1 masked %masked_sort3A_72 {descending = true} : (vector<16xf32>, vector<16xf32>, vector<16xi1>) -> (vector<16xi1>, vector<16xf32>, vector<16xf32>)
      %masked_sort3A_76 = arith.constant dense<true> : vector<16xi1>
      %masked_sort3A_77, %masked_sort3A_78, %masked_sort3A_79 = tpu.sort %while3A_63#2, %while3A_63#2 masked %masked_sort3A_76 {descending = true} : (vector<16xf32>, vector<16xf32>, vector<16xi1>) -> (vector<16xi1>, vector<16xf32>, vector<16xf32>)
      %masked_sort3A_80 = arith.constant dense<true> : vector<16xi1>
      %masked_sort3A_81, %masked_sort3A_82, %masked_sort3A_83 = tpu.sort %while3A_63#3, %while3A_63#3 masked %masked_sort3A_80 {descending = true} : (vector<16xf32>, vector<16xf32>, vector<16xi1>) -> (vector<16xi1>, vector<16xf32>, vector<16xf32>)
      %masked_sort3A_84 = arith.constant dense<true> : vector<16xi1>
      %masked_sort3A_85, %masked_sort3A_86, %masked_sort3A_87 = tpu.sort %while3A_63#4, %while3A_63#4 masked %masked_sort3A_84 {descending = true} : (vector<16xf32>, vector<16xf32>, vector<16xi1>) -> (vector<16xi1>, vector<16xf32>, vector<16xf32>)
      %masked_sort3A_88 = arith.constant dense<true> : vector<16xi1>
      %masked_sort3A_89, %masked_sort3A_90, %masked_sort3A_91 = tpu.sort %while3A_63#5, %while3A_63#5 masked %masked_sort3A_88 {descending = true} : (vector<16xf32>, vector<16xf32>, vector<16xi1>) -> (vector<16xi1>, vector<16xf32>, vector<16xf32>)
      %masked_sort3A_92 = arith.constant dense<true> : vector<16xi1>
      %masked_sort3A_93, %masked_sort3A_94, %masked_sort3A_95 = tpu.sort %while3A_63#6, %while3A_63#6 masked %masked_sort3A_92 {descending = true} : (vector<16xf32>, vector<16xf32>, vector<16xi1>) -> (vector<16xi1>, vector<16xf32>, vector<16xf32>)
      %masked_sort3A_96 = arith.constant dense<true> : vector<16xi1>
      %masked_sort3A_97, %masked_sort3A_98, %masked_sort3A_99 = tpu.sort %while3A_63#7, %while3A_63#7 masked %masked_sort3A_96 {descending = true} : (vector<16xf32>, vector<16xf32>, vector<16xi1>) -> (vector<16xi1>, vector<16xf32>, vector<16xf32>)
      %rev3A = arith.constant 15 : i32
      %rev3A_100 = vector.broadcast %rev3A : i32 to vector<16xi32>
      %rev3A_101 = tpu.iota {dimensions = array<i32: 0>} : vector<16xi32>
      %rev3A_102 = arith.subi %rev3A_100, %rev3A_101 : vector<16xi32>
      %rev3A_103 = tpu.dynamic_gather %masked_sort3A_74[%rev3A_102] in [0] : vector<16xf32>, vector<16xi32> -> vector<16xf32>
      %max3A = arith.maximumf %masked_sort3A_70, %rev3A_103 : vector<16xf32>
      %masked_sort3A_104 = arith.constant dense<true> : vector<16xi1>
      %masked_sort3A_105, %masked_sort3A_106, %masked_sort3A_107 = tpu.sort %max3A, %max3A masked %masked_sort3A_104 {descending = true} : (vector<16xf32>, vector<16xf32>, vector<16xi1>) -> (vector<16xi1>, vector<16xf32>, vector<16xf32>)
      %rev3A_108 = arith.constant 15 : i32
      %rev3A_109 = vector.broadcast %rev3A_108 : i32 to vector<16xi32>
      %rev3A_110 = tpu.iota {dimensions = array<i32: 0>} : vector<16xi32>
      %rev3A_111 = arith.subi %rev3A_109, %rev3A_110 : vector<16xi32>
      %rev3A_112 = tpu.dynamic_gather %masked_sort3A_82[%rev3A_111] in [0] : vector<16xf32>, vector<16xi32> -> vector<16xf32>
      %max3A_113 = arith.maximumf %masked_sort3A_78, %rev3A_112 : vector<16xf32>
      %masked_sort3A_114 = arith.constant dense<true> : vector<16xi1>
      %masked_sort3A_115, %masked_sort3A_116, %masked_sort3A_117 = tpu.sort %max3A_113, %max3A_113 masked %masked_sort3A_114 {descending = true} : (vector<16xf32>, vector<16xf32>, vector<16xi1>) -> (vector<16xi1>, vector<16xf32>, vector<16xf32>)
      %rev3A_118 = arith.constant 15 : i32
      %rev3A_119 = vector.broadcast %rev3A_118 : i32 to vector<16xi32>
      %rev3A_120 = tpu.iota {dimensions = array<i32: 0>} : vector<16xi32>
      %rev3A_121 = arith.subi %rev3A_119, %rev3A_120 : vector<16xi32>
      %rev3A_122 = tpu.dynamic_gather %masked_sort3A_90[%rev3A_121] in [0] : vector<16xf32>, vector<16xi32> -> vector<16xf32>
      %max3A_123 = arith.maximumf %masked_sort3A_86, %rev3A_122 : vector<16xf32>
      %masked_sort3A_124 = arith.constant dense<true> : vector<16xi1>
      %masked_sort3A_125, %masked_sort3A_126, %masked_sort3A_127 = tpu.sort %max3A_123, %max3A_123 masked %masked_sort3A_124 {descending = true} : (vector<16xf32>, vector<16xf32>, vector<16xi1>) -> (vector<16xi1>, vector<16xf32>, vector<16xf32>)
      %rev3A_128 = arith.constant 15 : i32
      %rev3A_129 = vector.broadcast %rev3A_128 : i32 to vector<16xi32>
      %rev3A_130 = tpu.iota {dimensions = array<i32: 0>} : vector<16xi32>
      %rev3A_131 = arith.subi %rev3A_129, %rev3A_130 : vector<16xi32>
      %rev3A_132 = tpu.dynamic_gather %masked_sort3A_98[%rev3A_131] in [0] : vector<16xf32>, vector<16xi32> -> vector<16xf32>
      %max3A_133 = arith.maximumf %masked_sort3A_94, %rev3A_132 : vector<16xf32>
      %masked_sort3A_134 = arith.constant dense<true> : vector<16xi1>
      %masked_sort3A_135, %masked_sort3A_136, %masked_sort3A_137 = tpu.sort %max3A_133, %max3A_133 masked %masked_sort3A_134 {descending = true} : (vector<16xf32>, vector<16xf32>, vector<16xi1>) -> (vector<16xi1>, vector<16xf32>, vector<16xf32>)
      %rev3A_138 = arith.constant 15 : i32
      %rev3A_139 = vector.broadcast %rev3A_138 : i32 to vector<16xi32>
      %rev3A_140 = tpu.iota {dimensions = array<i32: 0>} : vector<16xi32>
      %rev3A_141 = arith.subi %rev3A_139, %rev3A_140 : vector<16xi32>
      %rev3A_142 = tpu.dynamic_gather %masked_sort3A_116[%rev3A_141] in [0] : vector<16xf32>, vector<16xi32> -> vector<16xf32>
      %max3A_143 = arith.maximumf %masked_sort3A_106, %rev3A_142 : vector<16xf32>
      %masked_sort3A_144 = arith.constant dense<true> : vector<16xi1>
      %masked_sort3A_145, %masked_sort3A_146, %masked_sort3A_147 = tpu.sort %max3A_143, %max3A_143 masked %masked_sort3A_144 {descending = true} : (vector<16xf32>, vector<16xf32>, vector<16xi1>) -> (vector<16xi1>, vector<16xf32>, vector<16xf32>)
      %rev3A_148 = arith.constant 15 : i32
      %rev3A_149 = vector.broadcast %rev3A_148 : i32 to vector<16xi32>
      %rev3A_150 = tpu.iota {dimensions = array<i32: 0>} : vector<16xi32>
      %rev3A_151 = arith.subi %rev3A_149, %rev3A_150 : vector<16xi32>
      %rev3A_152 = tpu.dynamic_gather %masked_sort3A_136[%rev3A_151] in [0] : vector<16xf32>, vector<16xi32> -> vector<16xf32>
      %max3A_153 = arith.maximumf %masked_sort3A_126, %rev3A_152 : vector<16xf32>
      %masked_sort3A_154 = arith.constant dense<true> : vector<16xi1>
      %masked_sort3A_155, %masked_sort3A_156, %masked_sort3A_157 = tpu.sort %max3A_153, %max3A_153 masked %masked_sort3A_154 {descending = true} : (vector<16xf32>, vector<16xf32>, vector<16xi1>) -> (vector<16xi1>, vector<16xf32>, vector<16xf32>)
      %rev3A_158 = arith.constant 15 : i32
      %rev3A_159 = vector.broadcast %rev3A_158 : i32 to vector<16xi32>
      %rev3A_160 = tpu.iota {dimensions = array<i32: 0>} : vector<16xi32>
      %rev3A_161 = arith.subi %rev3A_159, %rev3A_160 : vector<16xi32>
      %rev3A_162 = tpu.dynamic_gather %masked_sort3A_156[%rev3A_161] in [0] : vector<16xf32>, vector<16xi32> -> vector<16xf32>
      %max3A_163 = arith.maximumf %masked_sort3A_146, %rev3A_162 : vector<16xf32>
      %masked_sort3A_164 = arith.constant dense<true> : vector<16xi1>
      %masked_sort3A_165, %masked_sort3A_166, %masked_sort3A_167 = tpu.sort %max3A_163, %max3A_163 masked %masked_sort3A_164 {descending = true} : (vector<16xf32>, vector<16xf32>, vector<16xi1>) -> (vector<16xi1>, vector<16xf32>, vector<16xf32>)
      "tpu.trace_stop"() : () -> ()
      %mul3A_168 = arith.constant 2 : i32
      %mul3A_169 = arith.muli %scan3A_19, %mul3A_168 : i32
      %add3A_170 = arith.constant 1 : i32
      %add3A_171 = arith.addi %mul3A_169, %add3A_170 : i32
      "tpu.trace_start"() <{level = 10 : i32, message = "dma_wait"}> : () -> ()
      %add3A_172 = arith.addi %mul3A_2, %add3A_171 : i32
      %dma_wait3A_173 = arith.constant 0 : i32
      %dma_wait3A_174 = tpu.memref_slice %arg2[%add3A_172, %dma_wait3A_173] : memref<128x32768xf32, #tpu.memory_space<hbm>> -> memref<1x32768xf32, #tpu.memory_space<hbm>>
      %dma_wait3A_175 = tpu.memref_squeeze %dma_wait3A_174 : memref<1x32768xf32, #tpu.memory_space<hbm>> -> memref<32768xf32, #tpu.memory_space<hbm>>
      %dma_wait3A_176 = arith.constant 0 : i32
      %dma_wait3A_177 = tpu.memref_slice %arg2[%add3A_172, %dma_wait3A_176] : memref<128x32768xf32, #tpu.memory_space<hbm>> -> memref<1x32768xf32, #tpu.memory_space<hbm>>
      %dma_wait3A_178 = tpu.memref_squeeze %dma_wait3A_177 : memref<1x32768xf32, #tpu.memory_space<hbm>> -> memref<32768xf32, #tpu.memory_space<hbm>>
      tpu.wait_dma2 semaphore(%arg11 : memref<!tpu.dma_semaphore, #tpu.memory_space<semaphore_mem>>) src(%dma_wait3A_178 : memref<32768xf32, #tpu.memory_space<hbm>>) dst(%arg5 : memref<32768xf32, #tpu.memory_space<vmem>>)
      "tpu.trace_stop"() : () -> ()
      "tpu.trace_start"() <{level = 10 : i32, message = "passA"}> : () -> ()
      %scan3A_179 = arith.constant 0 : i32
      %scan3A_180 = arith.constant 64 : i32
      %scan3A_181 = arith.addi %scan3A_179, %scan3A_180 : i32
      %scan3A_182 = arith.constant 1 : i32
      %scan3A_183 = scf.for %scan3A_332 = %scan3A_179 to %scan3A_181 step %scan3A_182 iter_args(%scan3A_333 = %broadcast_in_dim3A_6) -> (vector<16xf32>)  : i32 {
        %mul3A_334 = arith.constant 2 : i32
        %mul3A_335 = arith.muli %scan3A_332, %mul3A_334 : i32
        %add3A_336 = arith.constant 0 : i32
        %add3A_337 = arith.addi %mul3A_335, %add3A_336 : i32
        %mul3A_338 = arith.constant 256 : i32
        %mul3A_339 = arith.muli %add3A_337, %mul3A_338 : i32
        %add3A_340 = arith.constant 0 : i32
        %add3A_341 = arith.addi %mul3A_339, %add3A_340 : i32
        %get3A_342 = arith.index_cast %add3A_341 : i32 to index
        %get3A_343 = tpu.vector_load %arg5[%get3A_342] {strides = array<i32>} : memref<32768xf32, #tpu.memory_space<vmem>>, vector<16xf32>,
        %add3A_344 = arith.constant 16 : i32
        %add3A_345 = arith.addi %mul3A_339, %add3A_344 : i32
        %get3A_346 = arith.index_cast %add3A_345 : i32 to index
        %get3A_347 = tpu.vector_load %arg5[%get3A_346] {strides = array<i32>} : memref<32768xf32, #tpu.memory_space<vmem>>, vector<16xf32>,
        %add3A_348 = arith.constant 32 : i32
        %add3A_349 = arith.addi %mul3A_339, %add3A_348 : i32
        %get3A_350 = arith.index_cast %add3A_349 : i32 to index
        %get3A_351 = tpu.vector_load %arg5[%get3A_350] {strides = array<i32>} : memref<32768xf32, #tpu.memory_space<vmem>>, vector<16xf32>,
        %add3A_352 = arith.constant 48 : i32
        %add3A_353 = arith.addi %mul3A_339, %add3A_352 : i32
        %get3A_354 = arith.index_cast %add3A_353 : i32 to index
        %get3A_355 = tpu.vector_load %arg5[%get3A_354] {strides = array<i32>} : memref<32768xf32, #tpu.memory_space<vmem>>, vector<16xf32>,
        %add3A_356 = arith.constant 64 : i32
        %add3A_357 = arith.addi %mul3A_339, %add3A_356 : i32
        %get3A_358 = arith.index_cast %add3A_357 : i32 to index
        %get3A_359 = tpu.vector_load %arg5[%get3A_358] {strides = array<i32>} : memref<32768xf32, #tpu.memory_space<vmem>>, vector<16xf32>,
        %add3A_360 = arith.constant 80 : i32
        %add3A_361 = arith.addi %mul3A_339, %add3A_360 : i32
        %get3A_362 = arith.index_cast %add3A_361 : i32 to index
        %get3A_363 = tpu.vector_load %arg5[%get3A_362] {strides = array<i32>} : memref<32768xf32, #tpu.memory_space<vmem>>, vector<16xf32>,
        %add3A_364 = arith.constant 96 : i32
        %add3A_365 = arith.addi %mul3A_339, %add3A_364 : i32
        %get3A_366 = arith.index_cast %add3A_365 : i32 to index
        %get3A_367 = tpu.vector_load %arg5[%get3A_366] {strides = array<i32>} : memref<32768xf32, #tpu.memory_space<vmem>>, vector<16xf32>,
        %add3A_368 = arith.constant 112 : i32
        %add3A_369 = arith.addi %mul3A_339, %add3A_368 : i32
        %get3A_370 = arith.index_cast %add3A_369 : i32 to index
        %get3A_371 = tpu.vector_load %arg5[%get3A_370] {strides = array<i32>} : memref<32768xf32, #tpu.memory_space<vmem>>, vector<16xf32>,
        %add3A_372 = arith.constant 128 : i32
        %add3A_373 = arith.addi %mul3A_339, %add3A_372 : i32
        %get3A_374 = arith.index_cast %add3A_373 : i32 to index
        %get3A_375 = tpu.vector_load %arg5[%get3A_374] {strides = array<i32>} : memref<32768xf32, #tpu.memory_space<vmem>>, vector<16xf32>,
        %add3A_376 = arith.constant 144 : i32
        %add3A_377 = arith.addi %mul3A_339, %add3A_376 : i32
        %get3A_378 = arith.index_cast %add3A_377 : i32 to index
        %get3A_379 = tpu.vector_load %arg5[%get3A_378] {strides = array<i32>} : memref<32768xf32, #tpu.memory_space<vmem>>, vector<16xf32>,
        %add3A_380 = arith.constant 160 : i32
        %add3A_381 = arith.addi %mul3A_339, %add3A_380 : i32
        %get3A_382 = arith.index_cast %add3A_381 : i32 to index
        %get3A_383 = tpu.vector_load %arg5[%get3A_382] {strides = array<i32>} : memref<32768xf32, #tpu.memory_space<vmem>>, vector<16xf32>,
        %add3A_384 = arith.constant 176 : i32
        %add3A_385 = arith.addi %mul3A_339, %add3A_384 : i32
        %get3A_386 = arith.index_cast %add3A_385 : i32 to index
        %get3A_387 = tpu.vector_load %arg5[%get3A_386] {strides = array<i32>} : memref<32768xf32, #tpu.memory_space<vmem>>, vector<16xf32>,
        %add3A_388 = arith.constant 192 : i32
        %add3A_389 = arith.addi %mul3A_339, %add3A_388 : i32
        %get3A_390 = arith.index_cast %add3A_389 : i32 to index
        %get3A_391 = tpu.vector_load %arg5[%get3A_390] {strides = array<i32>} : memref<32768xf32, #tpu.memory_space<vmem>>, vector<16xf32>,
        %add3A_392 = arith.constant 208 : i32
        %add3A_393 = arith.addi %mul3A_339, %add3A_392 : i32
        %get3A_394 = arith.index_cast %add3A_393 : i32 to index
        %get3A_395 = tpu.vector_load %arg5[%get3A_394] {strides = array<i32>} : memref<32768xf32, #tpu.memory_space<vmem>>, vector<16xf32>,
        %add3A_396 = arith.constant 224 : i32
        %add3A_397 = arith.addi %mul3A_339, %add3A_396 : i32
        %get3A_398 = arith.index_cast %add3A_397 : i32 to index
        %get3A_399 = tpu.vector_load %arg5[%get3A_398] {strides = array<i32>} : memref<32768xf32, #tpu.memory_space<vmem>>, vector<16xf32>,
        %add3A_400 = arith.constant 240 : i32
        %add3A_401 = arith.addi %mul3A_339, %add3A_400 : i32
        %get3A_402 = arith.index_cast %add3A_401 : i32 to index
        %get3A_403 = tpu.vector_load %arg5[%get3A_402] {strides = array<i32>} : memref<32768xf32, #tpu.memory_space<vmem>>, vector<16xf32>,
        %max3A_404 = arith.maximumf %get3A_343, %get3A_347 : vector<16xf32>
        %max3A_405 = arith.maximumf %get3A_351, %get3A_355 : vector<16xf32>
        %max3A_406 = arith.maximumf %get3A_359, %get3A_363 : vector<16xf32>
        %max3A_407 = arith.maximumf %get3A_367, %get3A_371 : vector<16xf32>
        %max3A_408 = arith.maximumf %get3A_375, %get3A_379 : vector<16xf32>
        %max3A_409 = arith.maximumf %get3A_383, %get3A_387 : vector<16xf32>
        %max3A_410 = arith.maximumf %get3A_391, %get3A_395 : vector<16xf32>
        %max3A_411 = arith.maximumf %get3A_399, %get3A_403 : vector<16xf32>
        %max3A_412 = arith.maximumf %max3A_404, %max3A_405 : vector<16xf32>
        %max3A_413 = arith.maximumf %max3A_406, %max3A_407 : vector<16xf32>
        %max3A_414 = arith.maximumf %max3A_408, %max3A_409 : vector<16xf32>
        %max3A_415 = arith.maximumf %max3A_410, %max3A_411 : vector<16xf32>
        %max3A_416 = arith.maximumf %max3A_412, %max3A_413 : vector<16xf32>
        %max3A_417 = arith.maximumf %max3A_414, %max3A_415 : vector<16xf32>
        %max3A_418 = arith.maximumf %max3A_416, %max3A_417 : vector<16xf32>
        %add3A_419 = vector.broadcast %add3A_337 : i32 to vector<16xi32>
        %add3A_420 = arith.addi %mul3A_5, %add3A_419 : vector<16xi32>
        tpu.vector_store_idx %arg6[%add3A_420], %max3A_418 : memref<2064xf32, #tpu.memory_space<vmem>>[vector<16xi32>], vector<16xf32>,
        %mul3A_421 = arith.constant 2 : i32
        %mul3A_422 = arith.muli %scan3A_332, %mul3A_421 : i32
        %add3A_423 = arith.constant 1 : i32
        %add3A_424 = arith.addi %mul3A_422, %add3A_423 : i32
        %mul3A_425 = arith.constant 256 : i32
        %mul3A_426 = arith.muli %add3A_424, %mul3A_425 : i32
        %add3A_427 = arith.constant 0 : i32
        %add3A_428 = arith.addi %mul3A_426, %add3A_427 : i32
        %get3A_429 = arith.index_cast %add3A_428 : i32 to index
        %get3A_430 = tpu.vector_load %arg5[%get3A_429] {strides = array<i32>} : memref<32768xf32, #tpu.memory_space<vmem>>, vector<16xf32>,
        %add3A_431 = arith.constant 16 : i32
        %add3A_432 = arith.addi %mul3A_426, %add3A_431 : i32
        %get3A_433 = arith.index_cast %add3A_432 : i32 to index
        %get3A_434 = tpu.vector_load %arg5[%get3A_433] {strides = array<i32>} : memref<32768xf32, #tpu.memory_space<vmem>>, vector<16xf32>,
        %add3A_435 = arith.constant 32 : i32
        %add3A_436 = arith.addi %mul3A_426, %add3A_435 : i32
        %get3A_437 = arith.index_cast %add3A_436 : i32 to index
        %get3A_438 = tpu.vector_load %arg5[%get3A_437] {strides = array<i32>} : memref<32768xf32, #tpu.memory_space<vmem>>, vector<16xf32>,
        %add3A_439 = arith.constant 48 : i32
        %add3A_440 = arith.addi %mul3A_426, %add3A_439 : i32
        %get3A_441 = arith.index_cast %add3A_440 : i32 to index
        %get3A_442 = tpu.vector_load %arg5[%get3A_441] {strides = array<i32>} : memref<32768xf32, #tpu.memory_space<vmem>>, vector<16xf32>,
        %add3A_443 = arith.constant 64 : i32
        %add3A_444 = arith.addi %mul3A_426, %add3A_443 : i32
        %get3A_445 = arith.index_cast %add3A_444 : i32 to index
        %get3A_446 = tpu.vector_load %arg5[%get3A_445] {strides = array<i32>} : memref<32768xf32, #tpu.memory_space<vmem>>, vector<16xf32>,
        %add3A_447 = arith.constant 80 : i32
        %add3A_448 = arith.addi %mul3A_426, %add3A_447 : i32
        %get3A_449 = arith.index_cast %add3A_448 : i32 to index
        %get3A_450 = tpu.vector_load %arg5[%get3A_449] {strides = array<i32>} : memref<32768xf32, #tpu.memory_space<vmem>>, vector<16xf32>,
        %add3A_451 = arith.constant 96 : i32
        %add3A_452 = arith.addi %mul3A_426, %add3A_451 : i32
        %get3A_453 = arith.index_cast %add3A_452 : i32 to index
        %get3A_454 = tpu.vector_load %arg5[%get3A_453] {strides = array<i32>} : memref<32768xf32, #tpu.memory_space<vmem>>, vector<16xf32>,
        %add3A_455 = arith.constant 112 : i32
        %add3A_456 = arith.addi %mul3A_426, %add3A_455 : i32
        %get3A_457 = arith.index_cast %add3A_456 : i32 to index
        %get3A_458 = tpu.vector_load %arg5[%get3A_457] {strides = array<i32>} : memref<32768xf32, #tpu.memory_space<vmem>>, vector<16xf32>,
        %add3A_459 = arith.constant 128 : i32
        %add3A_460 = arith.addi %mul3A_426, %add3A_459 : i32
        %get3A_461 = arith.index_cast %add3A_460 : i32 to index
        %get3A_462 = tpu.vector_load %arg5[%get3A_461] {strides = array<i32>} : memref<32768xf32, #tpu.memory_space<vmem>>, vector<16xf32>,
        %add3A_463 = arith.constant 144 : i32
        %add3A_464 = arith.addi %mul3A_426, %add3A_463 : i32
        %get3A_465 = arith.index_cast %add3A_464 : i32 to index
        %get3A_466 = tpu.vector_load %arg5[%get3A_465] {strides = array<i32>} : memref<32768xf32, #tpu.memory_space<vmem>>, vector<16xf32>,
        %add3A_467 = arith.constant 160 : i32
        %add3A_468 = arith.addi %mul3A_426, %add3A_467 : i32
        %get3A_469 = arith.index_cast %add3A_468 : i32 to index
        %get3A_470 = tpu.vector_load %arg5[%get3A_469] {strides = array<i32>} : memref<32768xf32, #tpu.memory_space<vmem>>, vector<16xf32>,
        %add3A_471 = arith.constant 176 : i32
        %add3A_472 = arith.addi %mul3A_426, %add3A_471 : i32
        %get3A_473 = arith.index_cast %add3A_472 : i32 to index
        %get3A_474 = tpu.vector_load %arg5[%get3A_473] {strides = array<i32>} : memref<32768xf32, #tpu.memory_space<vmem>>, vector<16xf32>,
        %add3A_475 = arith.constant 192 : i32
        %add3A_476 = arith.addi %mul3A_426, %add3A_475 : i32
        %get3A_477 = arith.index_cast %add3A_476 : i32 to index
        %get3A_478 = tpu.vector_load %arg5[%get3A_477] {strides = array<i32>} : memref<32768xf32, #tpu.memory_space<vmem>>, vector<16xf32>,
        %add3A_479 = arith.constant 208 : i32
        %add3A_480 = arith.addi %mul3A_426, %add3A_479 : i32
        %get3A_481 = arith.index_cast %add3A_480 : i32 to index
        %get3A_482 = tpu.vector_load %arg5[%get3A_481] {strides = array<i32>} : memref<32768xf32, #tpu.memory_space<vmem>>, vector<16xf32>,
        %add3A_483 = arith.constant 224 : i32
        %add3A_484 = arith.addi %mul3A_426, %add3A_483 : i32
        %get3A_485 = arith.index_cast %add3A_484 : i32 to index
        %get3A_486 = tpu.vector_load %arg5[%get3A_485] {strides = array<i32>} : memref<32768xf32, #tpu.memory_space<vmem>>, vector<16xf32>,
        %add3A_487 = arith.constant 240 : i32
        %add3A_488 = arith.addi %mul3A_426, %add3A_487 : i32
        %get3A_489 = arith.index_cast %add3A_488 : i32 to index
        %get3A_490 = tpu.vector_load %arg5[%get3A_489] {strides = array<i32>} : memref<32768xf32, #tpu.memory_space<vmem>>, vector<16xf32>,
        %max3A_491 = arith.maximumf %get3A_430, %get3A_434 : vector<16xf32>
        %max3A_492 = arith.maximumf %get3A_438, %get3A_442 : vector<16xf32>
        %max3A_493 = arith.maximumf %get3A_446, %get3A_450 : vector<16xf32>
        %max3A_494 = arith.maximumf %get3A_454, %get3A_458 : vector<16xf32>
        %max3A_495 = arith.maximumf %get3A_462, %get3A_466 : vector<16xf32>
        %max3A_496 = arith.maximumf %get3A_470, %get3A_474 : vector<16xf32>
        %max3A_497 = arith.maximumf %get3A_478, %get3A_482 : vector<16xf32>
        %max3A_498 = arith.maximumf %get3A_486, %get3A_490 : vector<16xf32>
        %max3A_499 = arith.maximumf %max3A_491, %max3A_492 : vector<16xf32>
        %max3A_500 = arith.maximumf %max3A_493, %max3A_494 : vector<16xf32>
        %max3A_501 = arith.maximumf %max3A_495, %max3A_496 : vector<16xf32>
        %max3A_502 = arith.maximumf %max3A_497, %max3A_498 : vector<16xf32>
        %max3A_503 = arith.maximumf %max3A_499, %max3A_500 : vector<16xf32>
        %max3A_504 = arith.maximumf %max3A_501, %max3A_502 : vector<16xf32>
        %max3A_505 = arith.maximumf %max3A_503, %max3A_504 : vector<16xf32>
        %add3A_506 = vector.broadcast %add3A_424 : i32 to vector<16xi32>
        %add3A_507 = arith.addi %mul3A_5, %add3A_506 : vector<16xi32>
        tpu.vector_store_idx %arg6[%add3A_507], %max3A_505 : memref<2064xf32, #tpu.memory_space<vmem>>[vector<16xi32>], vector<16xf32>,
        %max3A_508 = arith.maximumf %max3A_418, %max3A_505 : vector<16xf32>
        %max3A_509 = arith.maximumf %scan3A_333, %max3A_508 : vector<16xf32>
        scf.yield %max3A_509 : vector<16xf32>
      }
      %scan3A_184 = arith.constant 64 : i32
      "tpu.trace_stop"() : () -> ()
      %masked_sort3A_185 = arith.constant dense<true> : vector<16xi1>
      %masked_sort3A_186, %masked_sort3A_187, %masked_sort3A_188 = tpu.sort %scan3A_183, %scan3A_183 masked %masked_sort3A_185 {descending = true} : (vector<16xf32>, vector<16xf32>, vector<16xi1>) -> (vector<16xi1>, vector<16xf32>, vector<16xf32>)
      %ge3A_189 = arith.constant 7 : i32
      %ge3A_190 = vector.broadcast %ge3A_189 : i32 to vector<16xi32>
      %ge3A_191 = arith.cmpi sge, %iota3A, %ge3A_190 : vector<16xi32>
      %jit3A_192 = arith.constant 0xFF800000 : f32
      %broadcast_in_dim3A_193 = vector.broadcast %jit3A_192 : f32 to vector<16xf32>
      %select_n3A_194 = arith.select %ge3A_191, %masked_sort3A_187, %broadcast_in_dim3A_193 : vector<16xi1>, vector<16xf32>
      %reduce_max3A_195 = arith.constant true
      %reduce_max3A_196 = vector.broadcast %reduce_max3A_195 : i1 to vector<16xi1>
      %reduce_max3A_197 = tpu.scan <max>, %select_n3A_194 masked %reduce_max3A_196 : vector<16xf32>, vector<16xi1> -> vector<16xf32>
      %reduce_max3A_198 = vector.extract %reduce_max3A_197[15] : f32 from vector<16xf32>
      "tpu.trace_start"() <{level = 10 : i32, message = "passB1"}> : () -> ()
      %scan3A_199 = arith.constant 0 : i32
      %scan3A_200 = arith.constant 0 : i32
      %scan3A_201 = arith.constant 8 : i32
      %scan3A_202 = arith.addi %scan3A_200, %scan3A_201 : i32
      %scan3A_203 = arith.constant 1 : i32
      %scan3A_204 = scf.for %scan3A_332 = %scan3A_200 to %scan3A_202 step %scan3A_203 iter_args(%scan3A_333 = %scan3A_199) -> (i32)  : i32 {
        %mul3A_334 = arith.constant 16 : i32
        %mul3A_335 = arith.muli %scan3A_332, %mul3A_334 : i32
        %add3A_336 = arith.constant 0 : i32
        %add3A_337 = arith.addi %add3A_336, %mul3A_335 : i32
        %get3A_338 = arith.index_cast %add3A_337 : i32 to index
        %get3A_339 = tpu.vector_load %arg6[%get3A_338] {strides = array<i32>} : memref<2064xf32, #tpu.memory_space<vmem>>, vector<16xf32>,
        %mul3A_340 = arith.constant 16 : i32
        %mul3A_341 = arith.muli %scan3A_332, %mul3A_340 : i32
        %add3A_342 = arith.constant 129 : i32
        %add3A_343 = arith.addi %add3A_342, %mul3A_341 : i32
        %get3A_344 = arith.index_cast %add3A_343 : i32 to index
        %get3A_345 = tpu.vector_load %arg6[%get3A_344] {strides = array<i32>} : memref<2064xf32, #tpu.memory_space<vmem>>, vector<16xf32>,
        %mul3A_346 = arith.constant 16 : i32
        %mul3A_347 = arith.muli %scan3A_332, %mul3A_346 : i32
        %add3A_348 = arith.constant 258 : i32
        %add3A_349 = arith.addi %add3A_348, %mul3A_347 : i32
        %get3A_350 = arith.index_cast %add3A_349 : i32 to index
        %get3A_351 = tpu.vector_load %arg6[%get3A_350] {strides = array<i32>} : memref<2064xf32, #tpu.memory_space<vmem>>, vector<16xf32>,
        %mul3A_352 = arith.constant 16 : i32
        %mul3A_353 = arith.muli %scan3A_332, %mul3A_352 : i32
        %add3A_354 = arith.constant 387 : i32
        %add3A_355 = arith.addi %add3A_354, %mul3A_353 : i32
        %get3A_356 = arith.index_cast %add3A_355 : i32 to index
        %get3A_357 = tpu.vector_load %arg6[%get3A_356] {strides = array<i32>} : memref<2064xf32, #tpu.memory_space<vmem>>, vector<16xf32>,
        %mul3A_358 = arith.constant 16 : i32
        %mul3A_359 = arith.muli %scan3A_332, %mul3A_358 : i32
        %add3A_360 = arith.constant 516 : i32
        %add3A_361 = arith.addi %add3A_360, %mul3A_359 : i32
        %get3A_362 = arith.index_cast %add3A_361 : i32 to index
        %get3A_363 = tpu.vector_load %arg6[%get3A_362] {strides = array<i32>} : memref<2064xf32, #tpu.memory_space<vmem>>, vector<16xf32>,
        %mul3A_364 = arith.constant 16 : i32
        %mul3A_365 = arith.muli %scan3A_332, %mul3A_364 : i32
        %add3A_366 = arith.constant 645 : i32
        %add3A_367 = arith.addi %add3A_366, %mul3A_365 : i32
        %get3A_368 = arith.index_cast %add3A_367 : i32 to index
        %get3A_369 = tpu.vector_load %arg6[%get3A_368] {strides = array<i32>} : memref<2064xf32, #tpu.memory_space<vmem>>, vector<16xf32>,
        %mul3A_370 = arith.constant 16 : i32
        %mul3A_371 = arith.muli %scan3A_332, %mul3A_370 : i32
        %add3A_372 = arith.constant 774 : i32
        %add3A_373 = arith.addi %add3A_372, %mul3A_371 : i32
        %get3A_374 = arith.index_cast %add3A_373 : i32 to index
        %get3A_375 = tpu.vector_load %arg6[%get3A_374] {strides = array<i32>} : memref<2064xf32, #tpu.memory_space<vmem>>, vector<16xf32>,
        %mul3A_376 = arith.constant 16 : i32
        %mul3A_377 = arith.muli %scan3A_332, %mul3A_376 : i32
        %add3A_378 = arith.constant 903 : i32
        %add3A_379 = arith.addi %add3A_378, %mul3A_377 : i32
        %get3A_380 = arith.index_cast %add3A_379 : i32 to index
        %get3A_381 = tpu.vector_load %arg6[%get3A_380] {strides = array<i32>} : memref<2064xf32, #tpu.memory_space<vmem>>, vector<16xf32>,
        %mul3A_382 = arith.constant 16 : i32
        %mul3A_383 = arith.muli %scan3A_332, %mul3A_382 : i32
        %add3A_384 = arith.constant 1032 : i32
        %add3A_385 = arith.addi %add3A_384, %mul3A_383 : i32
        %get3A_386 = arith.index_cast %add3A_385 : i32 to index
        %get3A_387 = tpu.vector_load %arg6[%get3A_386] {strides = array<i32>} : memref<2064xf32, #tpu.memory_space<vmem>>, vector<16xf32>,
        %mul3A_388 = arith.constant 16 : i32
        %mul3A_389 = arith.muli %scan3A_332, %mul3A_388 : i32
        %add3A_390 = arith.constant 1161 : i32
        %add3A_391 = arith.addi %add3A_390, %mul3A_389 : i32
        %get3A_392 = arith.index_cast %add3A_391 : i32 to index
        %get3A_393 = tpu.vector_load %arg6[%get3A_392] {strides = array<i32>} : memref<2064xf32, #tpu.memory_space<vmem>>, vector<16xf32>,
        %mul3A_394 = arith.constant 16 : i32
        %mul3A_395 = arith.muli %scan3A_332, %mul3A_394 : i32
        %add3A_396 = arith.constant 1290 : i32
        %add3A_397 = arith.addi %add3A_396, %mul3A_395 : i32
        %get3A_398 = arith.index_cast %add3A_397 : i32 to index
        %get3A_399 = tpu.vector_load %arg6[%get3A_398] {strides = array<i32>} : memref<2064xf32, #tpu.memory_space<vmem>>, vector<16xf32>,
        %mul3A_400 = arith.constant 16 : i32
        %mul3A_401 = arith.muli %scan3A_332, %mul3A_400 : i32
        %add3A_402 = arith.constant 1419 : i32
        %add3A_403 = arith.addi %add3A_402, %mul3A_401 : i32
        %get3A_404 = arith.index_cast %add3A_403 : i32 to index
        %get3A_405 = tpu.vector_load %arg6[%get3A_404] {strides = array<i32>} : memref<2064xf32, #tpu.memory_space<vmem>>, vector<16xf32>,
        %mul3A_406 = arith.constant 16 : i32
        %mul3A_407 = arith.muli %scan3A_332, %mul3A_406 : i32
        %add3A_408 = arith.constant 1548 : i32
        %add3A_409 = arith.addi %add3A_408, %mul3A_407 : i32
        %get3A_410 = arith.index_cast %add3A_409 : i32 to index
        %get3A_411 = tpu.vector_load %arg6[%get3A_410] {strides = array<i32>} : memref<2064xf32, #tpu.memory_space<vmem>>, vector<16xf32>,
        %mul3A_412 = arith.constant 16 : i32
        %mul3A_413 = arith.muli %scan3A_332, %mul3A_412 : i32
        %add3A_414 = arith.constant 1677 : i32
        %add3A_415 = arith.addi %add3A_414, %mul3A_413 : i32
        %get3A_416 = arith.index_cast %add3A_415 : i32 to index
        %get3A_417 = tpu.vector_load %arg6[%get3A_416] {strides = array<i32>} : memref<2064xf32, #tpu.memory_space<vmem>>, vector<16xf32>,
        %mul3A_418 = arith.constant 16 : i32
        %mul3A_419 = arith.muli %scan3A_332, %mul3A_418 : i32
        %add3A_420 = arith.constant 1806 : i32
        %add3A_421 = arith.addi %add3A_420, %mul3A_419 : i32
        %get3A_422 = arith.index_cast %add3A_421 : i32 to index
        %get3A_423 = tpu.vector_load %arg6[%get3A_422] {strides = array<i32>} : memref<2064xf32, #tpu.memory_space<vmem>>, vector<16xf32>,
        %mul3A_424 = arith.constant 16 : i32
        %mul3A_425 = arith.muli %scan3A_332, %mul3A_424 : i32
        %add3A_426 = arith.constant 1935 : i32
        %add3A_427 = arith.addi %add3A_426, %mul3A_425 : i32
        %get3A_428 = arith.index_cast %add3A_427 : i32 to index
        %get3A_429 = tpu.vector_load %arg6[%get3A_428] {strides = array<i32>} : memref<2064xf32, #tpu.memory_space<vmem>>, vector<16xf32>,
        %max3A_430 = arith.maximumf %get3A_339, %get3A_345 : vector<16xf32>
        %max3A_431 = arith.maximumf %get3A_351, %get3A_357 : vector<16xf32>
        %max3A_432 = arith.maximumf %get3A_363, %get3A_369 : vector<16xf32>
        %max3A_433 = arith.maximumf %get3A_375, %get3A_381 : vector<16xf32>
        %max3A_434 = arith.maximumf %get3A_387, %get3A_393 : vector<16xf32>
        %max3A_435 = arith.maximumf %get3A_399, %get3A_405 : vector<16xf32>
        %max3A_436 = arith.maximumf %get3A_411, %get3A_417 : vector<16xf32>
        %max3A_437 = arith.maximumf %get3A_423, %get3A_429 : vector<16xf32>
        %max3A_438 = arith.maximumf %max3A_430, %max3A_431 : vector<16xf32>
        %max3A_439 = arith.maximumf %max3A_432, %max3A_433 : vector<16xf32>
        %max3A_440 = arith.maximumf %max3A_434, %max3A_435 : vector<16xf32>
        %max3A_441 = arith.maximumf %max3A_436, %max3A_437 : vector<16xf32>
        %max3A_442 = arith.maximumf %max3A_438, %max3A_439 : vector<16xf32>
        %max3A_443 = arith.maximumf %max3A_440, %max3A_441 : vector<16xf32>
        %max3A_444 = arith.maximumf %max3A_442, %max3A_443 : vector<16xf32>
        %ge3A_445 = vector.broadcast %reduce_max3A_198 : f32 to vector<16xf32>
        %ge3A_446 = arith.cmpf oge, %max3A_444, %ge3A_445 : vector<16xf32>
        %all_reduce_population_count3A = tpu.all_reduce %ge3A_446 {dim = 0 : i64, kind = #tpu.reduction_kind<sum>} : vector<16xi1> -> vector<16xi32>
        %mul3A_447 = arith.constant 16 : i32
        %mul3A_448 = arith.muli %scan3A_332, %mul3A_447 : i32
        %add3A_449 = vector.broadcast %mul3A_448 : i32 to vector<16xi32>
        %add3A_450 = arith.addi %add3A_449, %iota3A : vector<16xi32>
        %swap3A_451 = arith.index_cast %scan3A_333 : i32 to index
        %swap3A_452 = tpu.vector_load %arg7[%swap3A_451] masked %ge3A_446 {strides = array<i32>} : memref<144xi32, #tpu.memory_space<vmem>>, vector<16xi32>, vector<16xi1>
        tpu.vector_store %arg7[%swap3A_451], %add3A_450 masked %ge3A_446 {strides = array<i32>} : memref<144xi32, #tpu.memory_space<vmem>>, vector<16xi32>, vector<16xi1>
        %slice3A = vector.extract_strided_slice %all_reduce_population_count3A {offsets = [0], sizes = [1], strides = [1]} : vector<16xi32> to vector<1xi32>
        %squeeze3A = vector.extract %slice3A[0] : i32 from vector<1xi32>
        %add3A_453 = arith.addi %scan3A_333, %squeeze3A : i32
        scf.yield %add3A_453 : i32
      }
      %scan3A_205 = arith.constant 8 : i32
      %while3A_206 = arith.constant 0 : i32
      "tpu.trace_stop"() : () -> ()
      "tpu.trace_start"() <{level = 10 : i32, message = "passB2"}> : () -> ()
      %while3A_207 = arith.subi %scan3A_204, %while3A_206 : i32
      %while3A_208 = arith.addi %while3A_206, %while3A_207 : i32
      %while3A_209 = arith.constant 1 : i32
      %while3A_210 = arith.divsi %while3A_207, %while3A_209 : i32
      %while3A_211 = arith.muli %while3A_210, %while3A_209 : i32
      %while3A_212 = arith.addi %while3A_206, %while3A_211 : i32
      %while3A_213 = arith.constant 1 : i32
      %while3A_214:8 = scf.for %while3A_332 = %while3A_206 to %while3A_212 step %while3A_213 iter_args(%while3A_333 = %broadcast_in_dim3A_6, %while3A_334 = %broadcast_in_dim3A_6, %while3A_335 = %broadcast_in_dim3A_6, %while3A_336 = %broadcast_in_dim3A_6, %while3A_337 = %broadcast_in_dim3A_6, %while3A_338 = %broadcast_in_dim3A_6, %while3A_339 = %broadcast_in_dim3A_6, %while3A_340 = %broadcast_in_dim3A_6) -> (vector<16xf32>, vector<16xf32>, vector<16xf32>, vector<16xf32>, vector<16xf32>, vector<16xf32>, vector<16xf32>, vector<16xf32>)  : i32 {
        %get3A_341 = arith.index_cast %while3A_332 : i32 to index
        %get3A_342 = tpu.vector_load %arg7[%get3A_341] {strides = array<i32>} : memref<144xi32, #tpu.memory_space<vmem>>, vector<16xi32>,
        %slice3A = vector.extract_strided_slice %get3A_342 {offsets = [0], sizes = [1], strides = [1]} : vector<16xi32> to vector<1xi32>
        %squeeze3A = vector.extract %slice3A[0] : i32 from vector<1xi32>
        %mul3A_343 = arith.constant 256 : i32
        %mul3A_344 = arith.muli %squeeze3A, %mul3A_343 : i32
        %add3A_345 = arith.constant 0 : i32
        %add3A_346 = arith.addi %mul3A_344, %add3A_345 : i32
        %get3A_347 = arith.index_cast %add3A_346 : i32 to index
        %get3A_348 = tpu.vector_load %arg5[%get3A_347] {strides = array<i32>} : memref<32768xf32, #tpu.memory_space<vmem>>, vector<16xf32>,
        %add3A_349 = arith.constant 16 : i32
        %add3A_350 = arith.addi %mul3A_344, %add3A_349 : i32
        %get3A_351 = arith.index_cast %add3A_350 : i32 to index
        %get3A_352 = tpu.vector_load %arg5[%get3A_351] {strides = array<i32>} : memref<32768xf32, #tpu.memory_space<vmem>>, vector<16xf32>,
        %add3A_353 = arith.constant 32 : i32
        %add3A_354 = arith.addi %mul3A_344, %add3A_353 : i32
        %get3A_355 = arith.index_cast %add3A_354 : i32 to index
        %get3A_356 = tpu.vector_load %arg5[%get3A_355] {strides = array<i32>} : memref<32768xf32, #tpu.memory_space<vmem>>, vector<16xf32>,
        %add3A_357 = arith.constant 48 : i32
        %add3A_358 = arith.addi %mul3A_344, %add3A_357 : i32
        %get3A_359 = arith.index_cast %add3A_358 : i32 to index
        %get3A_360 = tpu.vector_load %arg5[%get3A_359] {strides = array<i32>} : memref<32768xf32, #tpu.memory_space<vmem>>, vector<16xf32>,
        %add3A_361 = arith.constant 64 : i32
        %add3A_362 = arith.addi %mul3A_344, %add3A_361 : i32
        %get3A_363 = arith.index_cast %add3A_362 : i32 to index
        %get3A_364 = tpu.vector_load %arg5[%get3A_363] {strides = array<i32>} : memref<32768xf32, #tpu.memory_space<vmem>>, vector<16xf32>,
        %add3A_365 = arith.constant 80 : i32
        %add3A_366 = arith.addi %mul3A_344, %add3A_365 : i32
        %get3A_367 = arith.index_cast %add3A_366 : i32 to index
        %get3A_368 = tpu.vector_load %arg5[%get3A_367] {strides = array<i32>} : memref<32768xf32, #tpu.memory_space<vmem>>, vector<16xf32>,
        %add3A_369 = arith.constant 96 : i32
        %add3A_370 = arith.addi %mul3A_344, %add3A_369 : i32
        %get3A_371 = arith.index_cast %add3A_370 : i32 to index
        %get3A_372 = tpu.vector_load %arg5[%get3A_371] {strides = array<i32>} : memref<32768xf32, #tpu.memory_space<vmem>>, vector<16xf32>,
        %add3A_373 = arith.constant 112 : i32
        %add3A_374 = arith.addi %mul3A_344, %add3A_373 : i32
        %get3A_375 = arith.index_cast %add3A_374 : i32 to index
        %get3A_376 = tpu.vector_load %arg5[%get3A_375] {strides = array<i32>} : memref<32768xf32, #tpu.memory_space<vmem>>, vector<16xf32>,
        %max3A_377 = arith.maximumf %get3A_348, %get3A_352 : vector<16xf32>
        %min3A = arith.minimumf %get3A_348, %get3A_352 : vector<16xf32>
        %max3A_378 = arith.maximumf %get3A_356, %get3A_360 : vector<16xf32>
        %min3A_379 = arith.minimumf %get3A_356, %get3A_360 : vector<16xf32>
        %max3A_380 = arith.maximumf %get3A_364, %get3A_368 : vector<16xf32>
        %min3A_381 = arith.minimumf %get3A_364, %get3A_368 : vector<16xf32>
        %max3A_382 = arith.maximumf %get3A_372, %get3A_376 : vector<16xf32>
        %min3A_383 = arith.minimumf %get3A_372, %get3A_376 : vector<16xf32>
        %max3A_384 = arith.maximumf %max3A_377, %max3A_378 : vector<16xf32>
        %min3A_385 = arith.minimumf %max3A_377, %max3A_378 : vector<16xf32>
        %max3A_386 = arith.maximumf %min3A, %min3A_379 : vector<16xf32>
        %min3A_387 = arith.minimumf %min3A, %min3A_379 : vector<16xf32>
        %max3A_388 = arith.maximumf %max3A_380, %max3A_382 : vector<16xf32>
        %min3A_389 = arith.minimumf %max3A_380, %max3A_382 : vector<16xf32>
        %max3A_390 = arith.maximumf %min3A_381, %min3A_383 : vector<16xf32>
        %min3A_391 = arith.minimumf %min3A_381, %min3A_383 : vector<16xf32>
        %max3A_392 = arith.maximumf %max3A_386, %min3A_385 : vector<16xf32>
        %min3A_393 = arith.minimumf %max3A_386, %min3A_385 : vector<16xf32>
        %max3A_394 = arith.maximumf %max3A_390, %min3A_389 : vector<16xf32>
        %min3A_395 = arith.minimumf %max3A_390, %min3A_389 : vector<16xf32>
        %max3A_396 = arith.maximumf %max3A_384, %max3A_388 : vector<16xf32>
        %min3A_397 = arith.minimumf %max3A_384, %max3A_388 : vector<16xf32>
        %max3A_398 = arith.maximumf %max3A_392, %max3A_394 : vector<16xf32>
        %min3A_399 = arith.minimumf %max3A_392, %max3A_394 : vector<16xf32>
        %max3A_400 = arith.maximumf %min3A_393, %min3A_395 : vector<16xf32>
        %min3A_401 = arith.minimumf %min3A_393, %min3A_395 : vector<16xf32>
        %max3A_402 = arith.maximumf %min3A_387, %min3A_391 : vector<16xf32>
        %min3A_403 = arith.minimumf %min3A_387, %min3A_391 : vector<16xf32>
        %max3A_404 = arith.maximumf %max3A_400, %min3A_397 : vector<16xf32>
        %min3A_405 = arith.minimumf %max3A_400, %min3A_397 : vector<16xf32>
        %max3A_406 = arith.maximumf %max3A_402, %min3A_399 : vector<16xf32>
        %min3A_407 = arith.minimumf %max3A_402, %min3A_399 : vector<16xf32>
        %max3A_408 = arith.maximumf %max3A_398, %max3A_404 : vector<16xf32>
        %min3A_409 = arith.minimumf %max3A_398, %max3A_404 : vector<16xf32>
        %max3A_410 = arith.maximumf %max3A_406, %min3A_405 : vector<16xf32>
        %min3A_411 = arith.minimumf %max3A_406, %min3A_405 : vector<16xf32>
        %max3A_412 = arith.maximumf %min3A_407, %min3A_401 : vector<16xf32>
        %min3A_413 = arith.minimumf %min3A_407, %min3A_401 : vector<16xf32>
        %max3A_414 = arith.maximumf %while3A_333, %min3A_403 : vector<16xf32>
        %max3A_415 = arith.maximumf %while3A_334, %min3A_413 : vector<16xf32>
        %max3A_416 = arith.maximumf %while3A_335, %max3A_412 : vector<16xf32>
        %max3A_417 = arith.maximumf %while3A_336, %min3A_411 : vector<16xf32>
        %max3A_418 = arith.maximumf %while3A_337, %max3A_410 : vector<16xf32>
        %max3A_419 = arith.maximumf %while3A_338, %min3A_409 : vector<16xf32>
        %max3A_420 = arith.maximumf %while3A_339, %max3A_408 : vector<16xf32>
        %max3A_421 = arith.maximumf %while3A_340, %max3A_396 : vector<16xf32>
        %max3A_422 = arith.maximumf %max3A_414, %max3A_418 : vector<16xf32>
        %min3A_423 = arith.minimumf %max3A_414, %max3A_418 : vector<16xf32>
        %max3A_424 = arith.maximumf %max3A_415, %max3A_419 : vector<16xf32>
        %min3A_425 = arith.minimumf %max3A_415, %max3A_419 : vector<16xf32>
        %max3A_426 = arith.maximumf %max3A_416, %max3A_420 : vector<16xf32>
        %min3A_427 = arith.minimumf %max3A_416, %max3A_420 : vector<16xf32>
        %max3A_428 = arith.maximumf %max3A_417, %max3A_421 : vector<16xf32>
        %min3A_429 = arith.minimumf %max3A_417, %max3A_421 : vector<16xf32>
        %max3A_430 = arith.maximumf %max3A_422, %max3A_426 : vector<16xf32>
        %min3A_431 = arith.minimumf %max3A_422, %max3A_426 : vector<16xf32>
        %max3A_432 = arith.maximumf %max3A_424, %max3A_428 : vector<16xf32>
        %min3A_433 = arith.minimumf %max3A_424, %max3A_428 : vector<16xf32>
        %max3A_434 = arith.maximumf %min3A_423, %min3A_427 : vector<16xf32>
        %min3A_435 = arith.minimumf %min3A_423, %min3A_427 : vector<16xf32>
        %max3A_436 = arith.maximumf %min3A_425, %min3A_429 : vector<16xf32>
        %min3A_437 = arith.minimumf %min3A_425, %min3A_429 : vector<16xf32>
        %max3A_438 = arith.maximumf %max3A_430, %max3A_432 : vector<16xf32>
        %min3A_439 = arith.minimumf %max3A_430, %max3A_432 : vector<16xf32>
        %max3A_440 = arith.maximumf %min3A_431, %min3A_433 : vector<16xf32>
        %min3A_441 = arith.minimumf %min3A_431, %min3A_433 : vector<16xf32>
        %max3A_442 = arith.maximumf %max3A_434, %max3A_436 : vector<16xf32>
        %min3A_443 = arith.minimumf %max3A_434, %max3A_436 : vector<16xf32>
        %max3A_444 = arith.maximumf %min3A_435, %min3A_437 : vector<16xf32>
        %min3A_445 = arith.minimumf %min3A_435, %min3A_437 : vector<16xf32>
        %add3A_446 = arith.constant 128 : i32
        %add3A_447 = arith.addi %mul3A_344, %add3A_446 : i32
        %get3A_448 = arith.index_cast %add3A_447 : i32 to index
        %get3A_449 = tpu.vector_load %arg5[%get3A_448] {strides = array<i32>} : memref<32768xf32, #tpu.memory_space<vmem>>, vector<16xf32>,
        %add3A_450 = arith.constant 144 : i32
        %add3A_451 = arith.addi %mul3A_344, %add3A_450 : i32
        %get3A_452 = arith.index_cast %add3A_451 : i32 to index
        %get3A_453 = tpu.vector_load %arg5[%get3A_452] {strides = array<i32>} : memref<32768xf32, #tpu.memory_space<vmem>>, vector<16xf32>,
        %add3A_454 = arith.constant 160 : i32
        %add3A_455 = arith.addi %mul3A_344, %add3A_454 : i32
        %get3A_456 = arith.index_cast %add3A_455 : i32 to index
        %get3A_457 = tpu.vector_load %arg5[%get3A_456] {strides = array<i32>} : memref<32768xf32, #tpu.memory_space<vmem>>, vector<16xf32>,
        %add3A_458 = arith.constant 176 : i32
        %add3A_459 = arith.addi %mul3A_344, %add3A_458 : i32
        %get3A_460 = arith.index_cast %add3A_459 : i32 to index
        %get3A_461 = tpu.vector_load %arg5[%get3A_460] {strides = array<i32>} : memref<32768xf32, #tpu.memory_space<vmem>>, vector<16xf32>,
        %add3A_462 = arith.constant 192 : i32
        %add3A_463 = arith.addi %mul3A_344, %add3A_462 : i32
        %get3A_464 = arith.index_cast %add3A_463 : i32 to index
        %get3A_465 = tpu.vector_load %arg5[%get3A_464] {strides = array<i32>} : memref<32768xf32, #tpu.memory_space<vmem>>, vector<16xf32>,
        %add3A_466 = arith.constant 208 : i32
        %add3A_467 = arith.addi %mul3A_344, %add3A_466 : i32
        %get3A_468 = arith.index_cast %add3A_467 : i32 to index
        %get3A_469 = tpu.vector_load %arg5[%get3A_468] {strides = array<i32>} : memref<32768xf32, #tpu.memory_space<vmem>>, vector<16xf32>,
        %add3A_470 = arith.constant 224 : i32
        %add3A_471 = arith.addi %mul3A_344, %add3A_470 : i32
        %get3A_472 = arith.index_cast %add3A_471 : i32 to index
        %get3A_473 = tpu.vector_load %arg5[%get3A_472] {strides = array<i32>} : memref<32768xf32, #tpu.memory_space<vmem>>, vector<16xf32>,
        %add3A_474 = arith.constant 240 : i32
        %add3A_475 = arith.addi %mul3A_344, %add3A_474 : i32
        %get3A_476 = arith.index_cast %add3A_475 : i32 to index
        %get3A_477 = tpu.vector_load %arg5[%get3A_476] {strides = array<i32>} : memref<32768xf32, #tpu.memory_space<vmem>>, vector<16xf32>,
        %max3A_478 = arith.maximumf %get3A_449, %get3A_453 : vector<16xf32>
        %min3A_479 = arith.minimumf %get3A_449, %get3A_453 : vector<16xf32>
        %max3A_480 = arith.maximumf %get3A_457, %get3A_461 : vector<16xf32>
        %min3A_481 = arith.minimumf %get3A_457, %get3A_461 : vector<16xf32>
        %max3A_482 = arith.maximumf %get3A_465, %get3A_469 : vector<16xf32>
        %min3A_483 = arith.minimumf %get3A_465, %get3A_469 : vector<16xf32>
        %max3A_484 = arith.maximumf %get3A_473, %get3A_477 : vector<16xf32>
        %min3A_485 = arith.minimumf %get3A_473, %get3A_477 : vector<16xf32>
        %max3A_486 = arith.maximumf %max3A_478, %max3A_480 : vector<16xf32>
        %min3A_487 = arith.minimumf %max3A_478, %max3A_480 : vector<16xf32>
        %max3A_488 = arith.maximumf %min3A_479, %min3A_481 : vector<16xf32>
        %min3A_489 = arith.minimumf %min3A_479, %min3A_481 : vector<16xf32>
        %max3A_490 = arith.maximumf %max3A_482, %max3A_484 : vector<16xf32>
        %min3A_491 = arith.minimumf %max3A_482, %max3A_484 : vector<16xf32>
        %max3A_492 = arith.maximumf %min3A_483, %min3A_485 : vector<16xf32>
        %min3A_493 = arith.minimumf %min3A_483, %min3A_485 : vector<16xf32>
        %max3A_494 = arith.maximumf %max3A_488, %min3A_487 : vector<16xf32>
        %min3A_495 = arith.minimumf %max3A_488, %min3A_487 : vector<16xf32>
        %max3A_496 = arith.maximumf %max3A_492, %min3A_491 : vector<16xf32>
        %min3A_497 = arith.minimumf %max3A_492, %min3A_491 : vector<16xf32>
        %max3A_498 = arith.maximumf %max3A_486, %max3A_490 : vector<16xf32>
        %min3A_499 = arith.minimumf %max3A_486, %max3A_490 : vector<16xf32>
        %max3A_500 = arith.maximumf %max3A_494, %max3A_496 : vector<16xf32>
        %min3A_501 = arith.minimumf %max3A_494, %max3A_496 : vector<16xf32>
        %max3A_502 = arith.maximumf %min3A_495, %min3A_497 : vector<16xf32>
        %min3A_503 = arith.minimumf %min3A_495, %min3A_497 : vector<16xf32>
        %max3A_504 = arith.maximumf %min3A_489, %min3A_493 : vector<16xf32>
        %min3A_505 = arith.minimumf %min3A_489, %min3A_493 : vector<16xf32>
        %max3A_506 = arith.maximumf %max3A_502, %min3A_499 : vector<16xf32>
        %min3A_507 = arith.minimumf %max3A_502, %min3A_499 : vector<16xf32>
        %max3A_508 = arith.maximumf %max3A_504, %min3A_501 : vector<16xf32>
        %min3A_509 = arith.minimumf %max3A_504, %min3A_501 : vector<16xf32>
        %max3A_510 = arith.maximumf %max3A_500, %max3A_506 : vector<16xf32>
        %min3A_511 = arith.minimumf %max3A_500, %max3A_506 : vector<16xf32>
        %max3A_512 = arith.maximumf %max3A_508, %min3A_507 : vector<16xf32>
        %min3A_513 = arith.minimumf %max3A_508, %min3A_507 : vector<16xf32>
        %max3A_514 = arith.maximumf %min3A_509, %min3A_503 : vector<16xf32>
        %min3A_515 = arith.minimumf %min3A_509, %min3A_503 : vector<16xf32>
        %max3A_516 = arith.maximumf %max3A_438, %min3A_505 : vector<16xf32>
        %max3A_517 = arith.maximumf %min3A_439, %min3A_515 : vector<16xf32>
        %max3A_518 = arith.maximumf %max3A_440, %max3A_514 : vector<16xf32>
        %max3A_519 = arith.maximumf %min3A_441, %min3A_513 : vector<16xf32>
        %max3A_520 = arith.maximumf %max3A_442, %max3A_512 : vector<16xf32>
        %max3A_521 = arith.maximumf %min3A_443, %min3A_511 : vector<16xf32>
        %max3A_522 = arith.maximumf %max3A_444, %max3A_510 : vector<16xf32>
        %max3A_523 = arith.maximumf %min3A_445, %max3A_498 : vector<16xf32>
        %max3A_524 = arith.maximumf %max3A_516, %max3A_520 : vector<16xf32>
        %min3A_525 = arith.minimumf %max3A_516, %max3A_520 : vector<16xf32>
        %max3A_526 = arith.maximumf %max3A_517, %max3A_521 : vector<16xf32>
        %min3A_527 = arith.minimumf %max3A_517, %max3A_521 : vector<16xf32>
        %max3A_528 = arith.maximumf %max3A_518, %max3A_522 : vector<16xf32>
        %min3A_529 = arith.minimumf %max3A_518, %max3A_522 : vector<16xf32>
        %max3A_530 = arith.maximumf %max3A_519, %max3A_523 : vector<16xf32>
        %min3A_531 = arith.minimumf %max3A_519, %max3A_523 : vector<16xf32>
        %max3A_532 = arith.maximumf %max3A_524, %max3A_528 : vector<16xf32>
        %min3A_533 = arith.minimumf %max3A_524, %max3A_528 : vector<16xf32>
        %max3A_534 = arith.maximumf %max3A_526, %max3A_530 : vector<16xf32>
        %min3A_535 = arith.minimumf %max3A_526, %max3A_530 : vector<16xf32>
        %max3A_536 = arith.maximumf %min3A_525, %min3A_529 : vector<16xf32>
        %min3A_537 = arith.minimumf %min3A_525, %min3A_529 : vector<16xf32>
        %max3A_538 = arith.maximumf %min3A_527, %min3A_531 : vector<16xf32>
        %min3A_539 = arith.minimumf %min3A_527, %min3A_531 : vector<16xf32>
        %max3A_540 = arith.maximumf %max3A_532, %max3A_534 : vector<16xf32>
        %min3A_541 = arith.minimumf %max3A_532, %max3A_534 : vector<16xf32>
        %max3A_542 = arith.maximumf %min3A_533, %min3A_535 : vector<16xf32>
        %min3A_543 = arith.minimumf %min3A_533, %min3A_535 : vector<16xf32>
        %max3A_544 = arith.maximumf %max3A_536, %max3A_538 : vector<16xf32>
        %min3A_545 = arith.minimumf %max3A_536, %max3A_538 : vector<16xf32>
        %max3A_546 = arith.maximumf %min3A_537, %min3A_539 : vector<16xf32>
        %min3A_547 = arith.minimumf %min3A_537, %min3A_539 : vector<16xf32>
        scf.yield %max3A_540, %min3A_541, %max3A_542, %min3A_543, %max3A_544, %min3A_545, %max3A_546, %min3A_547 : vector<16xf32>, vector<16xf32>, vector<16xf32>, vector<16xf32>, vector<16xf32>, vector<16xf32>, vector<16xf32>, vector<16xf32>
      }
      %while3A_215 = arith.constant 1 : i32
      %while3A_216:8 = scf.for %while3A_332 = %while3A_212 to %while3A_208 step %while3A_215 iter_args(%while3A_333 = %while3A_214#0, %while3A_334 = %while3A_214#1, %while3A_335 = %while3A_214#2, %while3A_336 = %while3A_214#3, %while3A_337 = %while3A_214#4, %while3A_338 = %while3A_214#5, %while3A_339 = %while3A_214#6, %while3A_340 = %while3A_214#7) -> (vector<16xf32>, vector<16xf32>, vector<16xf32>, vector<16xf32>, vector<16xf32>, vector<16xf32>, vector<16xf32>, vector<16xf32>)  : i32 {
        %get3A_341 = arith.index_cast %while3A_332 : i32 to index
        %get3A_342 = tpu.vector_load %arg7[%get3A_341] {strides = array<i32>} : memref<144xi32, #tpu.memory_space<vmem>>, vector<16xi32>,
        %slice3A = vector.extract_strided_slice %get3A_342 {offsets = [0], sizes = [1], strides = [1]} : vector<16xi32> to vector<1xi32>
        %squeeze3A = vector.extract %slice3A[0] : i32 from vector<1xi32>
        %mul3A_343 = arith.constant 256 : i32
        %mul3A_344 = arith.muli %squeeze3A, %mul3A_343 : i32
        %add3A_345 = arith.constant 0 : i32
        %add3A_346 = arith.addi %mul3A_344, %add3A_345 : i32
        %get3A_347 = arith.index_cast %add3A_346 : i32 to index
        %get3A_348 = tpu.vector_load %arg5[%get3A_347] {strides = array<i32>} : memref<32768xf32, #tpu.memory_space<vmem>>, vector<16xf32>,
        %add3A_349 = arith.constant 16 : i32
        %add3A_350 = arith.addi %mul3A_344, %add3A_349 : i32
        %get3A_351 = arith.index_cast %add3A_350 : i32 to index
        %get3A_352 = tpu.vector_load %arg5[%get3A_351] {strides = array<i32>} : memref<32768xf32, #tpu.memory_space<vmem>>, vector<16xf32>,
        %add3A_353 = arith.constant 32 : i32
        %add3A_354 = arith.addi %mul3A_344, %add3A_353 : i32
        %get3A_355 = arith.index_cast %add3A_354 : i32 to index
        %get3A_356 = tpu.vector_load %arg5[%get3A_355] {strides = array<i32>} : memref<32768xf32, #tpu.memory_space<vmem>>, vector<16xf32>,
        %add3A_357 = arith.constant 48 : i32
        %add3A_358 = arith.addi %mul3A_344, %add3A_357 : i32
        %get3A_359 = arith.index_cast %add3A_358 : i32 to index
        %get3A_360 = tpu.vector_load %arg5[%get3A_359] {strides = array<i32>} : memref<32768xf32, #tpu.memory_space<vmem>>, vector<16xf32>,
        %add3A_361 = arith.constant 64 : i32
        %add3A_362 = arith.addi %mul3A_344, %add3A_361 : i32
        %get3A_363 = arith.index_cast %add3A_362 : i32 to index
        %get3A_364 = tpu.vector_load %arg5[%get3A_363] {strides = array<i32>} : memref<32768xf32, #tpu.memory_space<vmem>>, vector<16xf32>,
        %add3A_365 = arith.constant 80 : i32
        %add3A_366 = arith.addi %mul3A_344, %add3A_365 : i32
        %get3A_367 = arith.index_cast %add3A_366 : i32 to index
        %get3A_368 = tpu.vector_load %arg5[%get3A_367] {strides = array<i32>} : memref<32768xf32, #tpu.memory_space<vmem>>, vector<16xf32>,
        %add3A_369 = arith.constant 96 : i32
        %add3A_370 = arith.addi %mul3A_344, %add3A_369 : i32
        %get3A_371 = arith.index_cast %add3A_370 : i32 to index
        %get3A_372 = tpu.vector_load %arg5[%get3A_371] {strides = array<i32>} : memref<32768xf32, #tpu.memory_space<vmem>>, vector<16xf32>,
        %add3A_373 = arith.constant 112 : i32
        %add3A_374 = arith.addi %mul3A_344, %add3A_373 : i32
        %get3A_375 = arith.index_cast %add3A_374 : i32 to index
        %get3A_376 = tpu.vector_load %arg5[%get3A_375] {strides = array<i32>} : memref<32768xf32, #tpu.memory_space<vmem>>, vector<16xf32>,
        %max3A_377 = arith.maximumf %get3A_348, %get3A_352 : vector<16xf32>
        %min3A = arith.minimumf %get3A_348, %get3A_352 : vector<16xf32>
        %max3A_378 = arith.maximumf %get3A_356, %get3A_360 : vector<16xf32>
        %min3A_379 = arith.minimumf %get3A_356, %get3A_360 : vector<16xf32>
        %max3A_380 = arith.maximumf %get3A_364, %get3A_368 : vector<16xf32>
        %min3A_381 = arith.minimumf %get3A_364, %get3A_368 : vector<16xf32>
        %max3A_382 = arith.maximumf %get3A_372, %get3A_376 : vector<16xf32>
        %min3A_383 = arith.minimumf %get3A_372, %get3A_376 : vector<16xf32>
        %max3A_384 = arith.maximumf %max3A_377, %max3A_378 : vector<16xf32>
        %min3A_385 = arith.minimumf %max3A_377, %max3A_378 : vector<16xf32>
        %max3A_386 = arith.maximumf %min3A, %min3A_379 : vector<16xf32>
        %min3A_387 = arith.minimumf %min3A, %min3A_379 : vector<16xf32>
        %max3A_388 = arith.maximumf %max3A_380, %max3A_382 : vector<16xf32>
        %min3A_389 = arith.minimumf %max3A_380, %max3A_382 : vector<16xf32>
        %max3A_390 = arith.maximumf %min3A_381, %min3A_383 : vector<16xf32>
        %min3A_391 = arith.minimumf %min3A_381, %min3A_383 : vector<16xf32>
        %max3A_392 = arith.maximumf %max3A_386, %min3A_385 : vector<16xf32>
        %min3A_393 = arith.minimumf %max3A_386, %min3A_385 : vector<16xf32>
        %max3A_394 = arith.maximumf %max3A_390, %min3A_389 : vector<16xf32>
        %min3A_395 = arith.minimumf %max3A_390, %min3A_389 : vector<16xf32>
        %max3A_396 = arith.maximumf %max3A_384, %max3A_388 : vector<16xf32>
        %min3A_397 = arith.minimumf %max3A_384, %max3A_388 : vector<16xf32>
        %max3A_398 = arith.maximumf %max3A_392, %max3A_394 : vector<16xf32>
        %min3A_399 = arith.minimumf %max3A_392, %max3A_394 : vector<16xf32>
        %max3A_400 = arith.maximumf %min3A_393, %min3A_395 : vector<16xf32>
        %min3A_401 = arith.minimumf %min3A_393, %min3A_395 : vector<16xf32>
        %max3A_402 = arith.maximumf %min3A_387, %min3A_391 : vector<16xf32>
        %min3A_403 = arith.minimumf %min3A_387, %min3A_391 : vector<16xf32>
        %max3A_404 = arith.maximumf %max3A_400, %min3A_397 : vector<16xf32>
        %min3A_405 = arith.minimumf %max3A_400, %min3A_397 : vector<16xf32>
        %max3A_406 = arith.maximumf %max3A_402, %min3A_399 : vector<16xf32>
        %min3A_407 = arith.minimumf %max3A_402, %min3A_399 : vector<16xf32>
        %max3A_408 = arith.maximumf %max3A_398, %max3A_404 : vector<16xf32>
        %min3A_409 = arith.minimumf %max3A_398, %max3A_404 : vector<16xf32>
        %max3A_410 = arith.maximumf %max3A_406, %min3A_405 : vector<16xf32>
        %min3A_411 = arith.minimumf %max3A_406, %min3A_405 : vector<16xf32>
        %max3A_412 = arith.maximumf %min3A_407, %min3A_401 : vector<16xf32>
        %min3A_413 = arith.minimumf %min3A_407, %min3A_401 : vector<16xf32>
        %max3A_414 = arith.maximumf %while3A_333, %min3A_403 : vector<16xf32>
        %max3A_415 = arith.maximumf %while3A_334, %min3A_413 : vector<16xf32>
        %max3A_416 = arith.maximumf %while3A_335, %max3A_412 : vector<16xf32>
        %max3A_417 = arith.maximumf %while3A_336, %min3A_411 : vector<16xf32>
        %max3A_418 = arith.maximumf %while3A_337, %max3A_410 : vector<16xf32>
        %max3A_419 = arith.maximumf %while3A_338, %min3A_409 : vector<16xf32>
        %max3A_420 = arith.maximumf %while3A_339, %max3A_408 : vector<16xf32>
        %max3A_421 = arith.maximumf %while3A_340, %max3A_396 : vector<16xf32>
        %max3A_422 = arith.maximumf %max3A_414, %max3A_418 : vector<16xf32>
        %min3A_423 = arith.minimumf %max3A_414, %max3A_418 : vector<16xf32>
        %max3A_424 = arith.maximumf %max3A_415, %max3A_419 : vector<16xf32>
        %min3A_425 = arith.minimumf %max3A_415, %max3A_419 : vector<16xf32>
        %max3A_426 = arith.maximumf %max3A_416, %max3A_420 : vector<16xf32>
        %min3A_427 = arith.minimumf %max3A_416, %max3A_420 : vector<16xf32>
        %max3A_428 = arith.maximumf %max3A_417, %max3A_421 : vector<16xf32>
        %min3A_429 = arith.minimumf %max3A_417, %max3A_421 : vector<16xf32>
        %max3A_430 = arith.maximumf %max3A_422, %max3A_426 : vector<16xf32>
        %min3A_431 = arith.minimumf %max3A_422, %max3A_426 : vector<16xf32>
        %max3A_432 = arith.maximumf %max3A_424, %max3A_428 : vector<16xf32>
        %min3A_433 = arith.minimumf %max3A_424, %max3A_428 : vector<16xf32>
        %max3A_434 = arith.maximumf %min3A_423, %min3A_427 : vector<16xf32>
        %min3A_435 = arith.minimumf %min3A_423, %min3A_427 : vector<16xf32>
        %max3A_436 = arith.maximumf %min3A_425, %min3A_429 : vector<16xf32>
        %min3A_437 = arith.minimumf %min3A_425, %min3A_429 : vector<16xf32>
        %max3A_438 = arith.maximumf %max3A_430, %max3A_432 : vector<16xf32>
        %min3A_439 = arith.minimumf %max3A_430, %max3A_432 : vector<16xf32>
        %max3A_440 = arith.maximumf %min3A_431, %min3A_433 : vector<16xf32>
        %min3A_441 = arith.minimumf %min3A_431, %min3A_433 : vector<16xf32>
        %max3A_442 = arith.maximumf %max3A_434, %max3A_436 : vector<16xf32>
        %min3A_443 = arith.minimumf %max3A_434, %max3A_436 : vector<16xf32>
        %max3A_444 = arith.maximumf %min3A_435, %min3A_437 : vector<16xf32>
        %min3A_445 = arith.minimumf %min3A_435, %min3A_437 : vector<16xf32>
        %add3A_446 = arith.constant 128 : i32
        %add3A_447 = arith.addi %mul3A_344, %add3A_446 : i32
        %get3A_448 = arith.index_cast %add3A_447 : i32 to index
        %get3A_449 = tpu.vector_load %arg5[%get3A_448] {strides = array<i32>} : memref<32768xf32, #tpu.memory_space<vmem>>, vector<16xf32>,
        %add3A_450 = arith.constant 144 : i32
        %add3A_451 = arith.addi %mul3A_344, %add3A_450 : i32
        %get3A_452 = arith.index_cast %add3A_451 : i32 to index
        %get3A_453 = tpu.vector_load %arg5[%get3A_452] {strides = array<i32>} : memref<32768xf32, #tpu.memory_space<vmem>>, vector<16xf32>,
        %add3A_454 = arith.constant 160 : i32
        %add3A_455 = arith.addi %mul3A_344, %add3A_454 : i32
        %get3A_456 = arith.index_cast %add3A_455 : i32 to index
        %get3A_457 = tpu.vector_load %arg5[%get3A_456] {strides = array<i32>} : memref<32768xf32, #tpu.memory_space<vmem>>, vector<16xf32>,
        %add3A_458 = arith.constant 176 : i32
        %add3A_459 = arith.addi %mul3A_344, %add3A_458 : i32
        %get3A_460 = arith.index_cast %add3A_459 : i32 to index
        %get3A_461 = tpu.vector_load %arg5[%get3A_460] {strides = array<i32>} : memref<32768xf32, #tpu.memory_space<vmem>>, vector<16xf32>,
        %add3A_462 = arith.constant 192 : i32
        %add3A_463 = arith.addi %mul3A_344, %add3A_462 : i32
        %get3A_464 = arith.index_cast %add3A_463 : i32 to index
        %get3A_465 = tpu.vector_load %arg5[%get3A_464] {strides = array<i32>} : memref<32768xf32, #tpu.memory_space<vmem>>, vector<16xf32>,
        %add3A_466 = arith.constant 208 : i32
        %add3A_467 = arith.addi %mul3A_344, %add3A_466 : i32
        %get3A_468 = arith.index_cast %add3A_467 : i32 to index
        %get3A_469 = tpu.vector_load %arg5[%get3A_468] {strides = array<i32>} : memref<32768xf32, #tpu.memory_space<vmem>>, vector<16xf32>,
        %add3A_470 = arith.constant 224 : i32
        %add3A_471 = arith.addi %mul3A_344, %add3A_470 : i32
        %get3A_472 = arith.index_cast %add3A_471 : i32 to index
        %get3A_473 = tpu.vector_load %arg5[%get3A_472] {strides = array<i32>} : memref<32768xf32, #tpu.memory_space<vmem>>, vector<16xf32>,
        %add3A_474 = arith.constant 240 : i32
        %add3A_475 = arith.addi %mul3A_344, %add3A_474 : i32
        %get3A_476 = arith.index_cast %add3A_475 : i32 to index
        %get3A_477 = tpu.vector_load %arg5[%get3A_476] {strides = array<i32>} : memref<32768xf32, #tpu.memory_space<vmem>>, vector<16xf32>,
        %max3A_478 = arith.maximumf %get3A_449, %get3A_453 : vector<16xf32>
        %min3A_479 = arith.minimumf %get3A_449, %get3A_453 : vector<16xf32>
        %max3A_480 = arith.maximumf %get3A_457, %get3A_461 : vector<16xf32>
        %min3A_481 = arith.minimumf %get3A_457, %get3A_461 : vector<16xf32>
        %max3A_482 = arith.maximumf %get3A_465, %get3A_469 : vector<16xf32>
        %min3A_483 = arith.minimumf %get3A_465, %get3A_469 : vector<16xf32>
        %max3A_484 = arith.maximumf %get3A_473, %get3A_477 : vector<16xf32>
        %min3A_485 = arith.minimumf %get3A_473, %get3A_477 : vector<16xf32>
        %max3A_486 = arith.maximumf %max3A_478, %max3A_480 : vector<16xf32>
        %min3A_487 = arith.minimumf %max3A_478, %max3A_480 : vector<16xf32>
        %max3A_488 = arith.maximumf %min3A_479, %min3A_481 : vector<16xf32>
        %min3A_489 = arith.minimumf %min3A_479, %min3A_481 : vector<16xf32>
        %max3A_490 = arith.maximumf %max3A_482, %max3A_484 : vector<16xf32>
        %min3A_491 = arith.minimumf %max3A_482, %max3A_484 : vector<16xf32>
        %max3A_492 = arith.maximumf %min3A_483, %min3A_485 : vector<16xf32>
        %min3A_493 = arith.minimumf %min3A_483, %min3A_485 : vector<16xf32>
        %max3A_494 = arith.maximumf %max3A_488, %min3A_487 : vector<16xf32>
        %min3A_495 = arith.minimumf %max3A_488, %min3A_487 : vector<16xf32>
        %max3A_496 = arith.maximumf %max3A_492, %min3A_491 : vector<16xf32>
        %min3A_497 = arith.minimumf %max3A_492, %min3A_491 : vector<16xf32>
        %max3A_498 = arith.maximumf %max3A_486, %max3A_490 : vector<16xf32>
        %min3A_499 = arith.minimumf %max3A_486, %max3A_490 : vector<16xf32>
        %max3A_500 = arith.maximumf %max3A_494, %max3A_496 : vector<16xf32>
        %min3A_501 = arith.minimumf %max3A_494, %max3A_496 : vector<16xf32>
        %max3A_502 = arith.maximumf %min3A_495, %min3A_497 : vector<16xf32>
        %min3A_503 = arith.minimumf %min3A_495, %min3A_497 : vector<16xf32>
        %max3A_504 = arith.maximumf %min3A_489, %min3A_493 : vector<16xf32>
        %min3A_505 = arith.minimumf %min3A_489, %min3A_493 : vector<16xf32>
        %max3A_506 = arith.maximumf %max3A_502, %min3A_499 : vector<16xf32>
        %min3A_507 = arith.minimumf %max3A_502, %min3A_499 : vector<16xf32>
        %max3A_508 = arith.maximumf %max3A_504, %min3A_501 : vector<16xf32>
        %min3A_509 = arith.minimumf %max3A_504, %min3A_501 : vector<16xf32>
        %max3A_510 = arith.maximumf %max3A_500, %max3A_506 : vector<16xf32>
        %min3A_511 = arith.minimumf %max3A_500, %max3A_506 : vector<16xf32>
        %max3A_512 = arith.maximumf %max3A_508, %min3A_507 : vector<16xf32>
        %min3A_513 = arith.minimumf %max3A_508, %min3A_507 : vector<16xf32>
        %max3A_514 = arith.maximumf %min3A_509, %min3A_503 : vector<16xf32>
        %min3A_515 = arith.minimumf %min3A_509, %min3A_503 : vector<16xf32>
        %max3A_516 = arith.maximumf %max3A_438, %min3A_505 : vector<16xf32>
        %max3A_517 = arith.maximumf %min3A_439, %min3A_515 : vector<16xf32>
        %max3A_518 = arith.maximumf %max3A_440, %max3A_514 : vector<16xf32>
        %max3A_519 = arith.maximumf %min3A_441, %min3A_513 : vector<16xf32>
        %max3A_520 = arith.maximumf %max3A_442, %max3A_512 : vector<16xf32>
        %max3A_521 = arith.maximumf %min3A_443, %min3A_511 : vector<16xf32>
        %max3A_522 = arith.maximumf %max3A_444, %max3A_510 : vector<16xf32>
        %max3A_523 = arith.maximumf %min3A_445, %max3A_498 : vector<16xf32>
        %max3A_524 = arith.maximumf %max3A_516, %max3A_520 : vector<16xf32>
        %min3A_525 = arith.minimumf %max3A_516, %max3A_520 : vector<16xf32>
        %max3A_526 = arith.maximumf %max3A_517, %max3A_521 : vector<16xf32>
        %min3A_527 = arith.minimumf %max3A_517, %max3A_521 : vector<16xf32>
        %max3A_528 = arith.maximumf %max3A_518, %max3A_522 : vector<16xf32>
        %min3A_529 = arith.minimumf %max3A_518, %max3A_522 : vector<16xf32>
        %max3A_530 = arith.maximumf %max3A_519, %max3A_523 : vector<16xf32>
        %min3A_531 = arith.minimumf %max3A_519, %max3A_523 : vector<16xf32>
        %max3A_532 = arith.maximumf %max3A_524, %max3A_528 : vector<16xf32>
        %min3A_533 = arith.minimumf %max3A_524, %max3A_528 : vector<16xf32>
        %max3A_534 = arith.maximumf %max3A_526, %max3A_530 : vector<16xf32>
        %min3A_535 = arith.minimumf %max3A_526, %max3A_530 : vector<16xf32>
        %max3A_536 = arith.maximumf %min3A_525, %min3A_529 : vector<16xf32>
        %min3A_537 = arith.minimumf %min3A_525, %min3A_529 : vector<16xf32>
        %max3A_538 = arith.maximumf %min3A_527, %min3A_531 : vector<16xf32>
        %min3A_539 = arith.minimumf %min3A_527, %min3A_531 : vector<16xf32>
        %max3A_540 = arith.maximumf %max3A_532, %max3A_534 : vector<16xf32>
        %min3A_541 = arith.minimumf %max3A_532, %max3A_534 : vector<16xf32>
        %max3A_542 = arith.maximumf %min3A_533, %min3A_535 : vector<16xf32>
        %min3A_543 = arith.minimumf %min3A_533, %min3A_535 : vector<16xf32>
        %max3A_544 = arith.maximumf %max3A_536, %max3A_538 : vector<16xf32>
        %min3A_545 = arith.minimumf %max3A_536, %max3A_538 : vector<16xf32>
        %max3A_546 = arith.maximumf %min3A_537, %min3A_539 : vector<16xf32>
        %min3A_547 = arith.minimumf %min3A_537, %min3A_539 : vector<16xf32>
        scf.yield %max3A_540, %min3A_541, %max3A_542, %min3A_543, %max3A_544, %min3A_545, %max3A_546, %min3A_547 : vector<16xf32>, vector<16xf32>, vector<16xf32>, vector<16xf32>, vector<16xf32>, vector<16xf32>, vector<16xf32>, vector<16xf32>
      }
      %lt3A_217 = arith.constant 1 : i32
      "tpu.trace_stop"() : () -> ()
      %lt3A_218 = arith.cmpi slt, %scan3A_19, %lt3A_217 : i32
      %convert_element_type3A_219 = arith.extui %lt3A_218 : i1 to i32
      %cond3A_220 = arith.constant 0 : i32
      %cond3A_221 = arith.cmpi ne, %convert_element_type3A_219, %cond3A_220 : i32
      scf.if %cond3A_221 {
        %add3A_332 = arith.addi %mul3A_2, %add3A_171 : i32
        %add3A_333 = arith.constant 2 : i32
        %add3A_334 = arith.addi %add3A_332, %add3A_333 : i32
        %dma_start3A_335 = arith.constant 0 : i32
        %dma_start3A_336 = tpu.memref_slice %arg2[%add3A_334, %dma_start3A_335] : memref<128x32768xf32, #tpu.memory_space<hbm>> -> memref<1x32768xf32, #tpu.memory_space<hbm>>
        %dma_start3A_337 = tpu.memref_squeeze %dma_start3A_336 : memref<1x32768xf32, #tpu.memory_space<hbm>> -> memref<32768xf32, #tpu.memory_space<hbm>>
        %dma_start3A_338 = arith.constant 0 : i32
        %dma_start3A_339 = tpu.memref_slice %arg2[%add3A_334, %dma_start3A_338] : memref<128x32768xf32, #tpu.memory_space<hbm>> -> memref<1x32768xf32, #tpu.memory_space<hbm>>
        %dma_start3A_340 = tpu.memref_squeeze %dma_start3A_339 : memref<1x32768xf32, #tpu.memory_space<hbm>> -> memref<32768xf32, #tpu.memory_space<hbm>>
        tpu.enqueue_dma source(%dma_start3A_340 : memref<32768xf32, #tpu.memory_space<hbm>>) target(%arg5 : memref<32768xf32, #tpu.memory_space<vmem>>) target_semaphore(%arg11 : memref<!tpu.dma_semaphore, #tpu.memory_space<semaphore_mem>>)
      } else {
      }
      "tpu.trace_start"() <{level = 10 : i32, message = "select"}> : () -> ()
      %masked_sort3A_222 = arith.constant dense<true> : vector<16xi1>
      %masked_sort3A_223, %masked_sort3A_224, %masked_sort3A_225 = tpu.sort %while3A_216#0, %while3A_216#0 masked %masked_sort3A_222 {descending = true} : (vector<16xf32>, vector<16xf32>, vector<16xi1>) -> (vector<16xi1>, vector<16xf32>, vector<16xf32>)
      %masked_sort3A_226 = arith.constant dense<true> : vector<16xi1>
      %masked_sort3A_227, %masked_sort3A_228, %masked_sort3A_229 = tpu.sort %while3A_216#1, %while3A_216#1 masked %masked_sort3A_226 {descending = true} : (vector<16xf32>, vector<16xf32>, vector<16xi1>) -> (vector<16xi1>, vector<16xf32>, vector<16xf32>)
      %masked_sort3A_230 = arith.constant dense<true> : vector<16xi1>
      %masked_sort3A_231, %masked_sort3A_232, %masked_sort3A_233 = tpu.sort %while3A_216#2, %while3A_216#2 masked %masked_sort3A_230 {descending = true} : (vector<16xf32>, vector<16xf32>, vector<16xi1>) -> (vector<16xi1>, vector<16xf32>, vector<16xf32>)
      %masked_sort3A_234 = arith.constant dense<true> : vector<16xi1>
      %masked_sort3A_235, %masked_sort3A_236, %masked_sort3A_237 = tpu.sort %while3A_216#3, %while3A_216#3 masked %masked_sort3A_234 {descending = true} : (vector<16xf32>, vector<16xf32>, vector<16xi1>) -> (vector<16xi1>, vector<16xf32>, vector<16xf32>)
      %masked_sort3A_238 = arith.constant dense<true> : vector<16xi1>
      %masked_sort3A_239, %masked_sort3A_240, %masked_sort3A_241 = tpu.sort %while3A_216#4, %while3A_216#4 masked %masked_sort3A_238 {descending = true} : (vector<16xf32>, vector<16xf32>, vector<16xi1>) -> (vector<16xi1>, vector<16xf32>, vector<16xf32>)
      %masked_sort3A_242 = arith.constant dense<true> : vector<16xi1>
      %masked_sort3A_243, %masked_sort3A_244, %masked_sort3A_245 = tpu.sort %while3A_216#5, %while3A_216#5 masked %masked_sort3A_242 {descending = true} : (vector<16xf32>, vector<16xf32>, vector<16xi1>) -> (vector<16xi1>, vector<16xf32>, vector<16xf32>)
      %masked_sort3A_246 = arith.constant dense<true> : vector<16xi1>
      %masked_sort3A_247, %masked_sort3A_248, %masked_sort3A_249 = tpu.sort %while3A_216#6, %while3A_216#6 masked %masked_sort3A_246 {descending = true} : (vector<16xf32>, vector<16xf32>, vector<16xi1>) -> (vector<16xi1>, vector<16xf32>, vector<16xf32>)
      %masked_sort3A_250 = arith.constant dense<true> : vector<16xi1>
      %masked_sort3A_251, %masked_sort3A_252, %masked_sort3A_253 = tpu.sort %while3A_216#7, %while3A_216#7 masked %masked_sort3A_250 {descending = true} : (vector<16xf32>, vector<16xf32>, vector<16xi1>) -> (vector<16xi1>, vector<16xf32>, vector<16xf32>)
      %rev3A_254 = arith.constant 15 : i32
      %rev3A_255 = vector.broadcast %rev3A_254 : i32 to vector<16xi32>
      %rev3A_256 = tpu.iota {dimensions = array<i32: 0>} : vector<16xi32>
      %rev3A_257 = arith.subi %rev3A_255, %rev3A_256 : vector<16xi32>
      %rev3A_258 = tpu.dynamic_gather %masked_sort3A_228[%rev3A_257] in [0] : vector<16xf32>, vector<16xi32> -> vector<16xf32>
      %max3A_259 = arith.maximumf %masked_sort3A_224, %rev3A_258 : vector<16xf32>
      %masked_sort3A_260 = arith.constant dense<true> : vector<16xi1>
      %masked_sort3A_261, %masked_sort3A_262, %masked_sort3A_263 = tpu.sort %max3A_259, %max3A_259 masked %masked_sort3A_260 {descending = true} : (vector<16xf32>, vector<16xf32>, vector<16xi1>) -> (vector<16xi1>, vector<16xf32>, vector<16xf32>)
      %rev3A_264 = arith.constant 15 : i32
      %rev3A_265 = vector.broadcast %rev3A_264 : i32 to vector<16xi32>
      %rev3A_266 = tpu.iota {dimensions = array<i32: 0>} : vector<16xi32>
      %rev3A_267 = arith.subi %rev3A_265, %rev3A_266 : vector<16xi32>
      %rev3A_268 = tpu.dynamic_gather %masked_sort3A_236[%rev3A_267] in [0] : vector<16xf32>, vector<16xi32> -> vector<16xf32>
      %max3A_269 = arith.maximumf %masked_sort3A_232, %rev3A_268 : vector<16xf32>
      %masked_sort3A_270 = arith.constant dense<true> : vector<16xi1>
      %masked_sort3A_271, %masked_sort3A_272, %masked_sort3A_273 = tpu.sort %max3A_269, %max3A_269 masked %masked_sort3A_270 {descending = true} : (vector<16xf32>, vector<16xf32>, vector<16xi1>) -> (vector<16xi1>, vector<16xf32>, vector<16xf32>)
      %rev3A_274 = arith.constant 15 : i32
      %rev3A_275 = vector.broadcast %rev3A_274 : i32 to vector<16xi32>
      %rev3A_276 = tpu.iota {dimensions = array<i32: 0>} : vector<16xi32>
      %rev3A_277 = arith.subi %rev3A_275, %rev3A_276 : vector<16xi32>
      %rev3A_278 = tpu.dynamic_gather %masked_sort3A_244[%rev3A_277] in [0] : vector<16xf32>, vector<16xi32> -> vector<16xf32>
      %max3A_279 = arith.maximumf %masked_sort3A_240, %rev3A_278 : vector<16xf32>
      %masked_sort3A_280 = arith.constant dense<true> : vector<16xi1>
      %masked_sort3A_281, %masked_sort3A_282, %masked_sort3A_283 = tpu.sort %max3A_279, %max3A_279 masked %masked_sort3A_280 {descending = true} : (vector<16xf32>, vector<16xf32>, vector<16xi1>) -> (vector<16xi1>, vector<16xf32>, vector<16xf32>)
      %rev3A_284 = arith.constant 15 : i32
      %rev3A_285 = vector.broadcast %rev3A_284 : i32 to vector<16xi32>
      %rev3A_286 = tpu.iota {dimensions = array<i32: 0>} : vector<16xi32>
      %rev3A_287 = arith.subi %rev3A_285, %rev3A_286 : vector<16xi32>
      %rev3A_288 = tpu.dynamic_gather %masked_sort3A_252[%rev3A_287] in [0] : vector<16xf32>, vector<16xi32> -> vector<16xf32>
      %max3A_289 = arith.maximumf %masked_sort3A_248, %rev3A_288 : vector<16xf32>
      %masked_sort3A_290 = arith.constant dense<true> : vector<16xi1>
      %masked_sort3A_291, %masked_sort3A_292, %masked_sort3A_293 = tpu.sort %max3A_289, %max3A_289 masked %masked_sort3A_290 {descending = true} : (vector<16xf32>, vector<16xf32>, vector<16xi1>) -> (vector<16xi1>, vector<16xf32>, vector<16xf32>)
      %rev3A_294 = arith.constant 15 : i32
      %rev3A_295 = vector.broadcast %rev3A_294 : i32 to vector<16xi32>
      %rev3A_296 = tpu.iota {dimensions = array<i32: 0>} : vector<16xi32>
      %rev3A_297 = arith.subi %rev3A_295, %rev3A_296 : vector<16xi32>
      %rev3A_298 = tpu.dynamic_gather %masked_sort3A_272[%rev3A_297] in [0] : vector<16xf32>, vector<16xi32> -> vector<16xf32>
      %max3A_299 = arith.maximumf %masked_sort3A_262, %rev3A_298 : vector<16xf32>
      %masked_sort3A_300 = arith.constant dense<true> : vector<16xi1>
      %masked_sort3A_301, %masked_sort3A_302, %masked_sort3A_303 = tpu.sort %max3A_299, %max3A_299 masked %masked_sort3A_300 {descending = true} : (vector<16xf32>, vector<16xf32>, vector<16xi1>) -> (vector<16xi1>, vector<16xf32>, vector<16xf32>)
      %rev3A_304 = arith.constant 15 : i32
      %rev3A_305 = vector.broadcast %rev3A_304 : i32 to vector<16xi32>
      %rev3A_306 = tpu.iota {dimensions = array<i32: 0>} : vector<16xi32>
      %rev3A_307 = arith.subi %rev3A_305, %rev3A_306 : vector<16xi32>
      %rev3A_308 = tpu.dynamic_gather %masked_sort3A_292[%rev3A_307] in [0] : vector<16xf32>, vector<16xi32> -> vector<16xf32>
      %max3A_309 = arith.maximumf %masked_sort3A_282, %rev3A_308 : vector<16xf32>
      %masked_sort3A_310 = arith.constant dense<true> : vector<16xi1>
      %masked_sort3A_311, %masked_sort3A_312, %masked_sort3A_313 = tpu.sort %max3A_309, %max3A_309 masked %masked_sort3A_310 {descending = true} : (vector<16xf32>, vector<16xf32>, vector<16xi1>) -> (vector<16xi1>, vector<16xf32>, vector<16xf32>)
      %rev3A_314 = arith.constant 15 : i32
      %rev3A_315 = vector.broadcast %rev3A_314 : i32 to vector<16xi32>
      %rev3A_316 = tpu.iota {dimensions = array<i32: 0>} : vector<16xi32>
      %rev3A_317 = arith.subi %rev3A_315, %rev3A_316 : vector<16xi32>
      %rev3A_318 = tpu.dynamic_gather %masked_sort3A_312[%rev3A_317] in [0] : vector<16xf32>, vector<16xi32> -> vector<16xf32>
      %max3A_319 = arith.maximumf %masked_sort3A_302, %rev3A_318 : vector<16xf32>
      %masked_sort3A_320 = arith.constant dense<true> : vector<16xi1>
      %masked_sort3A_321, %masked_sort3A_322, %masked_sort3A_323 = tpu.sort %max3A_319, %max3A_319 masked %masked_sort3A_320 {descending = true} : (vector<16xf32>, vector<16xf32>, vector<16xi1>) -> (vector<16xi1>, vector<16xf32>, vector<16xf32>)
      "tpu.trace_stop"() : () -> ()
      %swap3A = arith.constant 0 : index
      %swap3A_324 = tpu.vector_load %arg8[%swap3A] {strides = array<i32>} : memref<32xf32, #tpu.memory_space<vmem>>, vector<16xf32>,
      tpu.vector_store %arg8[%swap3A], %masked_sort3A_166 {strides = array<i32>} : memref<32xf32, #tpu.memory_space<vmem>>, vector<16xf32>,
      %swap3A_325 = arith.constant 8 : index
      %swap3A_326 = tpu.vector_load %arg8[%swap3A_325] {strides = array<i32>} : memref<32xf32, #tpu.memory_space<vmem>>, vector<16xf32>,
      tpu.vector_store %arg8[%swap3A_325], %masked_sort3A_322 {strides = array<i32>} : memref<32xf32, #tpu.memory_space<vmem>>, vector<16xf32>,
      %get3A = arith.constant 0 : index
      %get3A_327 = tpu.vector_load %arg8[%get3A] {strides = array<i32>} : memref<32xf32, #tpu.memory_space<vmem>>, vector<16xf32>,
      %mul3A_328 = arith.constant 16 : i32
      %mul3A_329 = arith.muli %scan3A_19, %mul3A_328 : i32
      %swap3A_330 = arith.index_cast %mul3A_329 : i32 to index
      %swap3A_331 = tpu.vector_load %arg9[%swap3A_330] {strides = array<i32>} : memref<32xf32, #tpu.memory_space<vmem>>, vector<16xf32>,
      tpu.vector_store %arg9[%swap3A_330], %get3A_327 {strides = array<i32>} : memref<32xf32, #tpu.memory_space<vmem>>, vector<16xf32>,
    }
    %scan3A_16 = arith.constant 2 : i32
    %mul3A_17 = arith.constant 8 : i32
    %mul3A_18 = arith.muli %mul3A_2, %mul3A_17 : i32
    "tpu.region"() ({
      %run_scoped3A = tpu.sem_alloc : memref<!tpu.dma_semaphore, #tpu.memory_space<semaphore_mem>>
      %dma_start3A_19 = tpu.memref_slice %arg3[%mul3A_18] : memref<1024xf32, #tpu.memory_space<hbm>> -> memref<32xf32, #tpu.memory_space<hbm>>
      %dma_start3A_20 = tpu.memref_slice %arg3[%mul3A_18] : memref<1024xf32, #tpu.memory_space<hbm>> -> memref<32xf32, #tpu.memory_space<hbm>>
      tpu.enqueue_dma source(%arg9 : memref<32xf32, #tpu.memory_space<vmem>>) target(%dma_start3A_20 : memref<32xf32, #tpu.memory_space<hbm>>) target_semaphore(%run_scoped3A : memref<!tpu.dma_semaphore, #tpu.memory_space<semaphore_mem>>)
      %dma_wait3A = tpu.memref_slice %arg3[%mul3A_18] : memref<1024xf32, #tpu.memory_space<hbm>> -> memref<32xf32, #tpu.memory_space<hbm>>
      %dma_wait3A_21 = tpu.memref_slice %arg3[%mul3A_18] : memref<1024xf32, #tpu.memory_space<hbm>> -> memref<32xf32, #tpu.memory_space<hbm>>
      tpu.wait_dma2 semaphore(%run_scoped3A : memref<!tpu.dma_semaphore, #tpu.memory_space<semaphore_mem>>) src(%arg9 : memref<32xf32, #tpu.memory_space<vmem>>) dst(%dma_wait3A_21 : memref<32xf32, #tpu.memory_space<hbm>>)
      tpu.yield
    }) : () -> ()
    return
  }
}

</mosaic_0001>

<sc_bundles>
// kernel: kernel.3.cloned.1.call-start
scs
__scs_entry_jumppad:
0x0: {  	(pc) =	sbr.rel $0x88, $3  }
0x1: {  	(tag) =	ssettag $0x0;
	lr =	simm.s32 $0x1  }
0x2: {  	[smem:$0x3FA0] =	sst lr;
	_ =	strace $0xD0000000  }
0x3: {  	_ = 	snop  }
0x4: {  	_ = 	snop  }
0x5: {  	_ = 	snop  }
0x6: {  	_ = 	snop  }
0x7: {  	_ = 	snop  }
__scs_overlays_trampoline_lowered:
0x8: {  	[smem:$0x3FAF] =	sst s0  }
0x9: {  	[smem:$0x3FB0] =	sst s1  }
0xa: {  	[smem:$0x3FB1] =	sst s2  }
0xb: {  	[smem:$0x3FB2] =	sst s3  }
0xc: {  	[smem:$0x3FB3] =	sst s4  }
0xd: {  	[smem:$0x3FB4] =	sst s5  }
0xe: {  	[smem:$0x3FB5] =	sst s6  }
0xf: {  	[smem:$0x3FB6] =	sst s7  }
0x10: {  	[smem:$0x3FB7] =	sst s8  }
0x11: {  	[smem:$0x3FB8] =	sst s9;
	s0 =	simm.s32 @!p0 $0x0  }
0x12: {  	s1 =	sld [smem:$0x3F9E];
	s0 =	simm.s32 @p0 $0x1  }
0x13: {  	[smem:$0x3FB9] =	sst s0;
	s0 =	simm.s32 @!p1 $0x0  }
0x14: {  	s2 =	sld [smem:$0x3F9D];
	s0 =	simm.s32 @p1 $0x1  }
0x15: {  	[smem:$0x3FBA] =	sst s0;
	s0 =	simm.s32 @!p2 $0x0  }
0x16: {  	s3 =	sld [smem:$0x3FDB];
	s0 =	simm.s32 @p2 $0x1  }
0x17: {  	s4 =	simm.s32 $0x1BF5;
	[smem:$0x3FBC] =	sst s0  }
0x18: {  	s0 =	sld [smem:$0x3F9F];
	_ =	swait.ge [sflag:s4], $0x0  }
0x19: {  	s7 =	sld [smem:$0x3FA0]  }
0x1a: {  	s8 =	sadd.s32 $0xFFFFE003, lr  }
0x1b: {  	s9 =	sadd.s32 $0xFFFFFEF7, lr;
	s5 =	simm.s32 $0xFFFFFFFF;
	p2 =	slt.u32 s8, $0xFFFFF086  }
0x1c: {  	p1 =	slt.u32 s9, $0xF7A;
	s5 =	simm.s32 @!p2 $0x0  }
0x1d: {  	s5 =	simm.s32 @p1 $0x1;
	p0 =	seq.s32 s7, s2  }
0x1e: {  	s7 =	smul.u32 @!p0 $0xF7A, s2;
	p2 =	seq.s32 @!p0 s5, $0x0  }
0x1f: {  	s9 =	smul.u32 $0xF7A, s1;
	s8 =	simm.s32 @!p0 $0x1BF5;
	p2 =	por !p2, p0  }
0x20: {  	[sflag:s8] =	ssyncset.s32 @!p0 $0xFFFFF086;
	s6 =	sadd.s32 @!p0 s3, s7;
	s7 =	simm.s32 @!p0 $0x108  }
0x21: {  	s3 =	sadd.s32 s3, s9;
	s6 =	sadd.s32 @!p0 $0x88, s6;
	s7 =	simm.s32 @p2 $0x1082  }
0x22: {  	[simem:s7], [sflag:s8] =	dma.local @!p0 [hbm:s6], $0xF7A  }
0x23: {  	s9 =	sor.u32 $0xD0000000, s2;
	s6 =	simm.s32 $0x108;
	_ =	swait.ge @!p0 [sflag:s8], $0x0  }
0x24: {  	s3 =	sadd.s32 $0x88, s3;
	s6 =	simm.s32 @!p1 $0x1082;
	[sflag:s4] =	ssyncset.s32 $0xFFFFF086  }
0x25: {  	[simem:s6], [sflag:s4] =	dma.local [hbm:s3], $0xF7A  }
0x26: {  	[smem:$0x3FA0] =	sst s1;
	(tag) =	ssettag s2;
	_ =	strace s9  }
0x27: {  	s1 =	sld [smem:$0x3FB0]  }
0x28: {  	s2 =	sld [smem:$0x3FB1]  }
0x29: {  	s4 =	sld [smem:$0x3FB3]  }
0x2a: {  	p0 =	seq.s32 s5, $0x0;
	s5 =	sld [smem:$0x3FB4]  }
0x2b: {  	s6 =	sld [smem:$0x3FB5]  }
0x2c: {  	s7 =	sld [smem:$0x3FB6]  }
0x2d: {  	s3 =	simm.s32 $0x108;
	s8 =	sld [smem:$0x3FB7]  }
0x2e: {  	s3 =	simm.s32 @!p0 $0x1082;
	s9 =	sld [smem:$0x3FB8]  }
0x2f: {  	lr =	sadd.s32 s0, s3;
	s0 =	sld [smem:$0x3FAF]  }
0x30: {  	s3 =	sld [smem:$0x3FB2]  }
0x31: {  	[smem:$0x3FBB] =	sst s10  }
0x32: {  	s10 =	sld [smem:$0x3FB9];
	_ =	sdelay $0x3  }
0x33: {  	p0 =	seq.s32 s10, $0x1;
	s10 =	sld [smem:$0x3FBB];
	_ =	sdelay $0x3  }
0x34: {  	[smem:$0x3FBB] =	sst s10  }
0x35: {  	s10 =	sld [smem:$0x3FBA];
	_ =	sdelay $0x3  }
0x36: {  	p1 =	seq.s32 s10, $0x1;
	s10 =	sld [smem:$0x3FBB];
	_ =	sdelay $0x3  }
0x37: {  	[smem:$0x3FBB] =	sst s10  }
0x38: {  	s10 =	sld [smem:$0x3FBC]  }
0x39: {  	_ = 	snop;
	(pc) =	sbr.ind lr, $3  }
0x3a: {  	_ = 	snop  }
0x3b: {  	_ = 	snop  }
0x3c: {  	p2 =	seq.s32 s10, $0x1;
	s10 =	sld [smem:$0x3FBB]  }
0x3d: {  	_ =	shalt  }
0x3e: {  	_ =	shalt  }
0x3f: {  	_ =	shalt  }
0x40: {  	_ =	shalt  }
0x41: {  	_ =	shalt  }
0x42: {  	_ =	shalt  }
0x43: {  	_ =	shalt  }
0x44: {  	_ =	shalt  }
0x45: {  	_ =	shalt  }
0x46: {  	_ =	shalt  }
0x47: {  	_ =	shalt  }
0x48: {  	_ =	shalt  }
0x49: {  	_ =	shalt  }
0x4a: {  	_ =	shalt  }
0x4b: {  	_ =	shalt  }
0x4c: {  	_ =	shalt  }
0x4d: {  	_ =	shalt  }
0x4e: {  	_ =	shalt  }
0x4f: {  	_ =	shalt  }
0x50: {  	_ =	shalt  }
0x51: {  	_ =	shalt  }
0x52: {  	_ =	shalt  }
0x53: {  	_ =	shalt  }
0x54: {  	_ =	shalt  }
0x55: {  	_ =	shalt  }
0x56: {  	_ =	shalt  }
0x57: {  	_ =	shalt  }
0x58: {  	_ =	shalt  }
0x59: {  	_ =	shalt  }
0x5a: {  	_ =	shalt  }
0x5b: {  	_ =	shalt  }
0x5c: {  	_ =	shalt  }
0x5d: {  	_ =	shalt  }
0x5e: {  	_ =	shalt  }
0x5f: {  	_ =	shalt  }
0x60: {  	_ =	shalt  }
0x61: {  	_ =	shalt  }
0x62: {  	_ =	shalt  }
0x63: {  	_ =	shalt  }
0x64: {  	_ =	shalt  }
0x65: {  	_ =	shalt  }
0x66: {  	_ =	shalt  }
0x67: {  	_ =	shalt  }
0x68: {  	_ =	shalt  }
0x69: {  	_ =	shalt  }
0x6a: {  	_ =	shalt  }
0x6b: {  	_ =	shalt  }
0x6c: {  	_ =	shalt  }
0x6d: {  	_ =	shalt  }
0x6e: {  	_ =	shalt  }
0x6f: {  	_ =	shalt  }
0x70: {  	_ =	shalt  }
0x71: {  	_ =	shalt  }
0x72: {  	_ =	shalt  }
0x73: {  	_ =	shalt  }
0x74: {  	_ =	shalt  }
0x75: {  	_ =	shalt  }
0x76: {  	_ =	shalt  }
0x77: {  	_ =	shalt  }
0x78: {  	_ =	shalt  }
0x79: {  	_ =	shalt  }
0x7a: {  	_ =	shalt  }
0x7b: {  	_ =	shalt  }
0x7c: {  	_ =	shalt  }
0x7d: {  	_ =	shalt  }
0x7e: {  	_ =	shalt  }
0x7f: {  	_ =	shalt  }
0x80: {  	_ =	shalt  }
0x81: {  	_ =	shalt  }
0x82: {  	_ =	shalt  }
0x83: {  	_ =	shalt  }
0x84: {  	_ =	shalt  }
0x85: {  	_ =	shalt  }
0x86: {  	_ =	shalt  }
0x87: {  	_ =	shalt  }
.Lfunc_end0:
.L_simem_size_0:
called_computation_lowered:
.L_overlay_start_0:
0x88: {  	s2 =	sld [smem:$0x3FD9]  }
0x89: {  	s3 =	sld [smem:$0x3FFE];
	_ =	sdelay $0x1  }
0x8a: {  	s1 =	srdreg.scid  }
0x8b: {  	s0 =	sand.u32 $0x1, s1  }
0x8c: {  	s18 =	sshll.u32 s0, $0xA;
	s2 =	sadd.s32 s3, s2  }
0x8d: {  	s2 =	sadd.s32 s2, s18  }
0x8e: {  	[smem:$0x3FC7] =	sst s2  }
0x8f: {  	_ = 	snop  }
0x90: {  	s2 =	sld [smem:$0x3FC9]  }
0x91: {  	s19 =	sld [smem:$0x3FD0];
	(tm) =	ssettm $0x1  }
0x92: {  	s4 =	sld [smem:$0x3FFB];
	_ =	sdelay $0x3  }
0x93: {  	_ =	strace s4  }
0x94: {  	s4 =	sld [smem:$0x3FFC];
	_ =	sdelay $0x3  }
0x95: {  	_ =	strace s4  }
0x96: {  	s4 =	sld [smem:$0x3FFD];
	_ =	sdelay $0x3  }
0x97: {  	_ =	strace s4  }
0x98: {  	_ =	strace $0x8FFFFFFF  }
0x99: {  	s20 =	sld [smem:$0x3FDB];
	_ =	sdelay $0x1  }
0x9a: {  	s5 =	simm.s32 $_scs_section_size  }
0x9b: {  	s6 =	simm.s32 $_size__tile_overlayer_lowered;
	s7 =	simm.s32 $_tile_overlayer_lowered  }
0x9c: {  	s23 =	simm.s32 $0x1BFF;
	s22 =	sshll.u32 s7, $0x1;
	s4 =	sadd.s32 s5, s20  }
0x9d: {  	s8 =	simm.s32 $0x0;
	s21 =	sshll.u32 s6, $0x1;
	s6 =	sadd.s32 s22, s4  }
0x9e: {  	[timem:s8], [sflag:s23] =	dma.local [hbm:s6], s21  }
0x9f: {  	_ =	swait.ge [sflag:s23], s21  }
0xa0: {  	s5 =	ssub.s32 $0x0, s21;
	[sflag:s23] =	ssyncset.done $0x0  }
0xa1: {  	[sflag:s23] =	ssyncadd.s32 s5;
	_ =	sdelay $0x1  }
0xa2: {  	s24 =	simm.s32 $0x1B8B  }
0xa3: {  	_ =	swait.ge [sflag:s24], $0x1  }
0xa4: {  	[sflag:s24] =	ssyncset.done $0x0  }
0xa5: {  	s25 =	simm.s32 $0x1B8E;
	[sflag:s24] =	ssyncadd.s32 $0xFFFFFFFF  }
0xa6: {  	s26 =	simm.s32 $execute0_lowered;
	[smem:$0x3FD2] =	sst s25  }
0xa7: {  	s5 =	sshll.u32 s26, $0x1;
	_ =	strace $0x80000046;
	[dreg:$0x1] =	wrdreg $0xFFFFFFFF  }
0xa8: {  	s28 =	simm.s32 $_size_execute0_lowered;
	s4 =	sadd.s32 s4, s5;
	[dreg:$0x0] =	wrdreg $0x0  }
0xa9: {  	s5 =	sshll.u32 s28, $0x1;
	[dreg:$0x2] =	wrdreg s4  }
0xaa: {  	[dreg:$0x3] =	wrdreg s5  }
0xab: {  	[dreg:$0x4] =	wrdreg $0xC0  }
0xac: {  	_ =	task [dreg:s8], $0x5FFFF  }
0xad: {  	[dreg:$0x1] =	wrdreg $0xFFFFFFFF  }
0xae: {  	[dreg:$0x0] =	wrdreg $0x60  }
0xaf: {  	[dreg:$0x2] =	wrdreg s2  }
0xb0: {  	[dreg:$0x3] =	wrdreg s19  }
0xb1: {  	[dreg:$0x4] =	wrdreg $0x9  }
0xb2: {  	_ =	task.clear_ibuf [dreg:s8], $0x5FFFF;
	_ =	strace $0x90000046  }
0xb3: {  	s29 =	simm.s32 $0x9;
	_ =	strace $0x80000052  }
0xb4: {  	_ =	swait.ge [sflag:s29], $0x1  }
0xb5: {  	[sflag:s29] =	ssyncadd.s32 $0xFFFFFFFF  }
0xb6: {  	_ =	strace $0x90000052  }
0xb7: {  	_ =	sfence  }
0xb8: {  	s30 =	sld [smem:$0x0];
	_ =	sdelay $0x2  }
0xb9: {  	s31 =	sshll.u32 s1, $0xD;
	s1 =	sshrl.u32 s1, $0x2  }
0xba: {  	s3 =	sand.u32 $0x4000, s31;
	s1 =	sadd.s32 s1, s30  }
0xbb: {  	s0 =	sor.u32 s3, s0;
	s1 =	sshll.u32 s1, $0x11  }
0xbc: {  	s0 =	sor.u32 s1, s0  }
0xbd: {  	s0 =	sadd.s32 $0x8F2B, s0  }
0xbe: {  	[sflag:s0] =	ssyncadd.remote.s32 $0x1  }
0xbf: {  	_ =	sfence.sel $0xFFFF  }
0xc0: {  	[dreg:$0x0] =	wrdreg $0xFFFFFFFF;
	(pc) =	sbr.abs _section_cstart, $3  }
0xc1: {  	[dreg:$0x1] =	wrdreg $0xFFFFFFFF  }
0xc2: {  	_ =	task.clear_ibuf [dreg:s8], $0x2FFFF;
	_ =	strace $0x9FFFFFFF  }
0xc3: {  	(tm) =	ssettm $0x7FFFFFFF  }
tec
execute0_lowered:
.L_overlay_start_1:
0x0: {  	(tag) =	ssettag $0x1  }
0x1: {  	s1 =	rddreg [dreg:$0x0]  }
0x2: {  	s7 =	rddreg [dreg:$0x1]  }
0x3: {  	s0 =	rddreg [dreg:$0x2];
	s3 =	simm.s32 $0x0  }
0x4: {  	s4 =	srdreg.scid;
	s2 =	stileid.u32;
	s11 =	simm.s32 $0x1  }
0x5: {  	s12 =	simm.s32 $0x10000;
	s13 =	simm.s32 $0x2;
	s14 =	simm.s32 $0x10A00  }
0x6: {  	s15 =	simm.s32 $0x3;
	s16 =	simm.s32 $0x0;
	[smem:$0x7FF] =	sst s3  }
0x7: {  	s4 =	sand.u32 $0x1, s4;
	s5 =	sshll.u32 s2, $0x3;
	s9 =	sshll.u32 s2, $0xF  }
.Ltmp0:
0x8: {  	_ =	strace $0x80000047;
	s8 =	sshll.u32 s4, $0x6;
	(pc) =	sbr.rel .LBB2_1-.Ltmp0, $4  }
0x9: {  	s6 =	ssub.s32 $0x2, s4;
	s4 =	sshll.u32 s4, $0x2;
	s8 =	sadd.s32 s1, s8  }
0xa: {  	s10 =	sshrl.u32 s6, $0x1;
	s4 =	sor.u32 s4, s5;
	s5 =	sadd.s32 s9, s8  }
0xb: {  	v0 =	vlaneseq.u32;
	s31 =	ssub.s32 s6, s10;
	s7 =	sadd.s32 s7, s4;
	s9 =	simm.s32 $0x80  }
0xc: {  	vm0 =	vmmov $0x7f;
	v1 =	vmul.u32 $0x81, v0;
	s10 =	simm.s32 $0x400;
	s6 =	sadd.s32 $0x10, s5;
	s8 =	smax.u32 s31, $0x1  }
.LBB2_20:
0xd: {  	s16 =	sadd.s32 $0x1, s16  }
0xe: {  	p0 =	sne.s32 s16, s8  }
.Ltmp1:
0xf: {  	_ = 	snop;
	(pc) =	sbr.rel @!p0 .LBB2_21-.Ltmp1, $4  }
0x10: {  	[hbm4b:s7+s3] =	stream.linear.scatter [tilespmem:s14], [sflag:$0x3], $0x20, $0x38;
	[tilespmem:$0x10A80] =	vst v63  }
0x11: {  	_ =	swait.ge [sflag:s15], $0x20  }
0x12: {  	[sflag:s15] =	ssyncset.done $0x0  }
0x13: {  	[sflag:s15] =	ssyncadd.s32 $0xFFFFFFE0  }
.LBB2_1:
.Ltmp2:
0x14: {  	(pc) =	sbr.rel .LBB2_2-.Ltmp2, $3  }
0x15: {  	_ =	sdelay $0x1  }
0x16: {  	[tilespmem:s3], [sflag:$0x1] =	stream.strided.gather [hbm4b:s5+s9], $0x8000, s10, s9, $0x38;
	[tilespmem:$0x10A80] =	vst v63  }
0x17: {  	p1 =	por $0x0, $0x0;
	p2 =	por $0x1, $0x1;
	s17 =	simm.s32 $0x0  }
.LBB2_15:
0x18: {  	v4 =	vimm.f32 $-Inf;
	v5 =	vimm.f32 $-Inf  }
0x19: {  	v6 =	vimm.f32 $-Inf;
	v11 =	vimm.f32 $-Inf;
	v7 =	vimm.f32 $-Inf  }
0x1a: {  	v8 =	vimm.f32 $-Inf;
	v9 =	vimm.f32 $-Inf;
	v10 =	vimm.f32 $-Inf  }
.LBB2_19:
0x1b: {  	s18 =	sadd.s32 @!p1 $0x3, s18  }
0x1c: {  	s19 =	sshll.u32 @!p1 s18, $0x4  }
0x1d: {  	_ =	strace $0x90000050;
	s18 =	sshll.u32 @!p1 s18, $0xC;
	s19 =	sand.u32 @!p1 $0x70, s19  }
0x1e: {  	s20 =	simm.s32 @!p1 $0x400;
	s18 =	sand.u32 @!p1 $0xFFF8000, s18;
	s19 =	sadd.s32 @!p1 s1, s19  }
0x1f: {  	s21 =	simm.s32 @!p1 $0x8000;
	s18 =	sadd.s32 @!p1 s18, s19;
	s19 =	simm.s32 @!p1 $0x80  }
0x20: {  	[tilespmem:s21], [sflag:$0x2] =	stream.strided.gather @!p1 [hbm4b:s18+s19], $0x8000, s20, s19, $0x38;
	[tilespmem:$0x10A80] =	vst v63  }
0x21: {  	_ =	strace $0x80000051  }
0x22: {  	(xrf1) =	vsort.dscd.msk.f32 $0xffff, v4, v4  }
0x23: {  	(xrf1) =	vsort.dscd.msk.f32 $0xffff, v5, v5  }
0x24: {  	(xrf1) =	vsort.dscd.msk.f32 $0xffff, v6, v6  }
0x25: {  	(xrf1) =	vsort.dscd.msk.f32 $0xffff, v11, v11  }
0x26: {  	(xrf1) =	vsort.dscd.msk.f32 $0xffff, v7, v7  }
0x27: {  	(xrf1) =	vsort.dscd.msk.f32 $0xffff, v8, v8  }
0x28: {  	(xrf1) =	vsort.dscd.msk.f32 $0xffff, v9, v9  }
0x29: {  	(xrf1) =	vsort.dscd.msk.f32 $0xffff, v10, v10;
	_ =	sdelay $0x6  }
0x2a: {  	v4, _, _ =	vpop (xrf1)  }
0x2b: {  	v5, _, _ =	vpop (xrf1)  }
0x2c: {  	v6, _, _ =	vpop (xrf1)  }
0x2d: {  	v47, _, _ =	vpop (xrf1)  }
0x2e: {  	v48, _, _ =	vpop (xrf1)  }
0x2f: {  	v5 =	vperm.xlane v5, v2;
	v49, _, _ =	vpop (xrf1)  }
0x30: {  	v7 =	vperm.xlane v47, v2;
	v50, _, _ =	vpop (xrf1)  }
0x31: {  	v4 =	vmax.f32 v4, v5;
	v52 =	vperm.xlane v49, v2;
	v51, _, _ =	vpop (xrf1)  }
0x32: {  	(xrf1) =	vsort.dscd.msk.f32 $0xffff, v4, v4;
	v53 =	vmax.f32 v6, v7;
	v54 =	vperm.xlane v51, v2  }
0x33: {  	(xrf1) =	vsort.dscd.msk.f32 $0xffff, v53, v53;
	v55 =	vmax.f32 v48, v52  }
0x34: {  	(xrf1) =	vsort.dscd.msk.f32 $0xffff, v55, v55;
	v56 =	vmax.f32 v50, v54  }
0x35: {  	(xrf1) =	vsort.dscd.msk.f32 $0xffff, v56, v56;
	_ =	sdelay $0xa  }
0x36: {  	v57, _, _ =	vpop (xrf1)  }
0x37: {  	v58, _, _ =	vpop (xrf1)  }
0x38: {  	v59, _, _ =	vpop (xrf1)  }
0x39: {  	v5 =	vperm.xlane v58, v2;
	v60, _, _ =	vpop (xrf1)  }
0x3a: {  	v7 =	vperm.xlane v60, v2  }
0x3b: {  	v4 =	vmax.f32 v57, v5  }
0x3c: {  	(xrf1) =	vsort.dscd.msk.f32 $0xffff, v4, v4;
	v61 =	vmax.f32 v59, v7  }
0x3d: {  	(xrf1) =	vsort.dscd.msk.f32 $0xffff, v61, v61;
	_ =	sdelay $0xc  }
0x3e: {  	v62, _, _ =	vpop (xrf1)  }
0x3f: {  	v63, _, _ =	vpop (xrf1)  }
0x40: {  	v2 =	vperm.xlane v63, v2;
	_ =	sdelay $0x1  }
0x41: {  	v2 =	vmax.f32 v62, v2  }
0x42: {  	(xrf1) =	vsort.dscd.msk.f32 $0xffff, v2, v2;
	_ =	sdelay $0xd  }
0x43: {  	v2, _, _ =	vpop (xrf1)  }
0x44: {  	_ =	strace $0x90000051;
	[tilespmem:$0x10980] =	vst v3  }
0x45: {  	[tilespmem:$0x10988] =	vst v2  }
0x46: {  	v2 =	vld [tilespmem:$0x10980]  }
.Ltmp3:
0x47: {  	_ = 	snop;
	(pc) =	sbr.rel @!p0 .LBB2_20-.Ltmp3, $4  }
0x48: {  	_ = 	snop  }
0x49: {  	s17 =	sshll.u32 s17, $0x4  }
0x4a: {  	s17 =	sand.u32 $0x3FFFFFF0, s17  }
0x4b: {  	p2 =	por $0x0, $0x0;
	p1 =	por $0x1, $0x1;
	[tilespmem:s17+$0x10A00] =	vst v2;
	s17 =	simm.s32 $0x1  }
.LBB2_2:
0x4c: {  	_ =	strace $0x80000048  }
0x4d: {  	_ =	swait.ge [sflag:s11], $0x8000  }
0x4e: {  	[sflag:s11] =	ssyncset.done $0x0  }
0x4f: {  	s18 =	simm.s32 @p2 $0x80;
	[sflag:s11] =	ssyncadd.s32 $0xFFFF8000  }
0x50: {  	s19 =	simm.s32 @p2 $0x400;
	s20 =	simm.s32 @p2 $0x8000;
	_ =	strace $0x90000048  }
0x51: {  	[tilespmem:s20], [sflag:$0x2] =	stream.strided.gather @p2 [hbm4b:s6+s18], $0x8000, s19, s18, $0x38;
	[tilespmem:$0x10A80] =	vst v63  }
0x52: {  	s19 =	simm.s32 $0x100;
	_ =	strace $0x80000049  }
0x53: {  	v2 =	vld [tilespmem:s19+$0xFFFFFF00]  }
0x54: {  	v3 =	vld [tilespmem:s19+$0xFFFFFFF0]  }
0x55: {  	v4 =	vld [tilespmem:s19+$0xFFFFFFE0]  }
0x56: {  	v5 =	vld [tilespmem:s19+$0xFFFFFFD0]  }
0x57: {  	v6 =	vld [tilespmem:s19+$0xFFFFFFC0]  }
0x58: {  	v7 =	vld [tilespmem:s19+$0xFFFFFFB0]  }
0x59: {  	v8 =	vld [tilespmem:s19+$0xFFFFFFA0]  }
0x5a: {  	v9 =	vld [tilespmem:s19+$0xFFFFFF90]  }
0x5b: {  	v10 =	vld [tilespmem:s19+$0xFFFFFF80]  }
0x5c: {  	v11 =	vld [tilespmem:s19+$0xFFFFFF70]  }
0x5d: {  	v12 =	vld [tilespmem:s19+$0xFFFFFF60]  }
0x5e: {  	v13 =	vld [tilespmem:s19+$0xFFFFFF50]  }
0x5f: {  	v14 =	vld [tilespmem:s19+$0xFFFFFF40]  }
0x60: {  	v15 =	vld [tilespmem:s19+$0xFFFFFF30]  }
0x61: {  	v16 =	vld [tilespmem:s19+$0xFFFFFF20]  }
0x62: {  	v17 =	vld [tilespmem:s19+$0xFFFFFF10];
	_ =	sdelay $0x1  }
0x63: {  	v3 =	vmax.f32 v4, v3  }
0x64: {  	s20 =	simm.s32 $0x0;
	v4 =	vmax.f32 v6, v5;
	v5 =	vmax.f32 v10, v9;
	v6 =	vmax.f32 v12, v11  }
0x65: {  	v3 =	vmax.f32 v4, v3;
	v4 =	vmax.f32 v8, v7;
	v7 =	vadd.s32 s20, v1  }
0x66: {  	v9 =	vmax.f32 v16, v15;
	v2 =	vmax.f32 v2, v17;
	v8 =	vmax.f32 v14, v13  }
0x67: {  	v2 =	vmax.f32 v2, v9;
	v4 =	vmax.f32 v5, v4;
	v5 =	vmax.f32 v8, v6  }
0x68: {  	v2 =	vmax.f32 v2, v5;
	v3 =	vmax.f32 v4, v3  }
0x69: {  	v3 =	vmax.f32 v2, v3  }
0x6a: {  	[tilespmem:v7+s12+$0x0] =	vst.idx.msk $0xffff, v3  }
0x6b: {  	v6 =	vld [tilespmem:s19+$0xF0]  }
0x6c: {  	v8 =	vld [tilespmem:s19+$0xB0]  }
0x6d: {  	v4 =	vld [tilespmem:s19+$0x30]  }
0x6e: {  	v10 =	vld [tilespmem:s19+$0x70]  }
0x6f: {  	v9 =	vld [tilespmem:s19+$0xA0]  }
0x70: {  	v5 =	vld [tilespmem:s19+$0x10]  }
0x71: {  	v7 =	vld [tilespmem:s19+$0x90]  }
0x72: {  	v11 =	vld [tilespmem:s19+$0x50]  }
0x73: {  	p0 =	por p2, p2;
	s31 =	sshll.u32 s17, $0x1;
	v12 =	vld [tilespmem:s19+$0x60]  }
0x74: {  	s21 =	simm.s32 $0x2;
	s22 =	simm.s32 $0x100;
	s18 =	sor.u32 s4, s31;
	v2 =	vimm.f32 $-Inf;
	v13 =	vld [tilespmem:s19+$0x40]  }
.LBB2_3:
0x75: {  	p2 =	sne.s32 s21, $0x7E  }
0x76: {  	v14 =	vld [tilespmem:s19+$0xD0];
	s22 =	sadd.s32 $0x200, s22;
	s23 =	smov.u32 s21;
	s21 =	sadd.s32 $0x2, s21  }
0x77: {  	v15 =	vld [tilespmem:s19+$0xE0]  }
0x78: {  	v16 =	vld [tilespmem:s19+$0xC0]  }
0x79: {  	v17 =	vld [tilespmem:s19+$0x20];
	v10 =	vmax.f32 v12, v10  }
0x7a: {  	v8 =	vmax.f32 v9, v8;
	v12 =	vld [tilespmem:s19+$0x80];
	v11 =	vmax.f32 v13, v11  }
0x7b: {  	v9 =	vld [tilespmem:s19+$0x0];
	v10 =	vmax.f32 v11, v10;
	s19 =	smov.u32 s22  }
0x7c: {  	v6 =	vmax.f32 v15, v6  }
0x7d: {  	v11 =	vmax.f32 v16, v14  }
0x7e: {  	s24 =	sadd.s32 $0x1, s20;
	s20 =	smov.u32 s23;
	v4 =	vmax.f32 v17, v4;
	v6 =	vmax.f32 v11, v6  }
0x7f: {  	v11 =	vadd.s32 s24, v1;
	v7 =	vmax.f32 v12, v7  }
0x80: {  	v5 =	vmax.f32 v9, v5;
	v7 =	vmax.f32 v7, v8  }
0x81: {  	v4 =	vmax.f32 v5, v4;
	v5 =	vmax.f32 v7, v6  }
0x82: {  	v4 =	vmax.f32 v4, v10  }
0x83: {  	v4 =	vmax.f32 v4, v5  }
0x84: {  	[tilespmem:v11+s12+$0x0] =	vst.idx.msk $0xffff, v4;
	v3 =	vmax.f32 v3, v4  }
0x85: {  	v4 =	vld [tilespmem:s22+$0xFFFFFF00];
	v2 =	vmax.f32 v2, v3  }
0x86: {  	v3 =	vld [tilespmem:s22+$0xFFFFFFF0]  }
0x87: {  	v5 =	vld [tilespmem:s22+$0xFFFFFFE0]  }
0x88: {  	v6 =	vld [tilespmem:s22+$0xFFFFFFD0]  }
0x89: {  	v7 =	vld [tilespmem:s22+$0xFFFFFFC0]  }
0x8a: {  	v8 =	vld [tilespmem:s22+$0xFFFFFFB0]  }
0x8b: {  	v9 =	vld [tilespmem:s22+$0xFFFFFFA0]  }
0x8c: {  	v10 =	vld [tilespmem:s22+$0xFFFFFF90];
	v3 =	vmax.f32 v5, v3  }
0x8d: {  	v5 =	vld [tilespmem:s22+$0xFFFFFF80]  }
0x8e: {  	v11 =	vld [tilespmem:s22+$0xFFFFFF70];
	v6 =	vmax.f32 v7, v6  }
0x8f: {  	v7 =	vld [tilespmem:s22+$0xFFFFFF60];
	v3 =	vmax.f32 v6, v3  }
0x90: {  	v6 =	vld [tilespmem:s22+$0xFFFFFF50];
	v8 =	vmax.f32 v9, v8  }
0x91: {  	v9 =	vld [tilespmem:s22+$0xFFFFFF40]  }
0x92: {  	v12 =	vld [tilespmem:s22+$0xFFFFFF30];
	v5 =	vmax.f32 v5, v10  }
0x93: {  	v10 =	vld [tilespmem:s22+$0xFFFFFF20];
	v5 =	vmax.f32 v5, v8  }
0x94: {  	v8 =	vld [tilespmem:s22+$0xFFFFFF10];
	v7 =	vmax.f32 v7, v11;
	_ =	sdelay $0x1  }
0x95: {  	v6 =	vmax.f32 v9, v6;
	_ =	sdelay $0x1  }
0x96: {  	v9 =	vmax.f32 v10, v12;
	v10 =	vadd.s32 s20, v1  }
0x97: {  	v4 =	vmax.f32 v4, v8  }
0x98: {  	v6 =	vmax.f32 v6, v7;
	v4 =	vmax.f32 v4, v9  }
0x99: {  	v3 =	vmax.f32 v5, v3;
	v4 =	vmax.f32 v4, v6  }
0x9a: {  	v3 =	vmax.f32 v4, v3  }
0x9b: {  	[tilespmem:v10+s12+$0x0] =	vst.idx.msk $0xffff, v3  }
0x9c: {  	v6 =	vld [tilespmem:s22+$0xF0]  }
0x9d: {  	v8 =	vld [tilespmem:s22+$0xB0]  }
0x9e: {  	v4 =	vld [tilespmem:s22+$0x30]  }
0x9f: {  	v10 =	vld [tilespmem:s22+$0x70]  }
0xa0: {  	v9 =	vld [tilespmem:s22+$0xA0]  }
.Ltmp4:
0xa1: {  	v5 =	vld [tilespmem:s22+$0x10];
	(pc) =	sbr.rel @p2 .LBB2_3-.Ltmp4, $4  }
0xa2: {  	v7 =	vld [tilespmem:s22+$0x90]  }
0xa3: {  	v11 =	vld [tilespmem:s22+$0x50]  }
0xa4: {  	v12 =	vld [tilespmem:s22+$0x60]  }
0xa5: {  	v13 =	vld [tilespmem:s22+$0x40]  }
0xa6: {  	v14 =	vld [tilespmem:s19+$0xD0]  }
0xa7: {  	v15 =	vld [tilespmem:s19+$0xE0]  }
0xa8: {  	v16 =	vld [tilespmem:s19+$0xC0]  }
0xa9: {  	v17 =	vld [tilespmem:s19+$0x20]  }
0xaa: {  	v18 =	vld [tilespmem:s19+$0x80]  }
0xab: {  	v19 =	vld [tilespmem:s19+$0x0];
	_ =	sdelay $0x1  }
0xac: {  	v10 =	vmax.f32 v12, v10;
	v11 =	vmax.f32 v13, v11  }
0xad: {  	v8 =	vmax.f32 v9, v8;
	s30 =	sadd.s32 $0x1, s20;
	v9 =	vmax.f32 v11, v10  }
0xae: {  	v6 =	vmax.f32 v15, v6;
	v10 =	vmax.f32 v16, v14;
	v11 =	vadd.s32 s30, v1  }
0xaf: {  	v4 =	vmax.f32 v17, v4;
	v7 =	vmax.f32 v18, v7;
	v5 =	vmax.f32 v19, v5  }
0xb0: {  	v6 =	vmax.f32 v10, v6;
	v7 =	vmax.f32 v7, v8;
	v4 =	vmax.f32 v5, v4  }
0xb1: {  	v5 =	vmax.f32 v7, v6;
	v4 =	vmax.f32 v4, v9  }
0xb2: {  	v4 =	vmax.f32 v4, v5  }
0xb3: {  	v3 =	vmax.f32 v3, v4;
	[tilespmem:v11+s12+$0x0] =	vst.idx.msk $0xffff, v4  }
0xb4: {  	v2 =	vmax.f32 v2, v3;
	_ =	strace $0x90000049  }
0xb5: {  	(xrf1) =	vsort.dscd.msk.f32 $0xffff, v2, v2;
	_ =	sdelay $0xd  }
0xb6: {  	v2, _, _ =	vpop (xrf1)  }
0xb7: {  	v2 =	vsel vm0, $0xFF800000, v2  }
0xb8: {  	(xrf0) =	vmax.scan.msk.f32 $0xffff, v2;
	_ =	sdelay $0x5  }
0xb9: {  	v2, _, _ =	vpop (xrf0)  }
0xba: {  	s31 =	simm.s32 $0x10408;
	_ =	strace $0x8000004A  }
0xbb: {  	v3 =	vld [tilespmem:s31+$0x387]  }
0xbc: {  	v4 =	vld [tilespmem:s31+$0x306]  }
0xbd: {  	v5 =	vld [tilespmem:s31+$0x285]  }
0xbe: {  	v6 =	vld [tilespmem:s31+$0x204]  }
0xbf: {  	v7 =	vld [tilespmem:s31+$0x183]  }
0xc0: {  	v8 =	vld [tilespmem:s31+$0x102]  }
0xc1: {  	v9 =	vld [tilespmem:s31+$0x81]  }
0xc2: {  	v10 =	vld [tilespmem:s31+$0x0]  }
0xc3: {  	v11 =	vld [tilespmem:s31+$0xFFFFFF7F]  }
0xc4: {  	v12 =	vld [tilespmem:s31+$0xFFFFFEFE]  }
0xc5: {  	v13 =	vld [tilespmem:s31+$0xFFFFFE7D]  }
0xc6: {  	v15 =	vld [tilespmem:s31+$0xFFFFFD7B]  }
0xc7: {  	v16 =	vld [tilespmem:s31+$0xFFFFFCFA]  }
0xc8: {  	v17 =	vld [tilespmem:s31+$0xFFFFFC79]  }
0xc9: {  	v18 =	vld [tilespmem:s31+$0xFFFFFBF8]  }
0xca: {  	v14 =	vld [tilespmem:s31+$0xFFFFFDFC];
	_ =	sdelay $0x2  }
0xcb: {  	v5 =	vmax.f32 v6, v5;
	v3 =	vmax.f32 v4, v3;
	v4 =	vmax.f32 v12, v11  }
0xcc: {  	v6 =	vmax.f32 v8, v7;
	v7 =	vmax.f32 v18, v17;
	v8 =	vmax.f32 v16, v15  }
0xcd: {  	v3 =	vmax.f32 v5, v3;
	v5 =	vmax.f32 v10, v9;
	v9 =	vmax.f32 v14, v13  }
0xce: {  	v7 =	vmax.f32 v7, v8;
	v4 =	vmax.f32 v9, v4;
	v5 =	vmax.f32 v5, v6  }
0xcf: {  	v2 =	vbroadcast v2, $0xF;
	v4 =	vmax.f32 v7, v4;
	v3 =	vmax.f32 v5, v3  }
0xd0: {  	s19 =	simm.s32 $0x0;
	v3 =	vmax.f32 v4, v3  }
0xd1: {  	vm1 =	vge.f32 v3, v2;
	v3 =	vor.u32 s19, v0  }
0xd2: {  	s21 =	simm.s32 $0x10418;
	[tilespmem:s19+$0x10880] =	vst.msk vm1, v3;
	v18 =	vmpcnt.ones.xlane vm1  }
0xd3: {  	v3 =	vld [tilespmem:s21+$0x387]  }
0xd4: {  	v5 =	vld [tilespmem:s21+$0x306];
	(v2sf) =	vpush v18, $0x0  }
0xd5: {  	v7 =	vld [tilespmem:s21+$0x285]  }
0xd6: {  	v9 =	vld [tilespmem:s21+$0x204]  }
0xd7: {  	v4 =	vld [tilespmem:s21+$0x183]  }
0xd8: {  	v6 =	vld [tilespmem:s21+$0x102]  }
0xd9: {  	v8 =	vld [tilespmem:s21+$0x81]  }
0xda: {  	v10 =	vld [tilespmem:s21+$0x0]  }
0xdb: {  	v13 =	vld [tilespmem:s21+$0xFFFFFF7F]  }
0xdc: {  	v14 =	vld [tilespmem:s21+$0xFFFFFEFE]  }
0xdd: {  	v11 =	vld [tilespmem:s21+$0xFFFFFE7D]  }
0xde: {  	v12 =	vld [tilespmem:s21+$0xFFFFFDFC]  }
0xdf: {  	v15 =	vld [tilespmem:s21+$0xFFFFFD7B]  }
0xe0: {  	v16 =	vld [tilespmem:s21+$0xFFFFFCFA]  }
0xe1: {  	v17 =	vld [tilespmem:s21+$0xFFFFFC79]  }
0xe2: {  	s20 =	simm.s32 $0x10;
	s22 =	simm.s32 $0x20;
	v18 =	vld [tilespmem:s21+$0xFFFFFBF8]  }
.LBB2_5:
0xe3: {  	p2 =	sne.s32 s22, $0x70;
	s23 =	spop (v2sf)  }
0xe4: {  	v7 =	vmax.f32 v9, v7;
	v3 =	vmax.f32 v5, v3;
	s19 =	sadd.s32 s19, s23  }
0xe5: {  	v3 =	vmax.f32 v7, v3  }
0xe6: {  	v5 =	vmax.f32 v14, v13;
	v4 =	vmax.f32 v6, v4;
	v7 =	vmax.f32 v10, v8  }
0xe7: {  	v9 =	vmax.f32 v12, v11;
	v8 =	vmax.f32 v16, v15;
	v6 =	vmax.f32 v18, v17  }
0xe8: {  	v5 =	vmax.f32 v9, v5;
	v4 =	vmax.f32 v7, v4;
	v6 =	vmax.f32 v6, v8  }
0xe9: {  	v3 =	vmax.f32 v4, v3;
	v5 =	vmax.f32 v6, v5  }
0xea: {  	v3 =	vmax.f32 v5, v3  }
0xeb: {  	vm1 =	vge.f32 v3, v2;
	v3 =	vor.u32 s20, v0;
	s20 =	smov.u32 s22  }
0xec: {  	s21 =	sadd.s32 $0x10, s21;
	v4 =	vmpcnt.ones.xlane vm1;
	[tilespmem:s19+$0x10880] =	vst.msk vm1, v3  }
0xed: {  	v3 =	vld [tilespmem:s21+$0x387]  }
0xee: {  	v5 =	vld [tilespmem:s21+$0x306];
	(v2sf) =	vpush v4, $0x0  }
0xef: {  	v7 =	vld [tilespmem:s21+$0x285]  }
0xf0: {  	v9 =	vld [tilespmem:s21+$0x204]  }
0xf1: {  	v4 =	vld [tilespmem:s21+$0x183]  }
0xf2: {  	v6 =	vld [tilespmem:s21+$0x102]  }
0xf3: {  	v8 =	vld [tilespmem:s21+$0x81]  }
0xf4: {  	v10 =	vld [tilespmem:s21+$0x0]  }
0xf5: {  	v13 =	vld [tilespmem:s21+$0xFFFFFF7F]  }
0xf6: {  	v14 =	vld [tilespmem:s21+$0xFFFFFEFE]  }
0xf7: {  	v11 =	vld [tilespmem:s21+$0xFFFFFE7D]  }
.Ltmp5:
0xf8: {  	v12 =	vld [tilespmem:s21+$0xFFFFFDFC];
	(pc) =	sbr.rel @p2 .LBB2_5-.Ltmp5, $4  }
0xf9: {  	v15 =	vld [tilespmem:s21+$0xFFFFFD7B]  }
0xfa: {  	v16 =	vld [tilespmem:s21+$0xFFFFFCFA]  }
0xfb: {  	v17 =	vld [tilespmem:s21+$0xFFFFFC79]  }
0xfc: {  	s22 =	sadd.s32 $0x10, s22;
	v18 =	vld [tilespmem:s21+$0xFFFFFBF8]  }
0xfd: {  	_ =	sdelay $0x1  }
0xfe: {  	v7 =	vmax.f32 v9, v7;
	v3 =	vmax.f32 v5, v3;
	v5 =	vmax.f32 v14, v13  }
0xff: {  	v4 =	vmax.f32 v6, v4;
	v9 =	vmax.f32 v12, v11;
	v3 =	vmax.f32 v7, v3  }
0x100: {  	v7 =	vmax.f32 v10, v8;
	v8 =	vmax.f32 v16, v15;
	v6 =	vmax.f32 v18, v17  }
0x101: {  	v5 =	vmax.f32 v9, v5;
	v4 =	vmax.f32 v7, v4;
	v6 =	vmax.f32 v6, v8  }
0x102: {  	v3 =	vmax.f32 v4, v3;
	v5 =	vmax.f32 v6, v5  }
0x103: {  	v3 =	vmax.f32 v5, v3  }
0x104: {  	vm1 =	vge.f32 v3, v2  }
0x105: {  	v2 =	vmpcnt.ones.xlane vm1;
	_ =	sdelay $0x1  }
0x106: {  	(v2sf) =	vpush v2, $0x0;
	_ =	sdelay $0xd  }
0x107: {  	s21 =	spop (v2sf)  }
0x108: {  	s19 =	sadd.s32 s19, s21;
	v2 =	vor.u32 s20, v0;
	s20 =	spop (v2sf)  }
0x109: {  	s21 =	sadd.s32 s19, s20  }
0x10a: {  	p2 =	slt.s32 s21, $0x1  }
.Ltmp6:
0x10b: {  	_ = 	snop;
	(pc) =	sbr.rel @p2 .LBB2_10-.Ltmp6, $4  }
0x10c: {  	_ = 	snop  }
0x10d: {  	v9 =	vimm.f32 $-Inf;
	v10 =	vimm.f32 $-Inf;
	v7 =	vimm.f32 $-Inf;
	[tilespmem:s19+$0x10880] =	vst.msk vm1, v2  }
0x10e: {  	v4 =	vimm.f32 $-Inf;
	v8 =	vimm.f32 $-Inf;
	v6 =	vimm.f32 $-Inf;
	_ =	strace $0x9000004A  }
0x10f: {  	v5 =	vimm.f32 $-Inf;
	v3 =	vimm.f32 $-Inf;
	v2 =	vimm.f32 $-Inf;
	_ =	strace $0x8000004B  }
0x110: {  	s21 =	simm.s32 $0x10880  }
0x111: {  	v2 =	vld [tilespmem:s21+$0x0];
	_ =	sdelay $0x4  }
0x112: {  	(v2sf) =	vpush v2, $0x0;
	_ =	sdelay $0xe  }
0x113: {  	s31 =	spop (v2sf)  }
0x114: {  	s21 =	sshll.u32 s31, $0xA  }
0x115: {  	s21 =	sshra.s32 s21, $0x2  }
0x116: {  	v2 =	vld [tilespmem:s21+$0xD0]  }
0x117: {  	v6 =	vld [tilespmem:s21+$0xF0]  }
0x118: {  	v5 =	vld [tilespmem:s21+$0xC0]  }
0x119: {  	v4 =	vld [tilespmem:s21+$0x60]  }
0x11a: {  	v8 =	vld [tilespmem:s21+$0xE0]  }
0x11b: {  	v7 =	vld [tilespmem:s21+$0x0]  }
0x11c: {  	v9 =	vld [tilespmem:s21+$0x50]  }
0x11d: {  	v10 =	vld [tilespmem:s21+$0x10]  }
0x11e: {  	v12 =	vld [tilespmem:s21+$0x70]  }
0x11f: {  	v13 =	vld [tilespmem:s21+$0x40]  }
0x120: {  	v14 =	vld [tilespmem:s21+$0x20]  }
0x121: {  	v15 =	vld [tilespmem:s21+$0x30]  }
0x122: {  	v11 =	vimm.f32 $-Inf;
	v16 =	vmin.f32 v8, v6;
	v17 =	vmin.f32 v5, v2  }
0x123: {  	v18 =	vmax.f32 v7, v10;
	v10 =	vmin.f32 v7, v10;
	v19 =	vmax.f32 v4, v12  }
0x124: {  	v12 =	vmin.f32 v4, v12;
	v20 =	vmin.f32 v13, v9;
	v9 =	vmax.f32 v13, v9  }
0x125: {  	v7 =	vmax.f32 v17, v16;
	v4 =	vmin.f32 v17, v16;
	v13 =	vmax.f32 v20, v12  }
0x126: {  	v12 =	vmin.f32 v20, v12;
	v16 =	vmax.f32 v14, v15;
	v14 =	vmin.f32 v14, v15  }
0x127: {  	v15 =	vmax.f32 v9, v19;
	v9 =	vmin.f32 v9, v19;
	v17 =	vmax.f32 v18, v16  }
0x128: {  	v16 =	vmin.f32 v18, v16;
	v18 =	vmax.f32 v10, v14;
	v10 =	vmin.f32 v10, v14  }
0x129: {  	v14 =	vmin.f32 v17, v15;
	v17 =	vmax.f32 v17, v15;
	v15 =	vmax.f32 v8, v6  }
0x12a: {  	s19 =	sadd.s32 s19, s20;
	v8 =	vmax.f32 v18, v16;
	v20 =	vmin.f32 v18, v16;
	v16 =	vmax.f32 v13, v9  }
0x12b: {  	p2 =	sne.s32 s19, $0x1;
	v21 =	vld [tilespmem:s21+$0xB0];
	v9 =	vmin.f32 v13, v9;
	v13 =	vmin.f32 v10, v12;
	v10 =	vmax.f32 v10, v12  }
.Ltmp7:
0x12c: {  	v23 =	vld [tilespmem:s21+$0x90];
	v6 =	vmax.f32 v11, v17;
	v19 =	vmax.f32 v8, v16;
	v8 =	vmin.f32 v8, v16;
	(pc) =	sbr.rel @!p2 .LBB2_9-.Ltmp7, $4  }
0x12d: {  	v25 =	vld [tilespmem:s21+$0x80];
	v12 =	vmax.f32 v20, v9;
	v17 =	vmin.f32 v20, v9;
	v20 =	vimm.f32 $-Inf  }
0x12e: {  	v26 =	vld [tilespmem:s21+$0xA0];
	v9 =	vimm.f32 $-Inf;
	v18 =	vmax.f32 v10, v8;
	v16 =	vmin.f32 v10, v8  }
0x12f: {  	v24 =	vmax.f32 v12, v14;
	v22 =	vmin.f32 v12, v14;
	v14 =	vimm.f32 $-Inf  }
0x130: {  	s20 =	simm.s32 $0x10881;
	s19 =	sadd.s32 $0xFFFFFFFF, s19;
	v8 =	vimm.f32 $-Inf;
	v12 =	vimm.f32 $-Inf;
	v10 =	vimm.f32 $-Inf  }
.LBB2_8:
0x131: {  	v27 =	vld [tilespmem:s20+$0x0];
	p2 =	sne.s32 s19, $0x1;
	s19 =	sadd.s32 $0xFFFFFFFF, s19;
	v28 =	vmax.f32 v19, v24;
	v29 =	vmax.f32 v18, v22;
	v30 =	vmax.f32 v16, v17  }
0x132: {  	v11 =	vmax.f32 v11, v29;
	v20 =	vmax.f32 v20, v28;
	v28 =	vmin.f32 v25, v23  }
0x133: {  	v23 =	vmax.f32 v25, v23;
	v25 =	vmax.f32 v26, v21;
	v21 =	vmin.f32 v26, v21  }
0x134: {  	v2 =	vmax.f32 v5, v2;
	v14 =	vmax.f32 v14, v30;
	v5 =	vmin.f32 v23, v25  }
0x135: {  	v19 =	vmin.f32 v19, v24;
	v26 =	vmin.f32 v2, v15;
	v24 =	vmax.f32 v28, v21  }
0x136: {  	v23 =	vmax.f32 v23, v25;
	(v2sf) =	vpush v27, $0x0;
	v27 =	vmin.f32 v14, v20  }
0x137: {  	v18 =	vmin.f32 v18, v22;
	v15 =	vmax.f32 v2, v15;
	v2 =	vmin.f32 v24, v5  }
0x138: {  	v22 =	vmax.f32 v7, v26;
	v7 =	vmin.f32 v7, v26;
	v5 =	vmax.f32 v24, v5  }
0x139: {  	v24 =	vmin.f32 v23, v15;
	v25 =	vmax.f32 v5, v22;
	v26 =	vmax.f32 v2, v7  }
0x13a: {  	v21 =	vmin.f32 v28, v21;
	v5 =	vmin.f32 v5, v22;
	v22 =	vmax.f32 v26, v24  }
0x13b: {  	v16 =	vmin.f32 v16, v17;
	v8 =	vmax.f32 v8, v13;
	v13 =	vmin.f32 v25, v22  }
0x13c: {  	v9 =	vmax.f32 v9, v16;
	v12 =	vmax.f32 v12, v18;
	v10 =	vmax.f32 v10, v19  }
0x13d: {  	v16 =	vmax.f32 v9, v10;
	v9 =	vmin.f32 v9, v10;
	v10 =	vmax.f32 v21, v4  }
0x13e: {  	v14 =	vmax.f32 v14, v20;
	v17 =	vmin.f32 v26, v24;
	v18 =	vmax.f32 v10, v5  }
0x13f: {  	v4 =	vmin.f32 v21, v4;
	v19 =	vmax.f32 v18, v17;
	v17 =	vmin.f32 v18, v17  }
0x140: {  	v2 =	vmin.f32 v2, v7;
	v5 =	vmin.f32 v10, v5;
	v18 =	vmin.f32 v8, v11  }
0x141: {  	v7 =	vmin.f32 v12, v6;
	v10 =	vmax.f32 v5, v2;
	v2 =	vmin.f32 v5, v2  }
0x142: {  	v20 =	vmax.f32 v9, v7;
	v7 =	vmin.f32 v9, v7;
	v9 =	vmax.f32 v25, v22  }
0x143: {  	v5 =	vmax.f32 v8, v11;
	v8 =	vmin.f32 v18, v27  }
0x144: {  	v6 =	vmax.f32 v12, v6;
	v11 =	vmin.f32 v5, v14;
	v12 =	vmin.f32 v8, v7  }
0x145: {  	v5 =	vmax.f32 v5, v14;
	v14 =	vmax.f32 v16, v6;
	v6 =	vmin.f32 v16, v6;
	s21 =	spop (v2sf)  }
0x146: {  	v16 =	vmax.f32 v18, v27;
	v18 =	vmax.f32 v5, v14;
	v5 =	vmin.f32 v5, v14;
	s21 =	sshll.u32 s21, $0xA  }
0x147: {  	v14 =	vmax.f32 v11, v6;
	v21 =	vmin.f32 v16, v20;
	v22 =	vmax.f32 v5, v2;
	s21 =	sshra.s32 s21, $0x2  }
0x148: {  	v5 =	vmin.f32 v11, v6;
	v6 =	vmax.f32 v23, v15;
	v11 =	vmax.f32 v21, v13;
	v2 =	vld [tilespmem:s21+$0xD0]  }
0x149: {  	v10 =	vmax.f32 v14, v10;
	v14 =	vmax.f32 v5, v17;
	v6 =	vmax.f32 v12, v6;
	v13 =	vld [tilespmem:s21+$0xF0]  }
0x14a: {  	v7 =	vmax.f32 v8, v7;
	v8 =	vmax.f32 v14, v6;
	v6 =	vmin.f32 v14, v6;
	v5 =	vld [tilespmem:s21+$0xC0]  }
0x14b: {  	v4 =	vmax.f32 v18, v4;
	v7 =	vmax.f32 v7, v9;
	v14 =	vmax.f32 v16, v20;
	v12 =	vld [tilespmem:s21+$0x60]  }
0x14c: {  	v16 =	vmin.f32 v10, v7;
	v15 =	vld [tilespmem:s21+$0xE0]  }
0x14d: {  	v7 =	vmax.f32 v10, v7;
	v9 =	vmax.f32 v14, v19;
	v14 =	vmax.f32 v22, v11;
	v17 =	vld [tilespmem:s21+$0x0]  }
0x14e: {  	v10 =	vmax.f32 v4, v9;
	v4 =	vmin.f32 v4, v9;
	v9 =	vmax.f32 v14, v8;
	v18 =	vld [tilespmem:s21+$0x50]  }
0x14f: {  	v23 =	vmin.f32 v14, v8;
	v20 =	vmax.f32 v10, v7;
	v21 =	vmin.f32 v10, v7;
	v19 =	vld [tilespmem:s21+$0x10]  }
0x150: {  	v8 =	vmax.f32 v20, v9;
	v9 =	vmin.f32 v20, v9;
	v14 =	vmax.f32 v21, v23;
	v24 =	vld [tilespmem:s21+$0x70]  }
0x151: {  	v7 =	vmin.f32 v22, v11;
	v10 =	vmax.f32 v4, v16;
	v16 =	vmin.f32 v4, v16;
	v20 =	vld [tilespmem:s21+$0x40]  }
0x152: {  	v25 =	vmax.f32 v7, v6;
	v6 =	vmin.f32 v7, v6;
	v4 =	vmin.f32 v15, v13;
	v22 =	vld [tilespmem:s21+$0x20]  }
0x153: {  	v11 =	vmax.f32 v10, v25;
	v10 =	vmin.f32 v10, v25;
	v27 =	vmin.f32 v5, v2;
	v26 =	vld [tilespmem:s21+$0x30]  }
0x154: {  	v7 =	vmax.f32 v27, v4;
	v25 =	vmax.f32 v17, v19;
	v17 =	vmin.f32 v17, v19  }
0x155: {  	v4 =	vmin.f32 v27, v4;
	v19 =	vmax.f32 v12, v24;
	v12 =	vmin.f32 v12, v24  }
0x156: {  	v24 =	vmax.f32 v20, v18;
	v18 =	vmin.f32 v20, v18;
	v20 =	vmax.f32 v16, v6  }
0x157: {  	v6 =	vmin.f32 v16, v6;
	v27 =	vmax.f32 v18, v12;
	v18 =	vmin.f32 v18, v12  }
0x158: {  	v12 =	vmax.f32 v22, v26;
	v16 =	vmin.f32 v22, v26;
	v22 =	vmax.f32 v24, v19  }
0x159: {  	v26 =	vmax.f32 v25, v12;
	v25 =	vmin.f32 v25, v12;
	v12 =	vmin.f32 v21, v23  }
0x15a: {  	v23 =	vmax.f32 v17, v16;
	v16 =	vmin.f32 v17, v16;
	v28 =	vmin.f32 v26, v22  }
0x15b: {  	v15 =	vmax.f32 v15, v13;
	v17 =	vmin.f32 v24, v19;
	v19 =	vmax.f32 v26, v22;
	v21 =	vld [tilespmem:s21+$0xB0]  }
.Ltmp8:
0x15c: {  	v22 =	vmax.f32 v23, v25;
	v24 =	vmin.f32 v23, v25;
	v6 =	vmax.f32 v6, v19;
	v23 =	vld [tilespmem:s21+$0x90];
	(pc) =	sbr.rel @p2 .LBB2_8-.Ltmp8, $4  }
0x15d: {  	v26 =	vmax.f32 v27, v17;
	v17 =	vmin.f32 v27, v17;
	v13 =	vmin.f32 v16, v18;
	v25 =	vld [tilespmem:s21+$0x80]  }
0x15e: {  	v16 =	vmax.f32 v16, v18;
	v19 =	vmax.f32 v22, v26;
	v22 =	vmin.f32 v22, v26;
	v26 =	vld [tilespmem:s21+$0xA0]  }
0x15f: {  	v27 =	vmax.f32 v24, v17;
	v18 =	vmax.f32 v16, v22;
	v16 =	vmin.f32 v16, v22  }
0x160: {  	s20 =	sadd.s32 $0x1, s20;
	v17 =	vmin.f32 v24, v17;
	v24 =	vmax.f32 v27, v28;
	v22 =	vmin.f32 v27, v28  }
.LBB2_9:
0x161: {  	v27 =	vmax.f32 v19, v24;
	v28 =	vmax.f32 v18, v22;
	v29 =	vmax.f32 v16, v17  }
0x162: {  	v2 =	vmax.f32 v5, v2;
	v36 =	vmin.f32 v19, v24;
	v40 =	vmin.f32 v18, v22  }
0x163: {  	v46 =	vmin.f32 v16, v17;
	v8 =	vmax.f32 v8, v13;
	v11 =	vmax.f32 v11, v28  }
0x164: {  	v20 =	vmax.f32 v20, v27;
	v32 =	vmin.f32 v25, v23;
	v33 =	vmax.f32 v25, v23  }
0x165: {  	v14 =	vmax.f32 v14, v29;
	v38 =	vmin.f32 v2, v15;
	v2 =	vmax.f32 v2, v15  }
0x166: {  	v9 =	vmax.f32 v9, v46;
	v10 =	vmax.f32 v10, v36;
	v12 =	vmax.f32 v12, v40  }
0x167: {  	v34 =	vmax.f32 v26, v21;
	v35 =	vmin.f32 v26, v21;
	v39 =	vmin.f32 v14, v20  }
0x168: {  	v42 =	vmax.f32 v7, v38;
	v7 =	vmin.f32 v7, v38;
	v16 =	vmax.f32 v9, v10  }
0x169: {  	v9 =	vmin.f32 v9, v10;
	v14 =	vmax.f32 v14, v20;
	v51 =	vmin.f32 v8, v11  }
0x16a: {  	v8 =	vmax.f32 v8, v11;
	v5 =	vmin.f32 v33, v34;
	v37 =	vmax.f32 v32, v35  }
0x16b: {  	v23 =	vmax.f32 v33, v34;
	v21 =	vmin.f32 v32, v35;
	v11 =	vmin.f32 v51, v39  }
0x16c: {  	v52 =	vmin.f32 v8, v14;
	v8 =	vmax.f32 v8, v14;
	v55 =	vmax.f32 v51, v39  }
0x16d: {  	v41 =	vmin.f32 v37, v5;
	v5 =	vmax.f32 v37, v5;
	v43 =	vmin.f32 v23, v2  }
0x16e: {  	v10 =	vmax.f32 v21, v4;
	v4 =	vmin.f32 v21, v4;
	v2 =	vmax.f32 v23, v2  }
0x16f: {  	v44 =	vmax.f32 v5, v42;
	v26 =	vmax.f32 v41, v7;
	v5 =	vmin.f32 v5, v42  }
0x170: {  	v7 =	vmin.f32 v41, v7;
	v45 =	vmax.f32 v26, v43;
	v48 =	vmin.f32 v26, v43  }
0x171: {  	v49 =	vmax.f32 v10, v5;
	v5 =	vmin.f32 v10, v5;
	v10 =	vmin.f32 v12, v6  }
0x172: {  	v6 =	vmax.f32 v12, v6;
	v47 =	vmin.f32 v44, v45;
	v50 =	vmax.f32 v49, v48  }
0x173: {  	v17 =	vmin.f32 v49, v48;
	v15 =	vmax.f32 v5, v7;
	v5 =	vmin.f32 v5, v7  }
0x174: {  	v7 =	vmax.f32 v9, v10;
	v9 =	vmin.f32 v9, v10;
	v10 =	vmax.f32 v44, v45  }
0x175: {  	v54 =	vmax.f32 v16, v6;
	v6 =	vmin.f32 v16, v6;
	v53 =	vmin.f32 v11, v9  }
0x176: {  	v56 =	vmax.f32 v8, v54;
	v8 =	vmin.f32 v8, v54;
	v57 =	vmax.f32 v52, v6  }
0x177: {  	v58 =	vmin.f32 v55, v7;
	v9 =	vmax.f32 v11, v9;
	v8 =	vmax.f32 v8, v5  }
0x178: {  	v5 =	vmin.f32 v52, v6;
	v6 =	vmax.f32 v58, v47;
	v2 =	vmax.f32 v53, v2  }
0x179: {  	v59 =	vmax.f32 v57, v15;
	v4 =	vmax.f32 v56, v4;
	v5 =	vmax.f32 v5, v17  }
0x17a: {  	v11 =	vmax.f32 v5, v2;
	v60 =	vmin.f32 v5, v2;
	v2 =	vmax.f32 v55, v7  }
0x17b: {  	v5 =	vmax.f32 v9, v10;
	v9 =	vmax.f32 v8, v6;
	v6 =	vmin.f32 v8, v6  }
0x17c: {  	v7 =	vmin.f32 v59, v5;
	v2 =	vmax.f32 v2, v50;
	v5 =	vmax.f32 v59, v5  }
0x17d: {  	v10 =	vmax.f32 v4, v2;
	v61 =	vmin.f32 v4, v2;
	v2 =	vmax.f32 v9, v11  }
0x17e: {  	v9 =	vmin.f32 v9, v11;
	v11 =	vmin.f32 v6, v60;
	v62 =	vmax.f32 v10, v5  }
0x17f: {  	v63 =	vmin.f32 v10, v5;
	v8 =	vmax.f32 v61, v7;
	v10 =	vmin.f32 v61, v7  }
0x180: {  	v7 =	vmax.f32 v6, v60;
	v4 =	vmax.f32 v62, v2;
	v2 =	vmin.f32 v62, v2  }
0x181: {  	v5 =	vmax.f32 v63, v9;
	v6 =	vmax.f32 v8, v7;
	v7 =	vmin.f32 v8, v7  }
0x182: {  	v8 =	vmax.f32 v10, v11;
	v10 =	vmin.f32 v10, v11;
	v9 =	vmin.f32 v63, v9  }
.LBB2_10:
0x183: {  	s19 =	sadd.s32 @!p1 $0x2, s18  }
0x184: {  	s20 =	sshll.u32 @!p1 s19, $0x4  }
0x185: {  	_ =	strace $0x9000004B;
	s19 =	sshll.u32 @!p1 s19, $0xC;
	s20 =	sand.u32 @!p1 $0x60, s20  }
0x186: {  	s21 =	simm.s32 @!p1 $0x400;
	s19 =	sand.u32 @!p1 $0xFFF8000, s19;
	s20 =	sadd.s32 @!p1 s1, s20  }
0x187: {  	s22 =	simm.s32 @!p1 $0x0;
	s19 =	sadd.s32 @!p1 s19, s20;
	s20 =	simm.s32 @!p1 $0x80  }
0x188: {  	[tilespmem:s22], [sflag:$0x1] =	stream.strided.gather @!p1 [hbm4b:s19+s20], $0x8000, s21, s20, $0x38;
	[tilespmem:$0x10A80] =	vst v63  }
0x189: {  	_ =	strace $0x8000004C  }
0x18a: {  	(xrf1) =	vsort.dscd.msk.f32 $0xffff, v2, v2  }
0x18b: {  	(xrf1) =	vsort.dscd.msk.f32 $0xffff, v5, v5  }
0x18c: {  	(xrf1) =	vsort.dscd.msk.f32 $0xffff, v9, v9  }
0x18d: {  	(xrf1) =	vsort.dscd.msk.f32 $0xffff, v6, v6  }
0x18e: {  	(xrf1) =	vsort.dscd.msk.f32 $0xffff, v7, v7  }
0x18f: {  	(xrf1) =	vsort.dscd.msk.f32 $0xffff, v8, v8  }
0x190: {  	(xrf1) =	vsort.dscd.msk.f32 $0xffff, v10, v10;
	_ =	sdelay $0x7  }
0x191: {  	v5, _, _ =	vpop (xrf1)  }
0x192: {  	v6, _, _ =	vpop (xrf1)  }
0x193: {  	v2 =	vmul.u32 $0xFFFFFFFF, v0;
	v7, _, _ =	vpop (xrf1)  }
0x194: {  	v8, _, _ =	vpop (xrf1)  }
0x195: {  	v2 =	vadd.s32 $0xF, v2;
	v9, _, _ =	vpop (xrf1)  }
0x196: {  	v7 =	vperm.xlane v7, v2;
	v10, _, _ =	vpop (xrf1)  }
0x197: {  	v9 =	vperm.xlane v9, v2;
	v11, _, _ =	vpop (xrf1)  }
0x198: {  	v6 =	vmax.f32 v6, v7;
	v7 =	vperm.xlane v11, v2  }
0x199: {  	(xrf1) =	vsort.dscd.msk.f32 $0xffff, v6, v6;
	v6 =	vmax.f32 v8, v9  }
0x19a: {  	(xrf1) =	vsort.dscd.msk.f32 $0xffff, v6, v6;
	v6 =	vmax.f32 v10, v7  }
0x19b: {  	(xrf1) =	vsort.dscd.msk.f32 $0xffff, v6, v6;
	_ =	sdelay $0xb  }
0x19c: {  	v6, _, _ =	vpop (xrf1)  }
0x19d: {  	v7, _, _ =	vpop (xrf1)  }
0x19e: {  	v8, _, _ =	vpop (xrf1)  }
0x19f: {  	v8 =	vperm.xlane v8, v2;
	_ =	sdelay $0x1  }
0x1a0: {  	v7 =	vmax.f32 v7, v8  }
0x1a1: {  	(xrf1) =	vsort.dscd.msk.f32 $0xffff, v7, v7;
	_ =	sdelay $0xd  }
0x1a2: {  	v18, _, _ =	vpop (xrf1)  }
0x1a3: {  	_ =	strace $0x9000004C  }
0x1a4: {  	_ =	strace $0x8000004D  }
0x1a5: {  	_ =	swait.ge [sflag:s13], $0x8000  }
0x1a6: {  	[sflag:s13] =	ssyncset.done $0x0  }
0x1a7: {  	[sflag:s13] =	ssyncadd.s32 $0xFFFF8000  }
0x1a8: {  	_ =	strace $0x9000004D  }
0x1a9: {  	s19 =	simm.s32 $0x8100;
	_ =	strace $0x8000004E  }
0x1aa: {  	v7 =	vld [tilespmem:s19+$0xFFFFFF00]  }
0x1ab: {  	v8 =	vld [tilespmem:s19+$0xFFFFFFF0]  }
0x1ac: {  	v9 =	vld [tilespmem:s19+$0xFFFFFFE0]  }
0x1ad: {  	v10 =	vld [tilespmem:s19+$0xFFFFFFD0]  }
0x1ae: {  	v11 =	vld [tilespmem:s19+$0xFFFFFFC0]  }
0x1af: {  	v12 =	vld [tilespmem:s19+$0xFFFFFFB0]  }
0x1b0: {  	v13 =	vld [tilespmem:s19+$0xFFFFFFA0]  }
0x1b1: {  	v14 =	vld [tilespmem:s19+$0xFFFFFF90]  }
0x1b2: {  	v15 =	vld [tilespmem:s19+$0xFFFFFF80]  }
0x1b3: {  	v16 =	vld [tilespmem:s19+$0xFFFFFF70]  }
0x1b4: {  	v17 =	vld [tilespmem:s19+$0xFFFFFF60]  }
0x1b5: {  	v19 =	vld [tilespmem:s19+$0xFFFFFF50]  }
0x1b6: {  	v20 =	vld [tilespmem:s19+$0xFFFFFF40]  }
0x1b7: {  	v21 =	vld [tilespmem:s19+$0xFFFFFF30]  }
0x1b8: {  	v22 =	vld [tilespmem:s19+$0xFFFFFF20]  }
0x1b9: {  	v23 =	vld [tilespmem:s19+$0xFFFFFF10];
	_ =	sdelay $0x1  }
0x1ba: {  	v8 =	vmax.f32 v9, v8  }
0x1bb: {  	s20 =	simm.s32 $0x0;
	v9 =	vmax.f32 v11, v10;
	v10 =	vmax.f32 v15, v14;
	v11 =	vmax.f32 v17, v16  }
0x1bc: {  	v8 =	vmax.f32 v9, v8;
	v9 =	vmax.f32 v13, v12;
	v12 =	vadd.s32 s20, v1  }
0x1bd: {  	v14 =	vmax.f32 v22, v21;
	v7 =	vmax.f32 v7, v23;
	v13 =	vmax.f32 v20, v19  }
0x1be: {  	v7 =	vmax.f32 v7, v14;
	v9 =	vmax.f32 v10, v9;
	v10 =	vmax.f32 v13, v11  }
0x1bf: {  	v7 =	vmax.f32 v7, v10;
	v8 =	vmax.f32 v9, v8  }
0x1c0: {  	v8 =	vmax.f32 v7, v8  }
0x1c1: {  	[tilespmem:v12+s12+$0x0] =	vst.idx.msk $0xffff, v8  }
0x1c2: {  	v11 =	vld [tilespmem:s19+$0xF0]  }
0x1c3: {  	v13 =	vld [tilespmem:s19+$0xB0]  }
0x1c4: {  	v9 =	vld [tilespmem:s19+$0x30]  }
0x1c5: {  	v15 =	vld [tilespmem:s19+$0x70]  }
0x1c6: {  	v14 =	vld [tilespmem:s19+$0xA0]  }
0x1c7: {  	v10 =	vld [tilespmem:s19+$0x10]  }
0x1c8: {  	v12 =	vld [tilespmem:s19+$0x90]  }
0x1c9: {  	v16 =	vld [tilespmem:s19+$0x50]  }
0x1ca: {  	v6 =	vperm.xlane v6, v2;
	v17 =	vld [tilespmem:s19+$0x60]  }
0x1cb: {  	s21 =	simm.s32 $0x2;
	s22 =	simm.s32 $0x8100;
	v7 =	vperm.xlane v5, v2;
	v5 =	vperm.xlane v18, v2;
	v18 =	vld [tilespmem:s19+$0x40]  }
.LBB2_11:
0x1cc: {  	p2 =	sne.s32 s21, $0x7E  }
0x1cd: {  	v19 =	vld [tilespmem:s19+$0xD0];
	s22 =	sadd.s32 $0x200, s22;
	s23 =	smov.u32 s21;
	s21 =	sadd.s32 $0x2, s21  }
0x1ce: {  	v20 =	vld [tilespmem:s19+$0xE0]  }
0x1cf: {  	v21 =	vld [tilespmem:s19+$0xC0]  }
0x1d0: {  	v22 =	vld [tilespmem:s19+$0x20];
	v15 =	vmax.f32 v17, v15  }
0x1d1: {  	v13 =	vmax.f32 v14, v13;
	v17 =	vld [tilespmem:s19+$0x80];
	v16 =	vmax.f32 v18, v16  }
0x1d2: {  	v14 =	vld [tilespmem:s19+$0x0];
	v15 =	vmax.f32 v16, v15;
	s19 =	smov.u32 s22  }
0x1d3: {  	v11 =	vmax.f32 v20, v11  }
0x1d4: {  	v16 =	vmax.f32 v21, v19  }
0x1d5: {  	s24 =	sadd.s32 $0x1, s20;
	s20 =	smov.u32 s23;
	v9 =	vmax.f32 v22, v9;
	v11 =	vmax.f32 v16, v11  }
0x1d6: {  	v16 =	vadd.s32 s24, v1;
	v12 =	vmax.f32 v17, v12  }
0x1d7: {  	v10 =	vmax.f32 v14, v10;
	v12 =	vmax.f32 v12, v13  }
0x1d8: {  	v9 =	vmax.f32 v10, v9;
	v10 =	vmax.f32 v12, v11  }
0x1d9: {  	v9 =	vmax.f32 v9, v15  }
0x1da: {  	v9 =	vmax.f32 v9, v10  }
0x1db: {  	[tilespmem:v16+s12+$0x0] =	vst.idx.msk $0xffff, v9;
	v8 =	vmax.f32 v8, v9  }
0x1dc: {  	v9 =	vld [tilespmem:s22+$0xFFFFFF00];
	v3 =	vmax.f32 v3, v8  }
0x1dd: {  	v8 =	vld [tilespmem:s22+$0xFFFFFFF0]  }
0x1de: {  	v10 =	vld [tilespmem:s22+$0xFFFFFFE0]  }
0x1df: {  	v11 =	vld [tilespmem:s22+$0xFFFFFFD0]  }
0x1e0: {  	v12 =	vld [tilespmem:s22+$0xFFFFFFC0]  }
0x1e1: {  	v13 =	vld [tilespmem:s22+$0xFFFFFFB0]  }
0x1e2: {  	v14 =	vld [tilespmem:s22+$0xFFFFFFA0]  }
0x1e3: {  	v15 =	vld [tilespmem:s22+$0xFFFFFF90];
	v8 =	vmax.f32 v10, v8  }
0x1e4: {  	v10 =	vld [tilespmem:s22+$0xFFFFFF80]  }
0x1e5: {  	v16 =	vld [tilespmem:s22+$0xFFFFFF70];
	v11 =	vmax.f32 v12, v11  }
0x1e6: {  	v12 =	vld [tilespmem:s22+$0xFFFFFF60];
	v8 =	vmax.f32 v11, v8  }
0x1e7: {  	v11 =	vld [tilespmem:s22+$0xFFFFFF50];
	v13 =	vmax.f32 v14, v13  }
0x1e8: {  	v14 =	vld [tilespmem:s22+$0xFFFFFF40]  }
0x1e9: {  	v17 =	vld [tilespmem:s22+$0xFFFFFF30];
	v10 =	vmax.f32 v10, v15  }
0x1ea: {  	v15 =	vld [tilespmem:s22+$0xFFFFFF20];
	v10 =	vmax.f32 v10, v13  }
0x1eb: {  	v13 =	vld [tilespmem:s22+$0xFFFFFF10];
	v12 =	vmax.f32 v12, v16;
	_ =	sdelay $0x1  }
0x1ec: {  	v11 =	vmax.f32 v14, v11;
	_ =	sdelay $0x1  }
0x1ed: {  	v14 =	vmax.f32 v15, v17;
	v15 =	vadd.s32 s20, v1  }
0x1ee: {  	v9 =	vmax.f32 v9, v13  }
0x1ef: {  	v11 =	vmax.f32 v11, v12;
	v9 =	vmax.f32 v9, v14  }
0x1f0: {  	v8 =	vmax.f32 v10, v8;
	v9 =	vmax.f32 v9, v11  }
0x1f1: {  	v8 =	vmax.f32 v9, v8  }
0x1f2: {  	[tilespmem:v15+s12+$0x0] =	vst.idx.msk $0xffff, v8  }
0x1f3: {  	v11 =	vld [tilespmem:s22+$0xF0]  }
0x1f4: {  	v13 =	vld [tilespmem:s22+$0xB0]  }
0x1f5: {  	v9 =	vld [tilespmem:s22+$0x30]  }
0x1f6: {  	v15 =	vld [tilespmem:s22+$0x70]  }
0x1f7: {  	v14 =	vld [tilespmem:s22+$0xA0]  }
.Ltmp9:
0x1f8: {  	v10 =	vld [tilespmem:s22+$0x10];
	(pc) =	sbr.rel @p2 .LBB2_11-.Ltmp9, $4  }
0x1f9: {  	v12 =	vld [tilespmem:s22+$0x90]  }
0x1fa: {  	v16 =	vld [tilespmem:s22+$0x50]  }
0x1fb: {  	v17 =	vld [tilespmem:s22+$0x60]  }
0x1fc: {  	v18 =	vld [tilespmem:s22+$0x40]  }
0x1fd: {  	v19 =	vld [tilespmem:s19+$0xD0]  }
0x1fe: {  	v20 =	vld [tilespmem:s19+$0xE0]  }
0x1ff: {  	v21 =	vld [tilespmem:s19+$0xC0]  }
0x200: {  	v22 =	vld [tilespmem:s19+$0x20]  }
0x201: {  	v23 =	vld [tilespmem:s19+$0x80]  }
0x202: {  	v24 =	vld [tilespmem:s19+$0x0];
	_ =	sdelay $0x1  }
0x203: {  	v15 =	vmax.f32 v17, v15;
	v16 =	vmax.f32 v18, v16  }
0x204: {  	v13 =	vmax.f32 v14, v13;
	s30 =	sadd.s32 $0x1, s20;
	v14 =	vmax.f32 v16, v15  }
0x205: {  	v11 =	vmax.f32 v20, v11;
	v15 =	vmax.f32 v21, v19;
	v16 =	vadd.s32 s30, v1  }
0x206: {  	v9 =	vmax.f32 v22, v9;
	v12 =	vmax.f32 v23, v12;
	v10 =	vmax.f32 v24, v10  }
0x207: {  	v11 =	vmax.f32 v15, v11;
	v12 =	vmax.f32 v12, v13;
	v9 =	vmax.f32 v10, v9  }
0x208: {  	v10 =	vmax.f32 v12, v11;
	v9 =	vmax.f32 v9, v14  }
0x209: {  	v9 =	vmax.f32 v9, v10  }
0x20a: {  	v8 =	vmax.f32 v8, v9;
	[tilespmem:v16+s12+$0x0] =	vst.idx.msk $0xffff, v9  }
0x20b: {  	v3 =	vmax.f32 v3, v8;
	_ =	strace $0x9000004E  }
0x20c: {  	(xrf1) =	vsort.dscd.msk.f32 $0xffff, v3, v3;
	_ =	sdelay $0xd  }
0x20d: {  	v3, _, _ =	vpop (xrf1)  }
0x20e: {  	v3 =	vsel vm0, $0xFF800000, v3  }
0x20f: {  	(xrf0) =	vmax.scan.msk.f32 $0xffff, v3;
	_ =	sdelay $0x5  }
0x210: {  	v3, _, _ =	vpop (xrf0)  }
0x211: {  	s31 =	simm.s32 $0x10408;
	_ =	strace $0x8000004F  }
0x212: {  	v8 =	vld [tilespmem:s31+$0x387]  }
0x213: {  	v9 =	vld [tilespmem:s31+$0x306]  }
0x214: {  	v10 =	vld [tilespmem:s31+$0x285]  }
0x215: {  	v11 =	vld [tilespmem:s31+$0x204]  }
0x216: {  	v12 =	vld [tilespmem:s31+$0x183]  }
0x217: {  	v13 =	vld [tilespmem:s31+$0x102]  }
0x218: {  	v14 =	vld [tilespmem:s31+$0x81]  }
0x219: {  	v15 =	vld [tilespmem:s31+$0x0]  }
0x21a: {  	v16 =	vld [tilespmem:s31+$0xFFFFFF7F]  }
0x21b: {  	v17 =	vld [tilespmem:s31+$0xFFFFFEFE]  }
0x21c: {  	v18 =	vld [tilespmem:s31+$0xFFFFFE7D]  }
0x21d: {  	v20 =	vld [tilespmem:s31+$0xFFFFFD7B]  }
0x21e: {  	v21 =	vld [tilespmem:s31+$0xFFFFFCFA]  }
0x21f: {  	v22 =	vld [tilespmem:s31+$0xFFFFFC79]  }
0x220: {  	v23 =	vld [tilespmem:s31+$0xFFFFFBF8]  }
0x221: {  	v19 =	vld [tilespmem:s31+$0xFFFFFDFC];
	_ =	sdelay $0x2  }
0x222: {  	v10 =	vmax.f32 v11, v10;
	v8 =	vmax.f32 v9, v8;
	v9 =	vmax.f32 v17, v16  }
0x223: {  	v11 =	vmax.f32 v13, v12;
	v12 =	vmax.f32 v23, v22;
	v13 =	vmax.f32 v21, v20  }
0x224: {  	v8 =	vmax.f32 v10, v8;
	v10 =	vmax.f32 v15, v14;
	v14 =	vmax.f32 v19, v18  }
0x225: {  	v12 =	vmax.f32 v12, v13;
	v9 =	vmax.f32 v14, v9;
	v10 =	vmax.f32 v10, v11  }
0x226: {  	v3 =	vbroadcast v3, $0xF;
	v9 =	vmax.f32 v12, v9;
	v8 =	vmax.f32 v10, v8  }
0x227: {  	s19 =	simm.s32 $0x0;
	v8 =	vmax.f32 v9, v8  }
0x228: {  	vm1 =	vge.f32 v8, v3;
	v8 =	vor.u32 s19, v0  }
0x229: {  	s21 =	simm.s32 $0x10418;
	[tilespmem:s19+$0x10880] =	vst.msk vm1, v8;
	v23 =	vmpcnt.ones.xlane vm1  }
0x22a: {  	v8 =	vld [tilespmem:s21+$0x387]  }
0x22b: {  	v10 =	vld [tilespmem:s21+$0x306];
	(v2sf) =	vpush v23, $0x0  }
0x22c: {  	v12 =	vld [tilespmem:s21+$0x285]  }
0x22d: {  	v14 =	vld [tilespmem:s21+$0x204]  }
0x22e: {  	v9 =	vld [tilespmem:s21+$0x183]  }
0x22f: {  	v11 =	vld [tilespmem:s21+$0x102]  }
0x230: {  	v13 =	vld [tilespmem:s21+$0x81]  }
0x231: {  	v15 =	vld [tilespmem:s21+$0x0]  }
0x232: {  	v18 =	vld [tilespmem:s21+$0xFFFFFF7F]  }
0x233: {  	v19 =	vld [tilespmem:s21+$0xFFFFFEFE]  }
0x234: {  	v16 =	vld [tilespmem:s21+$0xFFFFFE7D]  }
0x235: {  	v17 =	vld [tilespmem:s21+$0xFFFFFDFC]  }
0x236: {  	v20 =	vld [tilespmem:s21+$0xFFFFFD7B]  }
0x237: {  	v21 =	vld [tilespmem:s21+$0xFFFFFCFA]  }
0x238: {  	v22 =	vld [tilespmem:s21+$0xFFFFFC79]  }
0x239: {  	s20 =	simm.s32 $0x10;
	s22 =	simm.s32 $0x20;
	v23 =	vld [tilespmem:s21+$0xFFFFFBF8]  }
.LBB2_13:
0x23a: {  	p2 =	sne.s32 s22, $0x70;
	s23 =	spop (v2sf)  }
0x23b: {  	v12 =	vmax.f32 v14, v12;
	v8 =	vmax.f32 v10, v8;
	s19 =	sadd.s32 s19, s23  }
0x23c: {  	v8 =	vmax.f32 v12, v8  }
0x23d: {  	v10 =	vmax.f32 v19, v18;
	v9 =	vmax.f32 v11, v9;
	v12 =	vmax.f32 v15, v13  }
0x23e: {  	v14 =	vmax.f32 v17, v16;
	v13 =	vmax.f32 v21, v20;
	v11 =	vmax.f32 v23, v22  }
0x23f: {  	v10 =	vmax.f32 v14, v10;
	v9 =	vmax.f32 v12, v9;
	v11 =	vmax.f32 v11, v13  }
0x240: {  	v8 =	vmax.f32 v9, v8;
	v10 =	vmax.f32 v11, v10  }
0x241: {  	v8 =	vmax.f32 v10, v8  }
0x242: {  	vm1 =	vge.f32 v8, v3;
	v8 =	vor.u32 s20, v0;
	s20 =	smov.u32 s22  }
0x243: {  	s21 =	sadd.s32 $0x10, s21;
	v9 =	vmpcnt.ones.xlane vm1;
	[tilespmem:s19+$0x10880] =	vst.msk vm1, v8  }
0x244: {  	v8 =	vld [tilespmem:s21+$0x387]  }
0x245: {  	v10 =	vld [tilespmem:s21+$0x306];
	(v2sf) =	vpush v9, $0x0  }
0x246: {  	v12 =	vld [tilespmem:s21+$0x285]  }
0x247: {  	v14 =	vld [tilespmem:s21+$0x204]  }
0x248: {  	v9 =	vld [tilespmem:s21+$0x183]  }
0x249: {  	v11 =	vld [tilespmem:s21+$0x102]  }
0x24a: {  	v13 =	vld [tilespmem:s21+$0x81]  }
0x24b: {  	v15 =	vld [tilespmem:s21+$0x0]  }
0x24c: {  	v18 =	vld [tilespmem:s21+$0xFFFFFF7F]  }
0x24d: {  	v19 =	vld [tilespmem:s21+$0xFFFFFEFE]  }
0x24e: {  	v16 =	vld [tilespmem:s21+$0xFFFFFE7D]  }
.Ltmp10:
0x24f: {  	v17 =	vld [tilespmem:s21+$0xFFFFFDFC];
	(pc) =	sbr.rel @p2 .LBB2_13-.Ltmp10, $4  }
0x250: {  	v20 =	vld [tilespmem:s21+$0xFFFFFD7B]  }
0x251: {  	v21 =	vld [tilespmem:s21+$0xFFFFFCFA]  }
0x252: {  	v22 =	vld [tilespmem:s21+$0xFFFFFC79]  }
0x253: {  	s22 =	sadd.s32 $0x10, s22;
	v23 =	vld [tilespmem:s21+$0xFFFFFBF8]  }
0x254: {  	(xrf1) =	vsort.dscd.msk.f32 $0xffff, v4, v4;
	_ =	sdelay $0xd  }
0x255: {  	v4, _, _ =	vpop (xrf1)  }
0x256: {  	v4 =	vmax.f32 v4, v7  }
0x257: {  	(xrf1) =	vsort.dscd.msk.f32 $0xffff, v4, v4;
	_ =	sdelay $0xd  }
0x258: {  	v4, _, _ =	vpop (xrf1)  }
0x259: {  	v4 =	vmax.f32 v4, v6  }
0x25a: {  	(xrf1) =	vsort.dscd.msk.f32 $0xffff, v4, v4  }
0x25b: {  	v57 =	vmax.f32 v10, v8;
	v58 =	vmax.f32 v19, v18;
	v59 =	vmax.f32 v15, v13  }
0x25c: {  	v60 =	vmax.f32 v11, v9;
	v62 =	vmax.f32 v21, v20;
	v61 =	vmax.f32 v23, v22  }
0x25d: {  	v63 =	vmax.f32 v17, v16;
	v9 =	vmax.f32 v61, v62;
	v4 =	vmax.f32 v14, v12  }
0x25e: {  	v7 =	vmax.f32 v59, v60;
	v6 =	vmax.f32 v63, v58;
	v4 =	vmax.f32 v4, v57  }
0x25f: {  	v6 =	vmax.f32 v9, v6;
	v4 =	vmax.f32 v7, v4  }
0x260: {  	v4 =	vmax.f32 v6, v4  }
0x261: {  	vm1 =	vge.f32 v4, v3  }
0x262: {  	v3 =	vmpcnt.ones.xlane vm1;
	_ =	sdelay $0x1  }
0x263: {  	(v2sf) =	vpush v3, $0x0;
	_ =	sdelay $0x3  }
0x264: {  	v3, _, _ =	vpop (xrf1)  }
0x265: {  	v3 =	vmax.f32 v3, v5  }
0x266: {  	(xrf1) =	vsort.dscd.msk.f32 $0xffff, v3, v3;
	_ =	sdelay $0x7  }
0x267: {  	s21 =	spop (v2sf)  }
0x268: {  	s19 =	sadd.s32 s19, s21;
	v3 =	vor.u32 s20, v0;
	s20 =	spop (v2sf)  }
0x269: {  	s21 =	sadd.s32 s19, s20  }
0x26a: {  	p2 =	slt.s32 s21, $0x1  }
.Ltmp11:
0x26b: {  	_ = 	snop;
	(pc) =	sbr.rel @p2 .LBB2_15-.Ltmp11, $4  }
0x26c: {  	_ = 	snop  }
0x26d: {  	[tilespmem:s19+$0x10880] =	vst.msk vm1, v3;
	v3, _, _ =	vpop (xrf1)  }
0x26e: {  	_ =	strace $0x9000004F  }
0x26f: {  	_ =	strace $0x80000050  }
0x270: {  	s21 =	simm.s32 $0x10880  }
0x271: {  	v4 =	vld [tilespmem:s21+$0x0];
	_ =	sdelay $0x4  }
0x272: {  	(v2sf) =	vpush v4, $0x0;
	_ =	sdelay $0xe  }
0x273: {  	s31 =	spop (v2sf)  }
0x274: {  	s21 =	sshll.u32 s31, $0xA  }
0x275: {  	s21 =	sshra.s32 s21, $0x2  }
0x276: {  	v4 =	vld [tilespmem:s21+$0x80D0]  }
0x277: {  	v7 =	vld [tilespmem:s21+$0x80F0]  }
0x278: {  	v6 =	vld [tilespmem:s21+$0x80C0]  }
0x279: {  	v5 =	vld [tilespmem:s21+$0x8060]  }
0x27a: {  	v9 =	vld [tilespmem:s21+$0x80E0]  }
0x27b: {  	v8 =	vld [tilespmem:s21+$0x8000]  }
0x27c: {  	v10 =	vld [tilespmem:s21+$0x8050]  }
0x27d: {  	v11 =	vld [tilespmem:s21+$0x8010]  }
0x27e: {  	v13 =	vld [tilespmem:s21+$0x8070]  }
0x27f: {  	v14 =	vld [tilespmem:s21+$0x8040]  }
0x280: {  	v15 =	vld [tilespmem:s21+$0x8020]  }
0x281: {  	v16 =	vld [tilespmem:s21+$0x8030]  }
0x282: {  	v12 =	vimm.f32 $-Inf;
	v17 =	vmin.f32 v9, v7;
	v18 =	vmin.f32 v6, v4  }
0x283: {  	v19 =	vmax.f32 v8, v11;
	v11 =	vmin.f32 v8, v11;
	v20 =	vmax.f32 v5, v13  }
0x284: {  	v13 =	vmin.f32 v5, v13;
	v21 =	vmin.f32 v14, v10;
	v10 =	vmax.f32 v14, v10  }
0x285: {  	v8 =	vmax.f32 v18, v17;
	v5 =	vmin.f32 v18, v17;
	v14 =	vmax.f32 v21, v13  }
0x286: {  	v13 =	vmin.f32 v21, v13;
	v17 =	vmax.f32 v15, v16;
	v15 =	vmin.f32 v15, v16  }
0x287: {  	v16 =	vmax.f32 v10, v20;
	v10 =	vmin.f32 v10, v20;
	v18 =	vmax.f32 v19, v17  }
0x288: {  	v17 =	vmin.f32 v19, v17;
	v19 =	vmax.f32 v11, v15;
	v11 =	vmin.f32 v11, v15  }
0x289: {  	v15 =	vmin.f32 v18, v16;
	v18 =	vmax.f32 v18, v16;
	v16 =	vmax.f32 v9, v7  }
0x28a: {  	s19 =	sadd.s32 s19, s20;
	v9 =	vmax.f32 v19, v17;
	v21 =	vmin.f32 v19, v17;
	v17 =	vmax.f32 v14, v10  }
0x28b: {  	p2 =	sne.s32 s19, $0x1;
	v22 =	vld [tilespmem:s21+$0x80B0];
	v10 =	vmin.f32 v14, v10;
	v14 =	vmin.f32 v11, v13;
	v11 =	vmax.f32 v11, v13  }
.Ltmp12:
0x28c: {  	v24 =	vld [tilespmem:s21+$0x8090];
	v7 =	vmax.f32 v12, v18;
	v20 =	vmax.f32 v9, v17;
	v9 =	vmin.f32 v9, v17;
	(pc) =	sbr.rel @!p2 .LBB2_18-.Ltmp12, $4  }
0x28d: {  	v26 =	vld [tilespmem:s21+$0x8080];
	v13 =	vmax.f32 v21, v10;
	v18 =	vmin.f32 v21, v10;
	v21 =	vimm.f32 $-Inf  }
0x28e: {  	v27 =	vld [tilespmem:s21+$0x80A0];
	v10 =	vimm.f32 $-Inf;
	v19 =	vmax.f32 v11, v9;
	v17 =	vmin.f32 v11, v9  }
0x28f: {  	v25 =	vmax.f32 v13, v15;
	v23 =	vmin.f32 v13, v15;
	v15 =	vimm.f32 $-Inf  }
0x290: {  	s20 =	simm.s32 $0x10881;
	s19 =	sadd.s32 $0xFFFFFFFF, s19;
	v9 =	vimm.f32 $-Inf;
	v13 =	vimm.f32 $-Inf;
	v11 =	vimm.f32 $-Inf  }
.LBB2_17:
0x291: {  	v28 =	vld [tilespmem:s20+$0x0];
	p2 =	sne.s32 s19, $0x1;
	s19 =	sadd.s32 $0xFFFFFFFF, s19;
	v29 =	vmax.f32 v20, v25;
	v30 =	vmax.f32 v19, v23;
	v31 =	vmax.f32 v17, v18  }
0x292: {  	v12 =	vmax.f32 v12, v30;
	v21 =	vmax.f32 v21, v29;
	v29 =	vmin.f32 v26, v24  }
0x293: {  	v24 =	vmax.f32 v26, v24;
	v26 =	vmax.f32 v27, v22;
	v22 =	vmin.f32 v27, v22  }
0x294: {  	v4 =	vmax.f32 v6, v4;
	v15 =	vmax.f32 v15, v31;
	v6 =	vmin.f32 v24, v26  }
0x295: {  	v20 =	vmin.f32 v20, v25;
	v27 =	vmin.f32 v4, v16;
	v25 =	vmax.f32 v29, v22  }
0x296: {  	v24 =	vmax.f32 v24, v26;
	(v2sf) =	vpush v28, $0x0;
	v28 =	vmin.f32 v15, v21  }
0x297: {  	v19 =	vmin.f32 v19, v23;
	v16 =	vmax.f32 v4, v16;
	v4 =	vmin.f32 v25, v6  }
0x298: {  	v23 =	vmax.f32 v8, v27;
	v8 =	vmin.f32 v8, v27;
	v6 =	vmax.f32 v25, v6  }
0x299: {  	v25 =	vmin.f32 v24, v16;
	v26 =	vmax.f32 v6, v23;
	v27 =	vmax.f32 v4, v8  }
0x29a: {  	v22 =	vmin.f32 v29, v22;
	v6 =	vmin.f32 v6, v23;
	v23 =	vmax.f32 v27, v25  }
0x29b: {  	v17 =	vmin.f32 v17, v18;
	v9 =	vmax.f32 v9, v14;
	v14 =	vmin.f32 v26, v23  }
0x29c: {  	v10 =	vmax.f32 v10, v17;
	v13 =	vmax.f32 v13, v19;
	v11 =	vmax.f32 v11, v20  }
0x29d: {  	v17 =	vmax.f32 v10, v11;
	v10 =	vmin.f32 v10, v11;
	v11 =	vmax.f32 v22, v5  }
0x29e: {  	v15 =	vmax.f32 v15, v21;
	v18 =	vmin.f32 v27, v25;
	v19 =	vmax.f32 v11, v6  }
0x29f: {  	v5 =	vmin.f32 v22, v5;
	v20 =	vmax.f32 v19, v18;
	v18 =	vmin.f32 v19, v18  }
0x2a0: {  	v4 =	vmin.f32 v4, v8;
	v6 =	vmin.f32 v11, v6;
	v19 =	vmin.f32 v9, v12  }
0x2a1: {  	v8 =	vmin.f32 v13, v7;
	v11 =	vmax.f32 v6, v4;
	v4 =	vmin.f32 v6, v4  }
0x2a2: {  	v21 =	vmax.f32 v10, v8;
	v8 =	vmin.f32 v10, v8;
	v10 =	vmax.f32 v26, v23  }
0x2a3: {  	v6 =	vmax.f32 v9, v12;
	v9 =	vmin.f32 v19, v28  }
0x2a4: {  	v7 =	vmax.f32 v13, v7;
	v12 =	vmin.f32 v6, v15;
	v13 =	vmin.f32 v9, v8  }
0x2a5: {  	v6 =	vmax.f32 v6, v15;
	v15 =	vmax.f32 v17, v7;
	v7 =	vmin.f32 v17, v7;
	s21 =	spop (v2sf)  }
0x2a6: {  	v17 =	vmax.f32 v19, v28;
	v19 =	vmax.f32 v6, v15;
	v6 =	vmin.f32 v6, v15;
	s21 =	sshll.u32 s21, $0xA  }
0x2a7: {  	v15 =	vmax.f32 v12, v7;
	v22 =	vmin.f32 v17, v21;
	v23 =	vmax.f32 v6, v4;
	s21 =	sshra.s32 s21, $0x2  }
0x2a8: {  	v6 =	vmin.f32 v12, v7;
	v7 =	vmax.f32 v24, v16;
	v12 =	vmax.f32 v22, v14;
	v4 =	vld [tilespmem:s21+$0x80D0]  }
0x2a9: {  	v11 =	vmax.f32 v15, v11;
	v15 =	vmax.f32 v6, v18;
	v7 =	vmax.f32 v13, v7;
	v14 =	vld [tilespmem:s21+$0x80F0]  }
0x2aa: {  	v8 =	vmax.f32 v9, v8;
	v9 =	vmax.f32 v15, v7;
	v7 =	vmin.f32 v15, v7;
	v6 =	vld [tilespmem:s21+$0x80C0]  }
0x2ab: {  	v5 =	vmax.f32 v19, v5;
	v8 =	vmax.f32 v8, v10;
	v15 =	vmax.f32 v17, v21;
	v13 =	vld [tilespmem:s21+$0x8060]  }
0x2ac: {  	v17 =	vmin.f32 v11, v8;
	v16 =	vld [tilespmem:s21+$0x80E0]  }
0x2ad: {  	v8 =	vmax.f32 v11, v8;
	v10 =	vmax.f32 v15, v20;
	v15 =	vmax.f32 v23, v12;
	v18 =	vld [tilespmem:s21+$0x8000]  }
0x2ae: {  	v11 =	vmax.f32 v5, v10;
	v5 =	vmin.f32 v5, v10;
	v10 =	vmax.f32 v15, v9;
	v19 =	vld [tilespmem:s21+$0x8050]  }
0x2af: {  	v24 =	vmin.f32 v15, v9;
	v21 =	vmax.f32 v11, v8;
	v22 =	vmin.f32 v11, v8;
	v20 =	vld [tilespmem:s21+$0x8010]  }
0x2b0: {  	v9 =	vmax.f32 v21, v10;
	v10 =	vmin.f32 v21, v10;
	v15 =	vmax.f32 v22, v24;
	v25 =	vld [tilespmem:s21+$0x8070]  }
0x2b1: {  	v8 =	vmin.f32 v23, v12;
	v11 =	vmax.f32 v5, v17;
	v17 =	vmin.f32 v5, v17;
	v21 =	vld [tilespmem:s21+$0x8040]  }
0x2b2: {  	v26 =	vmax.f32 v8, v7;
	v7 =	vmin.f32 v8, v7;
	v5 =	vmin.f32 v16, v14;
	v23 =	vld [tilespmem:s21+$0x8020]  }
0x2b3: {  	v12 =	vmax.f32 v11, v26;
	v11 =	vmin.f32 v11, v26;
	v28 =	vmin.f32 v6, v4;
	v27 =	vld [tilespmem:s21+$0x8030]  }
0x2b4: {  	v8 =	vmax.f32 v28, v5;
	v26 =	vmax.f32 v18, v20;
	v18 =	vmin.f32 v18, v20  }
0x2b5: {  	v5 =	vmin.f32 v28, v5;
	v20 =	vmax.f32 v13, v25;
	v13 =	vmin.f32 v13, v25  }
0x2b6: {  	v25 =	vmax.f32 v21, v19;
	v19 =	vmin.f32 v21, v19;
	v21 =	vmax.f32 v17, v7  }
0x2b7: {  	v7 =	vmin.f32 v17, v7;
	v28 =	vmax.f32 v19, v13;
	v19 =	vmin.f32 v19, v13  }
0x2b8: {  	v13 =	vmax.f32 v23, v27;
	v17 =	vmin.f32 v23, v27;
	v23 =	vmax.f32 v25, v20  }
0x2b9: {  	v27 =	vmax.f32 v26, v13;
	v26 =	vmin.f32 v26, v13;
	v13 =	vmin.f32 v22, v24  }
0x2ba: {  	v24 =	vmax.f32 v18, v17;
	v17 =	vmin.f32 v18, v17;
	v29 =	vmin.f32 v27, v23  }
0x2bb: {  	v16 =	vmax.f32 v16, v14;
	v18 =	vmin.f32 v25, v20;
	v20 =	vmax.f32 v27, v23;
	v22 =	vld [tilespmem:s21+$0x80B0]  }
.Ltmp13:
0x2bc: {  	v23 =	vmax.f32 v24, v26;
	v25 =	vmin.f32 v24, v26;
	v7 =	vmax.f32 v7, v20;
	v24 =	vld [tilespmem:s21+$0x8090];
	(pc) =	sbr.rel @p2 .LBB2_17-.Ltmp13, $4  }
0x2bd: {  	v27 =	vmax.f32 v28, v18;
	v18 =	vmin.f32 v28, v18;
	v14 =	vmin.f32 v17, v19;
	v26 =	vld [tilespmem:s21+$0x8080]  }
0x2be: {  	v17 =	vmax.f32 v17, v19;
	v20 =	vmax.f32 v23, v27;
	v23 =	vmin.f32 v23, v27;
	v27 =	vld [tilespmem:s21+$0x80A0]  }
0x2bf: {  	v28 =	vmax.f32 v25, v18;
	v19 =	vmax.f32 v17, v23;
	v17 =	vmin.f32 v17, v23  }
0x2c0: {  	s20 =	sadd.s32 $0x1, s20;
	v18 =	vmin.f32 v25, v18;
	v25 =	vmax.f32 v28, v29;
	v23 =	vmin.f32 v28, v29  }
.LBB2_18:
0x2c1: {  	v28 =	vmax.f32 v20, v25;
	v29 =	vmax.f32 v19, v23;
	v30 =	vmax.f32 v17, v18  }
0x2c2: {  	v4 =	vmax.f32 v6, v4;
	v34 =	vmin.f32 v20, v25;
	v38 =	vmin.f32 v19, v23  }
0x2c3: {  	v44 =	vmin.f32 v17, v18;
	v9 =	vmax.f32 v9, v14;
	v12 =	vmax.f32 v12, v29  }
0x2c4: {  	v21 =	vmax.f32 v21, v28;
	v62 =	vmin.f32 v26, v24;
	v63 =	vmax.f32 v26, v24  }
0x2c5: {  	v15 =	vmax.f32 v15, v30;
	v36 =	vmin.f32 v4, v16;
	v4 =	vmax.f32 v4, v16  }
0x2c6: {  	v10 =	vmax.f32 v10, v44;
	v11 =	vmax.f32 v11, v34;
	v13 =	vmax.f32 v13, v38  }
0x2c7: {  	v32 =	vmax.f32 v27, v22;
	v33 =	vmin.f32 v27, v22;
	v37 =	vmin.f32 v15, v21  }
0x2c8: {  	v40 =	vmax.f32 v8, v36;
	v8 =	vmin.f32 v8, v36;
	v17 =	vmax.f32 v10, v11  }
0x2c9: {  	v10 =	vmin.f32 v10, v11;
	v15 =	vmax.f32 v15, v21;
	v49 =	vmin.f32 v9, v12  }
0x2ca: {  	v9 =	vmax.f32 v9, v12;
	v6 =	vmin.f32 v63, v32;
	v35 =	vmax.f32 v62, v33  }
0x2cb: {  	v24 =	vmax.f32 v63, v32;
	v22 =	vmin.f32 v62, v33;
	v50 =	vmin.f32 v49, v37  }
0x2cc: {  	v51 =	vmin.f32 v9, v15;
	v9 =	vmax.f32 v9, v15;
	v54 =	vmax.f32 v49, v37  }
0x2cd: {  	v39 =	vmin.f32 v35, v6;
	v6 =	vmax.f32 v35, v6;
	v41 =	vmin.f32 v24, v4  }
0x2ce: {  	v11 =	vmax.f32 v22, v5;
	v5 =	vmin.f32 v22, v5;
	v4 =	vmax.f32 v24, v4  }
0x2cf: {  	v42 =	vmax.f32 v6, v40;
	v27 =	vmax.f32 v39, v8;
	v6 =	vmin.f32 v6, v40  }
0x2d0: {  	v8 =	vmin.f32 v39, v8;
	v43 =	vmax.f32 v27, v41;
	v46 =	vmin.f32 v27, v41  }
0x2d1: {  	v47 =	vmax.f32 v11, v6;
	v6 =	vmin.f32 v11, v6;
	v11 =	vmin.f32 v13, v7  }
0x2d2: {  	v7 =	vmax.f32 v13, v7;
	v45 =	vmin.f32 v42, v43;
	v48 =	vmax.f32 v47, v46  }
0x2d3: {  	v18 =	vmin.f32 v47, v46;
	v16 =	vmax.f32 v6, v8;
	v6 =	vmin.f32 v6, v8  }
0x2d4: {  	v8 =	vmax.f32 v10, v11;
	v10 =	vmin.f32 v10, v11;
	v11 =	vmax.f32 v42, v43  }
0x2d5: {  	v53 =	vmax.f32 v17, v7;
	v7 =	vmin.f32 v17, v7;
	v52 =	vmin.f32 v50, v10  }
0x2d6: {  	v55 =	vmax.f32 v9, v53;
	v9 =	vmin.f32 v9, v53;
	v56 =	vmax.f32 v51, v7  }
0x2d7: {  	v57 =	vmin.f32 v54, v8;
	v10 =	vmax.f32 v50, v10;
	v9 =	vmax.f32 v9, v6  }
0x2d8: {  	v6 =	vmin.f32 v51, v7;
	v7 =	vmax.f32 v57, v45;
	v4 =	vmax.f32 v52, v4  }
0x2d9: {  	v58 =	vmax.f32 v56, v16;
	v5 =	vmax.f32 v55, v5;
	v6 =	vmax.f32 v6, v18  }
0x2da: {  	v59 =	vmax.f32 v6, v4;
	v60 =	vmin.f32 v6, v4;
	v4 =	vmax.f32 v54, v8  }
0x2db: {  	v6 =	vmax.f32 v10, v11;
	v10 =	vmax.f32 v9, v7;
	v7 =	vmin.f32 v9, v7  }
0x2dc: {  	v8 =	vmin.f32 v58, v6;
	v4 =	vmax.f32 v4, v48;
	v6 =	vmax.f32 v58, v6  }
0x2dd: {  	v12 =	vmin.f32 v10, v59;
	v63 =	vmin.f32 v7, v60;
	v11 =	vmax.f32 v5, v4  }
.Ltmp14:
0x2de: {  	v61 =	vmin.f32 v5, v4;
	v5 =	vmax.f32 v10, v59;
	v62 =	vmax.f32 v11, v6;
	(pc) =	sbr.rel .LBB2_19-.Ltmp14, $4  }
0x2df: {  	v11 =	vmin.f32 v11, v6;
	v9 =	vmax.f32 v61, v8;
	v10 =	vmin.f32 v61, v8  }
0x2e0: {  	v8 =	vmax.f32 v7, v60;
	v4 =	vmax.f32 v62, v5;
	v5 =	vmin.f32 v62, v5  }
0x2e1: {  	v6 =	vmax.f32 v11, v12;
	v7 =	vmax.f32 v9, v8;
	v8 =	vmin.f32 v9, v8  }
0x2e2: {  	v9 =	vmax.f32 v10, v63;
	v10 =	vmin.f32 v10, v63;
	v11 =	vmin.f32 v11, v12  }
.LBB2_21:
0x2e3: {  	_ =	sfence.sel $0x180000  }
0x2e4: {  	[bflag:$0x0] =	sbarrier.arrive $0xFFFF  }
0x2e5: {  	p0 =	sne.s32 s2, $0x0;
	_ =	strace $0x90000047  }
0x2e6: {  	s0 =	sadd.s32 @!p0 $0x100000, s0;
	[bflag:$0x2] =	sbarrier.arrive $0xFFFF  }
0x2e7: {  	[sflag:s0] =	ssyncadd.tile.s32 @!p0 $0x1;
	_ =	shalt  }
.Lfunc_end2:
_tile_overlayer_lowered:
.L_overlay_start_2:
0x2e8: {  	(tag) =	ssettag $0x2  }
0x2e9: {  	s0 =	rddreg [dreg:$0x0];
	s2 =	stileid.u32  }
0x2ea: {  	s1 =	rddreg [dreg:$0x1];
	p0 =	sne.s32 s2, $0x0  }
0x2eb: {  	s3 =	rddreg [dreg:$0x2];
	[bflag:$0x3] =	sbarrier.arrive $0xFFFF;
	s2 =	simm.s32 @!p0 $0x1C03  }
0x2ec: {  	[timem:s3], [sflag:s2] =	dma.local @!p0 [hbm:s0], s1  }
0x2ed: {  	s0 =	simm.s32 @!p0 $0x3  }
0x2ee: {  	_ =	swait.ge @!p0 [sflag:s0], s1  }
0x2ef: {  	s1 =	ssub.s32 @!p0 $0x0, s1;
	[sflag:s0] =	ssyncset.done @!p0 $0x0  }
0x2f0: {  	[sflag:s0] =	ssyncadd.s32 @!p0 s1  }
0x2f1: {  	[bflag:$0x3] =	sbarrier.arrive $0xFFFF  }
0x2f2: {  	_ =	shalt  }

</sc_bundles>
